<compile_context>
chip_gen: v7x
topology: tpu7x:2x2x1
jax: 0.10.2.dev20260603
libtpu: 0.0.44.dev20260713+nightly
codegen_flags: <defaults>
</compile_context>

<pallas_src>
import functools

import jax
import jax.numpy as jnp
from jax import lax
from jax.experimental import pallas as pl
from jax.experimental.pallas import tpu as pltpu
from jax.experimental.pallas import tpu_sc as plsc

N_NODES = 10000
N_EDGES = 320000
D_FEAT = 128
D_EDGE = 16
D_OUT = 128

NUM_CORES = 2
NUM_TILES = 16
NUM_WORKERS = NUM_CORES * NUM_TILES
EDGES_PER_TILE = N_EDGES // NUM_WORKERS
BATCH = 80
BATCHES_PER_TILE = EDGES_PER_TILE // BATCH
ACC_ROWS = 10240
ROWS_PER_TILE = ACC_ROWS // NUM_TILES
N_X_CHUNKS = ROWS_PER_TILE // BATCH
E_ROWS = ACC_ROWS // 8
E_ROWS_PER_TILE = E_ROWS // NUM_TILES
N_IO_CHUNKS = N_X_CHUNKS + 1

_mesh = plsc.VectorSubcoreMesh(core_axis_name="c", subcore_axis_name="s")


@functools.partial(
    pl.kernel,
    out_type=(
        jax.ShapeDtypeStruct((NUM_CORES, ACC_ROWS, D_FEAT), jnp.float32),
        jax.ShapeDtypeStruct((NUM_CORES, E_ROWS, D_FEAT), jnp.float32),
    ),
    mesh=_mesh,
    scratch_types=[
        pltpu.VMEM((3, BATCH), jnp.int32),
        pltpu.VMEM((3, BATCH), jnp.int32),
        pltpu.VMEM((BATCH, D_FEAT), jnp.float32),
        pltpu.VMEM((BATCH, D_FEAT), jnp.float32),
        pltpu.VMEM((BATCH, D_FEAT), jnp.float32),
        pltpu.VMEM_SHARED((ACC_ROWS, D_FEAT), jnp.float32),
        pltpu.VMEM_SHARED((E_ROWS, D_FEAT), jnp.float32),
        pltpu.SemaphoreType.DMA,
        pltpu.SemaphoreType.DMA,
        pltpu.SemaphoreType.DMA,
    ],
)
def _sc_accumulate(node_hbm, idx_hbm, es_hbm, iota_hbm, iotae_hbm, zx_hbm,
                   px_hbm, pe_hbm, ibA, ibB, rowsA, rowsB, esb,
                   accx, acce, semA, semB, esem):
    c = lax.axis_index("c")
    s = lax.axis_index("s")
    wid = c * NUM_TILES + s

    pltpu.sync_copy(zx_hbm, rowsA)
    for k in range(N_X_CHUNKS):
        pltpu.sync_copy(iota_hbm.at[s, k], ibA.at[0])
        pltpu.sync_copy(rowsA, accx.at[ibA.at[0]])
    pltpu.sync_copy(iotae_hbm.at[s, 0], ibA.at[0])
    pltpu.sync_copy(rowsA, acce.at[ibA.at[0]])

    plsc.subcore_barrier()

    ebase = wid * EDGES_PER_TILE

    def es_off(j):
        return pl.multiple_of(ebase + j * BATCH, 16)

    def es_issue(j):
        pltpu.async_copy(es_hbm.at[pl.ds(es_off(j), BATCH), :], esb, esem)

    def prefetch(j, ib, rows, sem):
        pltpu.sync_copy(idx_hbm.at[wid, j], ib)
        pltpu.async_copy(node_hbm.at[ib.at[0]], rows, sem)

    def finish(j, ib, rows, sem):
        pltpu.make_async_copy(node_hbm.at[ib.at[0]], rows, sem).wait()
        pltpu.sync_copy(rows, accx.at[ib.at[1]], add=True)
        pltpu.make_async_copy(es_hbm.at[pl.ds(es_off(j), BATCH), :],
                              esb, esem).wait()
        pltpu.sync_copy(esb, acce.at[ib.at[2]], add=True)
        es_issue(lax.min(j + 1, BATCHES_PER_TILE - 1))

    es_issue(0)
    prefetch(0, ibA, rowsA, semA)

    def pair_body(t, carry):
        jA = 2 * t
        prefetch(jA + 1, ibB, rowsB, semB)
        finish(jA, ibA, rowsA, semA)
        prefetch(jA + 2, ibA, rowsA, semA)
        finish(jA + 1, ibB, rowsB, semB)
        return carry

    lax.fori_loop(0, (BATCHES_PER_TILE - 1) // 2, pair_body, 0)
    finish(BATCHES_PER_TILE - 1, ibA, rowsA, semA)
    pltpu.make_async_copy(
        es_hbm.at[pl.ds(es_off(BATCHES_PER_TILE - 1), BATCH), :],
        esb, esem).wait()

    plsc.subcore_barrier()

    r0 = s * ROWS_PER_TILE
    for k in range(N_X_CHUNKS):
        pltpu.sync_copy(iota_hbm.at[s, k], ibA.at[0])
        pltpu.async_copy(accx.at[ibA.at[0]], rowsA, semA).wait()
        pltpu.sync_copy(rowsA, px_hbm.at[c, pl.ds(r0 + k * BATCH, BATCH), :])
    pltpu.sync_copy(iotae_hbm.at[s, 0], ibA.at[0])
    pltpu.async_copy(acce.at[ibA.at[0]], rowsA, semA).wait()
    pltpu.sync_copy(rowsA,
                    pe_hbm.at[c, pl.ds(s * E_ROWS_PER_TILE, E_ROWS_PER_TILE), :])


_ROW_BLK = 1000


def _mm_body(p_ref, f_ref, w1_ref, w2_ref, o_ref):
    p = p_ref[0] + p_ref[1]
    f = f_ref[0] + f_ref[1]
    o_ref[...] = (
        jnp.dot(p, w1_ref[...], preferred_element_type=jnp.float32)
        + jnp.dot(f, w2_ref[...], preferred_element_type=jnp.float32)
    )


def _tc_combine(P, F, W1T, W2T):
    return pl.pallas_call(
        _mm_body,
        grid=(N_NODES // _ROW_BLK,),
        in_specs=[
            pl.BlockSpec((NUM_CORES, _ROW_BLK, D_FEAT), lambda i: (0, i, 0)),
            pl.BlockSpec((NUM_CORES, _ROW_BLK, D_EDGE), lambda i: (0, i, 0)),
            pl.BlockSpec((D_FEAT, D_OUT), lambda i: (0, 0)),
            pl.BlockSpec((D_EDGE, D_OUT), lambda i: (0, 0)),
        ],
        out_specs=pl.BlockSpec((_ROW_BLK, D_OUT), lambda i: (i, 0)),
        out_shape=jax.ShapeDtypeStruct((N_NODES, D_OUT), jnp.float32),
    )(P, F, W1T, W2T)


def kernel(node_feature, edge_index, edge_feature, W):
    src = edge_index[0].astype(jnp.int32)
    dst = edge_index[1].astype(jnp.int32)
    idx = jnp.stack([src, dst, dst // 8])
    idx = idx.reshape(3, NUM_WORKERS, BATCHES_PER_TILE, BATCH)
    idx = idx.transpose(1, 2, 0, 3)
    slot_oh = (dst % 8)[:, None] == jnp.arange(8, dtype=jnp.int32)[None, :]
    es = (slot_oh.astype(jnp.float32)[:, :, None]
          * edge_feature[:, None, :]).reshape(N_EDGES, D_FEAT)
    iota_x = jnp.arange(ACC_ROWS, dtype=jnp.int32).reshape(
        NUM_TILES, N_X_CHUNKS, BATCH)
    iota_e = jnp.arange(E_ROWS, dtype=jnp.int32).reshape(
        NUM_TILES, 1, E_ROWS_PER_TILE)
    zx = jnp.zeros((BATCH, D_FEAT), jnp.float32)
    P, Pe = _sc_accumulate(node_feature, idx, es, iota_x, iota_e, zx)
    F = Pe.reshape(NUM_CORES, ACC_ROWS, D_EDGE)[:, :N_NODES]
    P = P[:, :N_NODES]
    W1T = W[:, :D_FEAT].T
    W2T = W[:, D_FEAT:].T
    return _tc_combine(P, F, W1T, W2T)

# --- scband reference (transcript-rebuilt; emitter-appended) ---
"""Pipeline reference for scband-general-edge-conv-61924838473844 (READ-ONLY COPY).

The authoritative reference and input builder live on the scoring server;
editing this copy changes nothing except your own understanding.
"""

import jax, jax.numpy as jnp
import numpy as np

N_NODES = 10000
N_EDGES = 320000
D_FEAT = 128
D_EDGE = 16
D_OUT = 128


def setup_inputs(seed: int = 0) -> dict:
    key = jax.random.key(seed)
    k1, k2, k3, k4 = jax.random.split(key, 4)
    node_feature = jax.random.normal(k1, (N_NODES, D_FEAT), dtype=jnp.float32)
    edge_index = jax.random.randint(k2, (2, N_EDGES), 0, N_NODES, dtype=jnp.int64)
    edge_feature = jax.random.normal(k3, (N_EDGES, D_EDGE), dtype=jnp.float32)
    # linear_msg weight: Linear(dim_in + d_edge, dim_out, bias=False)
    fan_in = D_FEAT + D_EDGE
    bound = 1.0 / np.sqrt(fan_in)
    W = jax.random.uniform(k4, (D_OUT, fan_in), dtype=jnp.float32, minval=-bound, maxval=bound)
    return {"node_feature": node_feature, "edge_index": edge_index, "edge_feature": edge_feature, "W": W}


def reference(node_feature, edge_index, edge_feature, W):
    # GeneralEdgeConvLayer (GraphGym), msg_direction='single', aggr='add':
    #   message: linear_msg(cat([x_j, edge_feature], -1))
    #   aggregate: scatter-add messages to destination nodes
    src = edge_index[0]
    dst = edge_index[1]
    x_j = jnp.take(node_feature, src, axis=0)            # gather [E, d_feat]
    msg_in = jnp.concatenate([x_j, edge_feature], axis=-1)  # [E, d_feat + d_edge]
    msg = msg_in @ W.T                                    # [E, d_out]
    out = jax.ops.segment_sum(msg, dst, num_segments=node_feature.shape[0])  # scatter-add
    return out

if __name__ == "__main__":
    import jax
    _d = setup_inputs()
    print(jax.jit(kernel)(*tuple(_d.values())))

</pallas_src>

<mosaic_0001>
#map = affine_map<(d0, d1) -> (0, 0)>
#map1 = affine_map<(d0, d1) -> (0, 0, 0, 0)>
#map2 = affine_map<(d0, d1) -> (0, 0, 0)>
module attributes {stable_mosaic.version = 14 : i64} {
  func.func @_sc_accumulate(%arg0: i32, %arg1: i32, %arg2: memref<10000x128xf32, #tpu.memory_space<hbm>>, %arg3: memref<32x125x3x80xi32, #tpu.memory_space<hbm>>, %arg4: memref<320000x128xf32, #tpu.memory_space<hbm>>, %arg5: memref<16x8x80xi32, #tpu.memory_space<hbm>>, %arg6: memref<16x1x80xi32, #tpu.memory_space<hbm>>, %arg7: memref<80x128xf32, #tpu.memory_space<hbm>>, %arg8: memref<2x10240x128xf32, #tpu.memory_space<hbm>>, %arg9: memref<2x1280x128xf32, #tpu.memory_space<hbm>>, %arg10: memref<3x80xi32, #tpu.memory_space<vmem>>, %arg11: memref<3x80xi32, #tpu.memory_space<vmem>>, %arg12: memref<80x128xf32, #tpu.memory_space<vmem>>, %arg13: memref<80x128xf32, #tpu.memory_space<vmem>>, %arg14: memref<80x128xf32, #tpu.memory_space<vmem>>, %arg15: memref<10240x128xf32, #tpu.memory_space<vmem_shared>>, %arg16: memref<1280x128xf32, #tpu.memory_space<vmem_shared>>, %arg17: memref<!tpu.dma_semaphore, #tpu.memory_space<semaphore_mem>>, %arg18: memref<!tpu.dma_semaphore, #tpu.memory_space<semaphore_mem>>, %arg19: memref<!tpu.dma_semaphore, #tpu.memory_space<semaphore_mem>>) attributes {dimension_semantics = [#tpu.dimension_semantics<core_parallel>, #tpu.dimension_semantics<subcore_parallel>], iteration_bounds = array<i64: 2, 16>, scalar_prefetch = 0 : i64, scratch_operands = 10 : i64, tpu.core_type = #tpu.core_type<sc_vector_subcore>, window_params = [{transform_indices = #map}, {transform_indices = #map1}, {transform_indices = #map}, {transform_indices = #map2}, {transform_indices = #map2}, {transform_indices = #map}, {transform_indices = #map2}, {transform_indices = #map2}]} {
    %mul3A = arith.constant 16 : i32
    %mul3A_0 = arith.muli %arg0, %mul3A : i32
    %add3A = arith.addi %mul3A_0, %arg1 : i32
    "tpu.region"() ({
      %run_scoped3A_244 = tpu.sem_alloc : memref<!tpu.dma_semaphore, #tpu.memory_space<semaphore_mem>>
      tpu.enqueue_dma source(%arg7 : memref<80x128xf32, #tpu.memory_space<hbm>>) target(%arg12 : memref<80x128xf32, #tpu.memory_space<vmem>>) target_semaphore(%run_scoped3A_244 : memref<!tpu.dma_semaphore, #tpu.memory_space<semaphore_mem>>)
      tpu.wait_dma2 semaphore(%run_scoped3A_244 : memref<!tpu.dma_semaphore, #tpu.memory_space<semaphore_mem>>) src(%arg7 : memref<80x128xf32, #tpu.memory_space<hbm>>) dst(%arg12 : memref<80x128xf32, #tpu.memory_space<vmem>>)
      tpu.yield
    }) : () -> ()
    %run_scoped3A = arith.constant 0 : i32
    %run_scoped3A_1 = arith.constant 0 : i32
    "tpu.region"() ({
      %run_scoped3A_244 = tpu.sem_alloc : memref<!tpu.dma_semaphore, #tpu.memory_space<semaphore_mem>>
      %dma_start3A_245 = arith.constant 0 : i32
      %dma_start3A_246 = tpu.memref_slice %arg10[%run_scoped3A_1, %dma_start3A_245] : memref<3x80xi32, #tpu.memory_space<vmem>> -> memref<1x80xi32, #tpu.memory_space<vmem>>
      %dma_start3A_247 = tpu.memref_squeeze %dma_start3A_246 : memref<1x80xi32, #tpu.memory_space<vmem>> -> memref<80xi32, #tpu.memory_space<vmem>>
      %dma_start3A_248 = arith.constant 0 : i32
      %dma_start3A_249 = tpu.memref_slice %arg5[%arg1, %run_scoped3A, %dma_start3A_248] : memref<16x8x80xi32, #tpu.memory_space<hbm>> -> memref<1x1x80xi32, #tpu.memory_space<hbm>>
      %dma_start3A_250 = tpu.memref_squeeze %dma_start3A_249 : memref<1x1x80xi32, #tpu.memory_space<hbm>> -> memref<80xi32, #tpu.memory_space<hbm>>
      %dma_start3A_251 = arith.constant 0 : i32
      %dma_start3A_252 = tpu.memref_slice %arg10[%run_scoped3A_1, %dma_start3A_251] : memref<3x80xi32, #tpu.memory_space<vmem>> -> memref<1x80xi32, #tpu.memory_space<vmem>>
      %dma_start3A_253 = tpu.memref_squeeze %dma_start3A_252 : memref<1x80xi32, #tpu.memory_space<vmem>> -> memref<80xi32, #tpu.memory_space<vmem>>
      %dma_start3A_254 = arith.constant 0 : i32
      %dma_start3A_255 = tpu.memref_slice %arg5[%arg1, %run_scoped3A, %dma_start3A_254] : memref<16x8x80xi32, #tpu.memory_space<hbm>> -> memref<1x1x80xi32, #tpu.memory_space<hbm>>
      %dma_start3A_256 = tpu.memref_squeeze %dma_start3A_255 : memref<1x1x80xi32, #tpu.memory_space<hbm>> -> memref<80xi32, #tpu.memory_space<hbm>>
      tpu.enqueue_dma source(%dma_start3A_256 : memref<80xi32, #tpu.memory_space<hbm>>) target(%dma_start3A_253 : memref<80xi32, #tpu.memory_space<vmem>>) target_semaphore(%run_scoped3A_244 : memref<!tpu.dma_semaphore, #tpu.memory_space<semaphore_mem>>)
      %dma_wait3A_257 = arith.constant 0 : i32
      %dma_wait3A_258 = tpu.memref_slice %arg10[%run_scoped3A_1, %dma_wait3A_257] : memref<3x80xi32, #tpu.memory_space<vmem>> -> memref<1x80xi32, #tpu.memory_space<vmem>>
      %dma_wait3A_259 = tpu.memref_squeeze %dma_wait3A_258 : memref<1x80xi32, #tpu.memory_space<vmem>> -> memref<80xi32, #tpu.memory_space<vmem>>
      %dma_wait3A_260 = arith.constant 0 : i32
      %dma_wait3A_261 = tpu.memref_slice %arg5[%arg1, %run_scoped3A, %dma_wait3A_260] : memref<16x8x80xi32, #tpu.memory_space<hbm>> -> memref<1x1x80xi32, #tpu.memory_space<hbm>>
      %dma_wait3A_262 = tpu.memref_squeeze %dma_wait3A_261 : memref<1x1x80xi32, #tpu.memory_space<hbm>> -> memref<80xi32, #tpu.memory_space<hbm>>
      %dma_wait3A_263 = arith.constant 0 : i32
      %dma_wait3A_264 = tpu.memref_slice %arg10[%run_scoped3A_1, %dma_wait3A_263] : memref<3x80xi32, #tpu.memory_space<vmem>> -> memref<1x80xi32, #tpu.memory_space<vmem>>
      %dma_wait3A_265 = tpu.memref_squeeze %dma_wait3A_264 : memref<1x80xi32, #tpu.memory_space<vmem>> -> memref<80xi32, #tpu.memory_space<vmem>>
      %dma_wait3A_266 = arith.constant 0 : i32
      %dma_wait3A_267 = tpu.memref_slice %arg5[%arg1, %run_scoped3A, %dma_wait3A_266] : memref<16x8x80xi32, #tpu.memory_space<hbm>> -> memref<1x1x80xi32, #tpu.memory_space<hbm>>
      %dma_wait3A_268 = tpu.memref_squeeze %dma_wait3A_267 : memref<1x1x80xi32, #tpu.memory_space<hbm>> -> memref<80xi32, #tpu.memory_space<hbm>>
      tpu.wait_dma2 semaphore(%run_scoped3A_244 : memref<!tpu.dma_semaphore, #tpu.memory_space<semaphore_mem>>) src(%dma_wait3A_268 : memref<80xi32, #tpu.memory_space<hbm>>) dst(%dma_wait3A_265 : memref<80xi32, #tpu.memory_space<vmem>>)
      tpu.yield
    }) : () -> ()
    %run_scoped3A_2 = arith.constant 0 : i32
    "tpu.region"() ({
      %run_scoped3A_244 = tpu.sem_alloc : memref<!tpu.dma_semaphore, #tpu.memory_space<semaphore_mem>>
      %dma_start3A_245 = arith.constant 0 : i32
      %dma_start3A_246 = tpu.memref_slice %arg10[%run_scoped3A_2, %dma_start3A_245] : memref<3x80xi32, #tpu.memory_space<vmem>> -> memref<1x80xi32, #tpu.memory_space<vmem>>
      %dma_start3A_247 = tpu.memref_squeeze %dma_start3A_246 : memref<1x80xi32, #tpu.memory_space<vmem>> -> memref<80xi32, #tpu.memory_space<vmem>>
      %dma_start3A_248 = arith.constant 0 : i32
      %dma_start3A_249 = arith.constant 0 : i32
      %dma_start3A_250 = tpu.memref_slice %arg15[%dma_start3A_248, %dma_start3A_249] : memref<10240x128xf32, #tpu.memory_space<vmem_shared>> -> memref<10240x128xf32, #tpu.memory_space<vmem_shared>>
      tpu.enqueue_indirect_dma source(%arg12 : memref<80x128xf32, #tpu.memory_space<vmem>>) target(%dma_start3A_250 : memref<10240x128xf32, #tpu.memory_space<vmem_shared>>) offsets(%dma_start3A_247 : memref<80xi32, #tpu.memory_space<vmem>>) semaphore(%run_scoped3A_244 : memref<!tpu.dma_semaphore, #tpu.memory_space<semaphore_mem>>)
      %dma_wait3A_251 = arith.constant 0 : i32
      %dma_wait3A_252 = tpu.memref_slice %arg10[%run_scoped3A_2, %dma_wait3A_251] : memref<3x80xi32, #tpu.memory_space<vmem>> -> memref<1x80xi32, #tpu.memory_space<vmem>>
      %dma_wait3A_253 = tpu.memref_squeeze %dma_wait3A_252 : memref<1x80xi32, #tpu.memory_space<vmem>> -> memref<80xi32, #tpu.memory_space<vmem>>
      %dma_wait3A_254 = arith.constant 0 : i32
      %dma_wait3A_255 = arith.constant 0 : i32
      %dma_wait3A_256 = tpu.memref_slice %arg15[%dma_wait3A_254, %dma_wait3A_255] : memref<10240x128xf32, #tpu.memory_space<vmem_shared>> -> memref<10240x128xf32, #tpu.memory_space<vmem_shared>>
      tpu.wait_indirect_dma semaphore(%run_scoped3A_244 : memref<!tpu.dma_semaphore, #tpu.memory_space<semaphore_mem>>) src(%arg12 : memref<80x128xf32, #tpu.memory_space<vmem>>) dst(%dma_wait3A_256 : memref<10240x128xf32, #tpu.memory_space<vmem_shared>>)
      tpu.yield
    }) : () -> ()
    %run_scoped3A_3 = arith.constant 1 : i32
    %run_scoped3A_4 = arith.constant 0 : i32
    "tpu.region"() ({
      %run_scoped3A_244 = tpu.sem_alloc : memref<!tpu.dma_semaphore, #tpu.memory_space<semaphore_mem>>
      %dma_start3A_245 = arith.constant 0 : i32
      %dma_start3A_246 = tpu.memref_slice %arg10[%run_scoped3A_4, %dma_start3A_245] : memref<3x80xi32, #tpu.memory_space<vmem>> -> memref<1x80xi32, #tpu.memory_space<vmem>>
      %dma_start3A_247 = tpu.memref_squeeze %dma_start3A_246 : memref<1x80xi32, #tpu.memory_space<vmem>> -> memref<80xi32, #tpu.memory_space<vmem>>
      %dma_start3A_248 = arith.constant 0 : i32
      %dma_start3A_249 = tpu.memref_slice %arg5[%arg1, %run_scoped3A_3, %dma_start3A_248] : memref<16x8x80xi32, #tpu.memory_space<hbm>> -> memref<1x1x80xi32, #tpu.memory_space<hbm>>
      %dma_start3A_250 = tpu.memref_squeeze %dma_start3A_249 : memref<1x1x80xi32, #tpu.memory_space<hbm>> -> memref<80xi32, #tpu.memory_space<hbm>>
      %dma_start3A_251 = arith.constant 0 : i32
      %dma_start3A_252 = tpu.memref_slice %arg10[%run_scoped3A_4, %dma_start3A_251] : memref<3x80xi32, #tpu.memory_space<vmem>> -> memref<1x80xi32, #tpu.memory_space<vmem>>
      %dma_start3A_253 = tpu.memref_squeeze %dma_start3A_252 : memref<1x80xi32, #tpu.memory_space<vmem>> -> memref<80xi32, #tpu.memory_space<vmem>>
      %dma_start3A_254 = arith.constant 0 : i32
      %dma_start3A_255 = tpu.memref_slice %arg5[%arg1, %run_scoped3A_3, %dma_start3A_254] : memref<16x8x80xi32, #tpu.memory_space<hbm>> -> memref<1x1x80xi32, #tpu.memory_space<hbm>>
      %dma_start3A_256 = tpu.memref_squeeze %dma_start3A_255 : memref<1x1x80xi32, #tpu.memory_space<hbm>> -> memref<80xi32, #tpu.memory_space<hbm>>
      tpu.enqueue_dma source(%dma_start3A_256 : memref<80xi32, #tpu.memory_space<hbm>>) target(%dma_start3A_253 : memref<80xi32, #tpu.memory_space<vmem>>) target_semaphore(%run_scoped3A_244 : memref<!tpu.dma_semaphore, #tpu.memory_space<semaphore_mem>>)
      %dma_wait3A_257 = arith.constant 0 : i32
      %dma_wait3A_258 = tpu.memref_slice %arg10[%run_scoped3A_4, %dma_wait3A_257] : memref<3x80xi32, #tpu.memory_space<vmem>> -> memref<1x80xi32, #tpu.memory_space<vmem>>
      %dma_wait3A_259 = tpu.memref_squeeze %dma_wait3A_258 : memref<1x80xi32, #tpu.memory_space<vmem>> -> memref<80xi32, #tpu.memory_space<vmem>>
      %dma_wait3A_260 = arith.constant 0 : i32
      %dma_wait3A_261 = tpu.memref_slice %arg5[%arg1, %run_scoped3A_3, %dma_wait3A_260] : memref<16x8x80xi32, #tpu.memory_space<hbm>> -> memref<1x1x80xi32, #tpu.memory_space<hbm>>
      %dma_wait3A_262 = tpu.memref_squeeze %dma_wait3A_261 : memref<1x1x80xi32, #tpu.memory_space<hbm>> -> memref<80xi32, #tpu.memory_space<hbm>>
      %dma_wait3A_263 = arith.constant 0 : i32
      %dma_wait3A_264 = tpu.memref_slice %arg10[%run_scoped3A_4, %dma_wait3A_263] : memref<3x80xi32, #tpu.memory_space<vmem>> -> memref<1x80xi32, #tpu.memory_space<vmem>>
      %dma_wait3A_265 = tpu.memref_squeeze %dma_wait3A_264 : memref<1x80xi32, #tpu.memory_space<vmem>> -> memref<80xi32, #tpu.memory_space<vmem>>
      %dma_wait3A_266 = arith.constant 0 : i32
      %dma_wait3A_267 = tpu.memref_slice %arg5[%arg1, %run_scoped3A_3, %dma_wait3A_266] : memref<16x8x80xi32, #tpu.memory_space<hbm>> -> memref<1x1x80xi32, #tpu.memory_space<hbm>>
      %dma_wait3A_268 = tpu.memref_squeeze %dma_wait3A_267 : memref<1x1x80xi32, #tpu.memory_space<hbm>> -> memref<80xi32, #tpu.memory_space<hbm>>
      tpu.wait_dma2 semaphore(%run_scoped3A_244 : memref<!tpu.dma_semaphore, #tpu.memory_space<semaphore_mem>>) src(%dma_wait3A_268 : memref<80xi32, #tpu.memory_space<hbm>>) dst(%dma_wait3A_265 : memref<80xi32, #tpu.memory_space<vmem>>)
      tpu.yield
    }) : () -> ()
    %run_scoped3A_5 = arith.constant 0 : i32
    "tpu.region"() ({
      %run_scoped3A_244 = tpu.sem_alloc : memref<!tpu.dma_semaphore, #tpu.memory_space<semaphore_mem>>
      %dma_start3A_245 = arith.constant 0 : i32
      %dma_start3A_246 = tpu.memref_slice %arg10[%run_scoped3A_5, %dma_start3A_245] : memref<3x80xi32, #tpu.memory_space<vmem>> -> memref<1x80xi32, #tpu.memory_space<vmem>>
      %dma_start3A_247 = tpu.memref_squeeze %dma_start3A_246 : memref<1x80xi32, #tpu.memory_space<vmem>> -> memref<80xi32, #tpu.memory_space<vmem>>
      %dma_start3A_248 = arith.constant 0 : i32
      %dma_start3A_249 = arith.constant 0 : i32
      %dma_start3A_250 = tpu.memref_slice %arg15[%dma_start3A_248, %dma_start3A_249] : memref<10240x128xf32, #tpu.memory_space<vmem_shared>> -> memref<10240x128xf32, #tpu.memory_space<vmem_shared>>
      tpu.enqueue_indirect_dma source(%arg12 : memref<80x128xf32, #tpu.memory_space<vmem>>) target(%dma_start3A_250 : memref<10240x128xf32, #tpu.memory_space<vmem_shared>>) offsets(%dma_start3A_247 : memref<80xi32, #tpu.memory_space<vmem>>) semaphore(%run_scoped3A_244 : memref<!tpu.dma_semaphore, #tpu.memory_space<semaphore_mem>>)
      %dma_wait3A_251 = arith.constant 0 : i32
      %dma_wait3A_252 = tpu.memref_slice %arg10[%run_scoped3A_5, %dma_wait3A_251] : memref<3x80xi32, #tpu.memory_space<vmem>> -> memref<1x80xi32, #tpu.memory_space<vmem>>
      %dma_wait3A_253 = tpu.memref_squeeze %dma_wait3A_252 : memref<1x80xi32, #tpu.memory_space<vmem>> -> memref<80xi32, #tpu.memory_space<vmem>>
      %dma_wait3A_254 = arith.constant 0 : i32
      %dma_wait3A_255 = arith.constant 0 : i32
      %dma_wait3A_256 = tpu.memref_slice %arg15[%dma_wait3A_254, %dma_wait3A_255] : memref<10240x128xf32, #tpu.memory_space<vmem_shared>> -> memref<10240x128xf32, #tpu.memory_space<vmem_shared>>
      tpu.wait_indirect_dma semaphore(%run_scoped3A_244 : memref<!tpu.dma_semaphore, #tpu.memory_space<semaphore_mem>>) src(%arg12 : memref<80x128xf32, #tpu.memory_space<vmem>>) dst(%dma_wait3A_256 : memref<10240x128xf32, #tpu.memory_space<vmem_shared>>)
      tpu.yield
    }) : () -> ()
    %run_scoped3A_6 = arith.constant 2 : i32
    %run_scoped3A_7 = arith.constant 0 : i32
    "tpu.region"() ({
      %run_scoped3A_244 = tpu.sem_alloc : memref<!tpu.dma_semaphore, #tpu.memory_space<semaphore_mem>>
      %dma_start3A_245 = arith.constant 0 : i32
      %dma_start3A_246 = tpu.memref_slice %arg10[%run_scoped3A_7, %dma_start3A_245] : memref<3x80xi32, #tpu.memory_space<vmem>> -> memref<1x80xi32, #tpu.memory_space<vmem>>
      %dma_start3A_247 = tpu.memref_squeeze %dma_start3A_246 : memref<1x80xi32, #tpu.memory_space<vmem>> -> memref<80xi32, #tpu.memory_space<vmem>>
      %dma_start3A_248 = arith.constant 0 : i32
      %dma_start3A_249 = tpu.memref_slice %arg5[%arg1, %run_scoped3A_6, %dma_start3A_248] : memref<16x8x80xi32, #tpu.memory_space<hbm>> -> memref<1x1x80xi32, #tpu.memory_space<hbm>>
      %dma_start3A_250 = tpu.memref_squeeze %dma_start3A_249 : memref<1x1x80xi32, #tpu.memory_space<hbm>> -> memref<80xi32, #tpu.memory_space<hbm>>
      %dma_start3A_251 = arith.constant 0 : i32
      %dma_start3A_252 = tpu.memref_slice %arg10[%run_scoped3A_7, %dma_start3A_251] : memref<3x80xi32, #tpu.memory_space<vmem>> -> memref<1x80xi32, #tpu.memory_space<vmem>>
      %dma_start3A_253 = tpu.memref_squeeze %dma_start3A_252 : memref<1x80xi32, #tpu.memory_space<vmem>> -> memref<80xi32, #tpu.memory_space<vmem>>
      %dma_start3A_254 = arith.constant 0 : i32
      %dma_start3A_255 = tpu.memref_slice %arg5[%arg1, %run_scoped3A_6, %dma_start3A_254] : memref<16x8x80xi32, #tpu.memory_space<hbm>> -> memref<1x1x80xi32, #tpu.memory_space<hbm>>
      %dma_start3A_256 = tpu.memref_squeeze %dma_start3A_255 : memref<1x1x80xi32, #tpu.memory_space<hbm>> -> memref<80xi32, #tpu.memory_space<hbm>>
      tpu.enqueue_dma source(%dma_start3A_256 : memref<80xi32, #tpu.memory_space<hbm>>) target(%dma_start3A_253 : memref<80xi32, #tpu.memory_space<vmem>>) target_semaphore(%run_scoped3A_244 : memref<!tpu.dma_semaphore, #tpu.memory_space<semaphore_mem>>)
      %dma_wait3A_257 = arith.constant 0 : i32
      %dma_wait3A_258 = tpu.memref_slice %arg10[%run_scoped3A_7, %dma_wait3A_257] : memref<3x80xi32, #tpu.memory_space<vmem>> -> memref<1x80xi32, #tpu.memory_space<vmem>>
      %dma_wait3A_259 = tpu.memref_squeeze %dma_wait3A_258 : memref<1x80xi32, #tpu.memory_space<vmem>> -> memref<80xi32, #tpu.memory_space<vmem>>
      %dma_wait3A_260 = arith.constant 0 : i32
      %dma_wait3A_261 = tpu.memref_slice %arg5[%arg1, %run_scoped3A_6, %dma_wait3A_260] : memref<16x8x80xi32, #tpu.memory_space<hbm>> -> memref<1x1x80xi32, #tpu.memory_space<hbm>>
      %dma_wait3A_262 = tpu.memref_squeeze %dma_wait3A_261 : memref<1x1x80xi32, #tpu.memory_space<hbm>> -> memref<80xi32, #tpu.memory_space<hbm>>
      %dma_wait3A_263 = arith.constant 0 : i32
      %dma_wait3A_264 = tpu.memref_slice %arg10[%run_scoped3A_7, %dma_wait3A_263] : memref<3x80xi32, #tpu.memory_space<vmem>> -> memref<1x80xi32, #tpu.memory_space<vmem>>
      %dma_wait3A_265 = tpu.memref_squeeze %dma_wait3A_264 : memref<1x80xi32, #tpu.memory_space<vmem>> -> memref<80xi32, #tpu.memory_space<vmem>>
      %dma_wait3A_266 = arith.constant 0 : i32
      %dma_wait3A_267 = tpu.memref_slice %arg5[%arg1, %run_scoped3A_6, %dma_wait3A_266] : memref<16x8x80xi32, #tpu.memory_space<hbm>> -> memref<1x1x80xi32, #tpu.memory_space<hbm>>
      %dma_wait3A_268 = tpu.memref_squeeze %dma_wait3A_267 : memref<1x1x80xi32, #tpu.memory_space<hbm>> -> memref<80xi32, #tpu.memory_space<hbm>>
      tpu.wait_dma2 semaphore(%run_scoped3A_244 : memref<!tpu.dma_semaphore, #tpu.memory_space<semaphore_mem>>) src(%dma_wait3A_268 : memref<80xi32, #tpu.memory_space<hbm>>) dst(%dma_wait3A_265 : memref<80xi32, #tpu.memory_space<vmem>>)
      tpu.yield
    }) : () -> ()
    %run_scoped3A_8 = arith.constant 0 : i32
    "tpu.region"() ({
      %run_scoped3A_244 = tpu.sem_alloc : memref<!tpu.dma_semaphore, #tpu.memory_space<semaphore_mem>>
      %dma_start3A_245 = arith.constant 0 : i32
      %dma_start3A_246 = tpu.memref_slice %arg10[%run_scoped3A_8, %dma_start3A_245] : memref<3x80xi32, #tpu.memory_space<vmem>> -> memref<1x80xi32, #tpu.memory_space<vmem>>
      %dma_start3A_247 = tpu.memref_squeeze %dma_start3A_246 : memref<1x80xi32, #tpu.memory_space<vmem>> -> memref<80xi32, #tpu.memory_space<vmem>>
      %dma_start3A_248 = arith.constant 0 : i32
      %dma_start3A_249 = arith.constant 0 : i32
      %dma_start3A_250 = tpu.memref_slice %arg15[%dma_start3A_248, %dma_start3A_249] : memref<10240x128xf32, #tpu.memory_space<vmem_shared>> -> memref<10240x128xf32, #tpu.memory_space<vmem_shared>>
      tpu.enqueue_indirect_dma source(%arg12 : memref<80x128xf32, #tpu.memory_space<vmem>>) target(%dma_start3A_250 : memref<10240x128xf32, #tpu.memory_space<vmem_shared>>) offsets(%dma_start3A_247 : memref<80xi32, #tpu.memory_space<vmem>>) semaphore(%run_scoped3A_244 : memref<!tpu.dma_semaphore, #tpu.memory_space<semaphore_mem>>)
      %dma_wait3A_251 = arith.constant 0 : i32
      %dma_wait3A_252 = tpu.memref_slice %arg10[%run_scoped3A_8, %dma_wait3A_251] : memref<3x80xi32, #tpu.memory_space<vmem>> -> memref<1x80xi32, #tpu.memory_space<vmem>>
      %dma_wait3A_253 = tpu.memref_squeeze %dma_wait3A_252 : memref<1x80xi32, #tpu.memory_space<vmem>> -> memref<80xi32, #tpu.memory_space<vmem>>
      %dma_wait3A_254 = arith.constant 0 : i32
      %dma_wait3A_255 = arith.constant 0 : i32
      %dma_wait3A_256 = tpu.memref_slice %arg15[%dma_wait3A_254, %dma_wait3A_255] : memref<10240x128xf32, #tpu.memory_space<vmem_shared>> -> memref<10240x128xf32, #tpu.memory_space<vmem_shared>>
      tpu.wait_indirect_dma semaphore(%run_scoped3A_244 : memref<!tpu.dma_semaphore, #tpu.memory_space<semaphore_mem>>) src(%arg12 : memref<80x128xf32, #tpu.memory_space<vmem>>) dst(%dma_wait3A_256 : memref<10240x128xf32, #tpu.memory_space<vmem_shared>>)
      tpu.yield
    }) : () -> ()
    %run_scoped3A_9 = arith.constant 3 : i32
    %run_scoped3A_10 = arith.constant 0 : i32
    "tpu.region"() ({
      %run_scoped3A_244 = tpu.sem_alloc : memref<!tpu.dma_semaphore, #tpu.memory_space<semaphore_mem>>
      %dma_start3A_245 = arith.constant 0 : i32
      %dma_start3A_246 = tpu.memref_slice %arg10[%run_scoped3A_10, %dma_start3A_245] : memref<3x80xi32, #tpu.memory_space<vmem>> -> memref<1x80xi32, #tpu.memory_space<vmem>>
      %dma_start3A_247 = tpu.memref_squeeze %dma_start3A_246 : memref<1x80xi32, #tpu.memory_space<vmem>> -> memref<80xi32, #tpu.memory_space<vmem>>
      %dma_start3A_248 = arith.constant 0 : i32
      %dma_start3A_249 = tpu.memref_slice %arg5[%arg1, %run_scoped3A_9, %dma_start3A_248] : memref<16x8x80xi32, #tpu.memory_space<hbm>> -> memref<1x1x80xi32, #tpu.memory_space<hbm>>
      %dma_start3A_250 = tpu.memref_squeeze %dma_start3A_249 : memref<1x1x80xi32, #tpu.memory_space<hbm>> -> memref<80xi32, #tpu.memory_space<hbm>>
      %dma_start3A_251 = arith.constant 0 : i32
      %dma_start3A_252 = tpu.memref_slice %arg10[%run_scoped3A_10, %dma_start3A_251] : memref<3x80xi32, #tpu.memory_space<vmem>> -> memref<1x80xi32, #tpu.memory_space<vmem>>
      %dma_start3A_253 = tpu.memref_squeeze %dma_start3A_252 : memref<1x80xi32, #tpu.memory_space<vmem>> -> memref<80xi32, #tpu.memory_space<vmem>>
      %dma_start3A_254 = arith.constant 0 : i32
      %dma_start3A_255 = tpu.memref_slice %arg5[%arg1, %run_scoped3A_9, %dma_start3A_254] : memref<16x8x80xi32, #tpu.memory_space<hbm>> -> memref<1x1x80xi32, #tpu.memory_space<hbm>>
      %dma_start3A_256 = tpu.memref_squeeze %dma_start3A_255 : memref<1x1x80xi32, #tpu.memory_space<hbm>> -> memref<80xi32, #tpu.memory_space<hbm>>
      tpu.enqueue_dma source(%dma_start3A_256 : memref<80xi32, #tpu.memory_space<hbm>>) target(%dma_start3A_253 : memref<80xi32, #tpu.memory_space<vmem>>) target_semaphore(%run_scoped3A_244 : memref<!tpu.dma_semaphore, #tpu.memory_space<semaphore_mem>>)
      %dma_wait3A_257 = arith.constant 0 : i32
      %dma_wait3A_258 = tpu.memref_slice %arg10[%run_scoped3A_10, %dma_wait3A_257] : memref<3x80xi32, #tpu.memory_space<vmem>> -> memref<1x80xi32, #tpu.memory_space<vmem>>
      %dma_wait3A_259 = tpu.memref_squeeze %dma_wait3A_258 : memref<1x80xi32, #tpu.memory_space<vmem>> -> memref<80xi32, #tpu.memory_space<vmem>>
      %dma_wait3A_260 = arith.constant 0 : i32
      %dma_wait3A_261 = tpu.memref_slice %arg5[%arg1, %run_scoped3A_9, %dma_wait3A_260] : memref<16x8x80xi32, #tpu.memory_space<hbm>> -> memref<1x1x80xi32, #tpu.memory_space<hbm>>
      %dma_wait3A_262 = tpu.memref_squeeze %dma_wait3A_261 : memref<1x1x80xi32, #tpu.memory_space<hbm>> -> memref<80xi32, #tpu.memory_space<hbm>>
      %dma_wait3A_263 = arith.constant 0 : i32
      %dma_wait3A_264 = tpu.memref_slice %arg10[%run_scoped3A_10, %dma_wait3A_263] : memref<3x80xi32, #tpu.memory_space<vmem>> -> memref<1x80xi32, #tpu.memory_space<vmem>>
      %dma_wait3A_265 = tpu.memref_squeeze %dma_wait3A_264 : memref<1x80xi32, #tpu.memory_space<vmem>> -> memref<80xi32, #tpu.memory_space<vmem>>
      %dma_wait3A_266 = arith.constant 0 : i32
      %dma_wait3A_267 = tpu.memref_slice %arg5[%arg1, %run_scoped3A_9, %dma_wait3A_266] : memref<16x8x80xi32, #tpu.memory_space<hbm>> -> memref<1x1x80xi32, #tpu.memory_space<hbm>>
      %dma_wait3A_268 = tpu.memref_squeeze %dma_wait3A_267 : memref<1x1x80xi32, #tpu.memory_space<hbm>> -> memref<80xi32, #tpu.memory_space<hbm>>
      tpu.wait_dma2 semaphore(%run_scoped3A_244 : memref<!tpu.dma_semaphore, #tpu.memory_space<semaphore_mem>>) src(%dma_wait3A_268 : memref<80xi32, #tpu.memory_space<hbm>>) dst(%dma_wait3A_265 : memref<80xi32, #tpu.memory_space<vmem>>)
      tpu.yield
    }) : () -> ()
    %run_scoped3A_11 = arith.constant 0 : i32
    "tpu.region"() ({
      %run_scoped3A_244 = tpu.sem_alloc : memref<!tpu.dma_semaphore, #tpu.memory_space<semaphore_mem>>
      %dma_start3A_245 = arith.constant 0 : i32
      %dma_start3A_246 = tpu.memref_slice %arg10[%run_scoped3A_11, %dma_start3A_245] : memref<3x80xi32, #tpu.memory_space<vmem>> -> memref<1x80xi32, #tpu.memory_space<vmem>>
      %dma_start3A_247 = tpu.memref_squeeze %dma_start3A_246 : memref<1x80xi32, #tpu.memory_space<vmem>> -> memref<80xi32, #tpu.memory_space<vmem>>
      %dma_start3A_248 = arith.constant 0 : i32
      %dma_start3A_249 = arith.constant 0 : i32
      %dma_start3A_250 = tpu.memref_slice %arg15[%dma_start3A_248, %dma_start3A_249] : memref<10240x128xf32, #tpu.memory_space<vmem_shared>> -> memref<10240x128xf32, #tpu.memory_space<vmem_shared>>
      tpu.enqueue_indirect_dma source(%arg12 : memref<80x128xf32, #tpu.memory_space<vmem>>) target(%dma_start3A_250 : memref<10240x128xf32, #tpu.memory_space<vmem_shared>>) offsets(%dma_start3A_247 : memref<80xi32, #tpu.memory_space<vmem>>) semaphore(%run_scoped3A_244 : memref<!tpu.dma_semaphore, #tpu.memory_space<semaphore_mem>>)
      %dma_wait3A_251 = arith.constant 0 : i32
      %dma_wait3A_252 = tpu.memref_slice %arg10[%run_scoped3A_11, %dma_wait3A_251] : memref<3x80xi32, #tpu.memory_space<vmem>> -> memref<1x80xi32, #tpu.memory_space<vmem>>
      %dma_wait3A_253 = tpu.memref_squeeze %dma_wait3A_252 : memref<1x80xi32, #tpu.memory_space<vmem>> -> memref<80xi32, #tpu.memory_space<vmem>>
      %dma_wait3A_254 = arith.constant 0 : i32
      %dma_wait3A_255 = arith.constant 0 : i32
      %dma_wait3A_256 = tpu.memref_slice %arg15[%dma_wait3A_254, %dma_wait3A_255] : memref<10240x128xf32, #tpu.memory_space<vmem_shared>> -> memref<10240x128xf32, #tpu.memory_space<vmem_shared>>
      tpu.wait_indirect_dma semaphore(%run_scoped3A_244 : memref<!tpu.dma_semaphore, #tpu.memory_space<semaphore_mem>>) src(%arg12 : memref<80x128xf32, #tpu.memory_space<vmem>>) dst(%dma_wait3A_256 : memref<10240x128xf32, #tpu.memory_space<vmem_shared>>)
      tpu.yield
    }) : () -> ()
    %run_scoped3A_12 = arith.constant 4 : i32
    %run_scoped3A_13 = arith.constant 0 : i32
    "tpu.region"() ({
      %run_scoped3A_244 = tpu.sem_alloc : memref<!tpu.dma_semaphore, #tpu.memory_space<semaphore_mem>>
      %dma_start3A_245 = arith.constant 0 : i32
      %dma_start3A_246 = tpu.memref_slice %arg10[%run_scoped3A_13, %dma_start3A_245] : memref<3x80xi32, #tpu.memory_space<vmem>> -> memref<1x80xi32, #tpu.memory_space<vmem>>
      %dma_start3A_247 = tpu.memref_squeeze %dma_start3A_246 : memref<1x80xi32, #tpu.memory_space<vmem>> -> memref<80xi32, #tpu.memory_space<vmem>>
      %dma_start3A_248 = arith.constant 0 : i32
      %dma_start3A_249 = tpu.memref_slice %arg5[%arg1, %run_scoped3A_12, %dma_start3A_248] : memref<16x8x80xi32, #tpu.memory_space<hbm>> -> memref<1x1x80xi32, #tpu.memory_space<hbm>>
      %dma_start3A_250 = tpu.memref_squeeze %dma_start3A_249 : memref<1x1x80xi32, #tpu.memory_space<hbm>> -> memref<80xi32, #tpu.memory_space<hbm>>
      %dma_start3A_251 = arith.constant 0 : i32
      %dma_start3A_252 = tpu.memref_slice %arg10[%run_scoped3A_13, %dma_start3A_251] : memref<3x80xi32, #tpu.memory_space<vmem>> -> memref<1x80xi32, #tpu.memory_space<vmem>>
      %dma_start3A_253 = tpu.memref_squeeze %dma_start3A_252 : memref<1x80xi32, #tpu.memory_space<vmem>> -> memref<80xi32, #tpu.memory_space<vmem>>
      %dma_start3A_254 = arith.constant 0 : i32
      %dma_start3A_255 = tpu.memref_slice %arg5[%arg1, %run_scoped3A_12, %dma_start3A_254] : memref<16x8x80xi32, #tpu.memory_space<hbm>> -> memref<1x1x80xi32, #tpu.memory_space<hbm>>
      %dma_start3A_256 = tpu.memref_squeeze %dma_start3A_255 : memref<1x1x80xi32, #tpu.memory_space<hbm>> -> memref<80xi32, #tpu.memory_space<hbm>>
      tpu.enqueue_dma source(%dma_start3A_256 : memref<80xi32, #tpu.memory_space<hbm>>) target(%dma_start3A_253 : memref<80xi32, #tpu.memory_space<vmem>>) target_semaphore(%run_scoped3A_244 : memref<!tpu.dma_semaphore, #tpu.memory_space<semaphore_mem>>)
      %dma_wait3A_257 = arith.constant 0 : i32
      %dma_wait3A_258 = tpu.memref_slice %arg10[%run_scoped3A_13, %dma_wait3A_257] : memref<3x80xi32, #tpu.memory_space<vmem>> -> memref<1x80xi32, #tpu.memory_space<vmem>>
      %dma_wait3A_259 = tpu.memref_squeeze %dma_wait3A_258 : memref<1x80xi32, #tpu.memory_space<vmem>> -> memref<80xi32, #tpu.memory_space<vmem>>
      %dma_wait3A_260 = arith.constant 0 : i32
      %dma_wait3A_261 = tpu.memref_slice %arg5[%arg1, %run_scoped3A_12, %dma_wait3A_260] : memref<16x8x80xi32, #tpu.memory_space<hbm>> -> memref<1x1x80xi32, #tpu.memory_space<hbm>>
      %dma_wait3A_262 = tpu.memref_squeeze %dma_wait3A_261 : memref<1x1x80xi32, #tpu.memory_space<hbm>> -> memref<80xi32, #tpu.memory_space<hbm>>
      %dma_wait3A_263 = arith.constant 0 : i32
      %dma_wait3A_264 = tpu.memref_slice %arg10[%run_scoped3A_13, %dma_wait3A_263] : memref<3x80xi32, #tpu.memory_space<vmem>> -> memref<1x80xi32, #tpu.memory_space<vmem>>
      %dma_wait3A_265 = tpu.memref_squeeze %dma_wait3A_264 : memref<1x80xi32, #tpu.memory_space<vmem>> -> memref<80xi32, #tpu.memory_space<vmem>>
      %dma_wait3A_266 = arith.constant 0 : i32
      %dma_wait3A_267 = tpu.memref_slice %arg5[%arg1, %run_scoped3A_12, %dma_wait3A_266] : memref<16x8x80xi32, #tpu.memory_space<hbm>> -> memref<1x1x80xi32, #tpu.memory_space<hbm>>
      %dma_wait3A_268 = tpu.memref_squeeze %dma_wait3A_267 : memref<1x1x80xi32, #tpu.memory_space<hbm>> -> memref<80xi32, #tpu.memory_space<hbm>>
      tpu.wait_dma2 semaphore(%run_scoped3A_244 : memref<!tpu.dma_semaphore, #tpu.memory_space<semaphore_mem>>) src(%dma_wait3A_268 : memref<80xi32, #tpu.memory_space<hbm>>) dst(%dma_wait3A_265 : memref<80xi32, #tpu.memory_space<vmem>>)
      tpu.yield
    }) : () -> ()
    %run_scoped3A_14 = arith.constant 0 : i32
    "tpu.region"() ({
      %run_scoped3A_244 = tpu.sem_alloc : memref<!tpu.dma_semaphore, #tpu.memory_space<semaphore_mem>>
      %dma_start3A_245 = arith.constant 0 : i32
      %dma_start3A_246 = tpu.memref_slice %arg10[%run_scoped3A_14, %dma_start3A_245] : memref<3x80xi32, #tpu.memory_space<vmem>> -> memref<1x80xi32, #tpu.memory_space<vmem>>
      %dma_start3A_247 = tpu.memref_squeeze %dma_start3A_246 : memref<1x80xi32, #tpu.memory_space<vmem>> -> memref<80xi32, #tpu.memory_space<vmem>>
      %dma_start3A_248 = arith.constant 0 : i32
      %dma_start3A_249 = arith.constant 0 : i32
      %dma_start3A_250 = tpu.memref_slice %arg15[%dma_start3A_248, %dma_start3A_249] : memref<10240x128xf32, #tpu.memory_space<vmem_shared>> -> memref<10240x128xf32, #tpu.memory_space<vmem_shared>>
      tpu.enqueue_indirect_dma source(%arg12 : memref<80x128xf32, #tpu.memory_space<vmem>>) target(%dma_start3A_250 : memref<10240x128xf32, #tpu.memory_space<vmem_shared>>) offsets(%dma_start3A_247 : memref<80xi32, #tpu.memory_space<vmem>>) semaphore(%run_scoped3A_244 : memref<!tpu.dma_semaphore, #tpu.memory_space<semaphore_mem>>)
      %dma_wait3A_251 = arith.constant 0 : i32
      %dma_wait3A_252 = tpu.memref_slice %arg10[%run_scoped3A_14, %dma_wait3A_251] : memref<3x80xi32, #tpu.memory_space<vmem>> -> memref<1x80xi32, #tpu.memory_space<vmem>>
      %dma_wait3A_253 = tpu.memref_squeeze %dma_wait3A_252 : memref<1x80xi32, #tpu.memory_space<vmem>> -> memref<80xi32, #tpu.memory_space<vmem>>
      %dma_wait3A_254 = arith.constant 0 : i32
      %dma_wait3A_255 = arith.constant 0 : i32
      %dma_wait3A_256 = tpu.memref_slice %arg15[%dma_wait3A_254, %dma_wait3A_255] : memref<10240x128xf32, #tpu.memory_space<vmem_shared>> -> memref<10240x128xf32, #tpu.memory_space<vmem_shared>>
      tpu.wait_indirect_dma semaphore(%run_scoped3A_244 : memref<!tpu.dma_semaphore, #tpu.memory_space<semaphore_mem>>) src(%arg12 : memref<80x128xf32, #tpu.memory_space<vmem>>) dst(%dma_wait3A_256 : memref<10240x128xf32, #tpu.memory_space<vmem_shared>>)
      tpu.yield
    }) : () -> ()
    %run_scoped3A_15 = arith.constant 5 : i32
    %run_scoped3A_16 = arith.constant 0 : i32
    "tpu.region"() ({
      %run_scoped3A_244 = tpu.sem_alloc : memref<!tpu.dma_semaphore, #tpu.memory_space<semaphore_mem>>
      %dma_start3A_245 = arith.constant 0 : i32
      %dma_start3A_246 = tpu.memref_slice %arg10[%run_scoped3A_16, %dma_start3A_245] : memref<3x80xi32, #tpu.memory_space<vmem>> -> memref<1x80xi32, #tpu.memory_space<vmem>>
      %dma_start3A_247 = tpu.memref_squeeze %dma_start3A_246 : memref<1x80xi32, #tpu.memory_space<vmem>> -> memref<80xi32, #tpu.memory_space<vmem>>
      %dma_start3A_248 = arith.constant 0 : i32
      %dma_start3A_249 = tpu.memref_slice %arg5[%arg1, %run_scoped3A_15, %dma_start3A_248] : memref<16x8x80xi32, #tpu.memory_space<hbm>> -> memref<1x1x80xi32, #tpu.memory_space<hbm>>
      %dma_start3A_250 = tpu.memref_squeeze %dma_start3A_249 : memref<1x1x80xi32, #tpu.memory_space<hbm>> -> memref<80xi32, #tpu.memory_space<hbm>>
      %dma_start3A_251 = arith.constant 0 : i32
      %dma_start3A_252 = tpu.memref_slice %arg10[%run_scoped3A_16, %dma_start3A_251] : memref<3x80xi32, #tpu.memory_space<vmem>> -> memref<1x80xi32, #tpu.memory_space<vmem>>
      %dma_start3A_253 = tpu.memref_squeeze %dma_start3A_252 : memref<1x80xi32, #tpu.memory_space<vmem>> -> memref<80xi32, #tpu.memory_space<vmem>>
      %dma_start3A_254 = arith.constant 0 : i32
      %dma_start3A_255 = tpu.memref_slice %arg5[%arg1, %run_scoped3A_15, %dma_start3A_254] : memref<16x8x80xi32, #tpu.memory_space<hbm>> -> memref<1x1x80xi32, #tpu.memory_space<hbm>>
      %dma_start3A_256 = tpu.memref_squeeze %dma_start3A_255 : memref<1x1x80xi32, #tpu.memory_space<hbm>> -> memref<80xi32, #tpu.memory_space<hbm>>
      tpu.enqueue_dma source(%dma_start3A_256 : memref<80xi32, #tpu.memory_space<hbm>>) target(%dma_start3A_253 : memref<80xi32, #tpu.memory_space<vmem>>) target_semaphore(%run_scoped3A_244 : memref<!tpu.dma_semaphore, #tpu.memory_space<semaphore_mem>>)
      %dma_wait3A_257 = arith.constant 0 : i32
      %dma_wait3A_258 = tpu.memref_slice %arg10[%run_scoped3A_16, %dma_wait3A_257] : memref<3x80xi32, #tpu.memory_space<vmem>> -> memref<1x80xi32, #tpu.memory_space<vmem>>
      %dma_wait3A_259 = tpu.memref_squeeze %dma_wait3A_258 : memref<1x80xi32, #tpu.memory_space<vmem>> -> memref<80xi32, #tpu.memory_space<vmem>>
      %dma_wait3A_260 = arith.constant 0 : i32
      %dma_wait3A_261 = tpu.memref_slice %arg5[%arg1, %run_scoped3A_15, %dma_wait3A_260] : memref<16x8x80xi32, #tpu.memory_space<hbm>> -> memref<1x1x80xi32, #tpu.memory_space<hbm>>
      %dma_wait3A_262 = tpu.memref_squeeze %dma_wait3A_261 : memref<1x1x80xi32, #tpu.memory_space<hbm>> -> memref<80xi32, #tpu.memory_space<hbm>>
      %dma_wait3A_263 = arith.constant 0 : i32
      %dma_wait3A_264 = tpu.memref_slice %arg10[%run_scoped3A_16, %dma_wait3A_263] : memref<3x80xi32, #tpu.memory_space<vmem>> -> memref<1x80xi32, #tpu.memory_space<vmem>>
      %dma_wait3A_265 = tpu.memref_squeeze %dma_wait3A_264 : memref<1x80xi32, #tpu.memory_space<vmem>> -> memref<80xi32, #tpu.memory_space<vmem>>
      %dma_wait3A_266 = arith.constant 0 : i32
      %dma_wait3A_267 = tpu.memref_slice %arg5[%arg1, %run_scoped3A_15, %dma_wait3A_266] : memref<16x8x80xi32, #tpu.memory_space<hbm>> -> memref<1x1x80xi32, #tpu.memory_space<hbm>>
      %dma_wait3A_268 = tpu.memref_squeeze %dma_wait3A_267 : memref<1x1x80xi32, #tpu.memory_space<hbm>> -> memref<80xi32, #tpu.memory_space<hbm>>
      tpu.wait_dma2 semaphore(%run_scoped3A_244 : memref<!tpu.dma_semaphore, #tpu.memory_space<semaphore_mem>>) src(%dma_wait3A_268 : memref<80xi32, #tpu.memory_space<hbm>>) dst(%dma_wait3A_265 : memref<80xi32, #tpu.memory_space<vmem>>)
      tpu.yield
    }) : () -> ()
    %run_scoped3A_17 = arith.constant 0 : i32
    "tpu.region"() ({
      %run_scoped3A_244 = tpu.sem_alloc : memref<!tpu.dma_semaphore, #tpu.memory_space<semaphore_mem>>
      %dma_start3A_245 = arith.constant 0 : i32
      %dma_start3A_246 = tpu.memref_slice %arg10[%run_scoped3A_17, %dma_start3A_245] : memref<3x80xi32, #tpu.memory_space<vmem>> -> memref<1x80xi32, #tpu.memory_space<vmem>>
      %dma_start3A_247 = tpu.memref_squeeze %dma_start3A_246 : memref<1x80xi32, #tpu.memory_space<vmem>> -> memref<80xi32, #tpu.memory_space<vmem>>
      %dma_start3A_248 = arith.constant 0 : i32
      %dma_start3A_249 = arith.constant 0 : i32
      %dma_start3A_250 = tpu.memref_slice %arg15[%dma_start3A_248, %dma_start3A_249] : memref<10240x128xf32, #tpu.memory_space<vmem_shared>> -> memref<10240x128xf32, #tpu.memory_space<vmem_shared>>
      tpu.enqueue_indirect_dma source(%arg12 : memref<80x128xf32, #tpu.memory_space<vmem>>) target(%dma_start3A_250 : memref<10240x128xf32, #tpu.memory_space<vmem_shared>>) offsets(%dma_start3A_247 : memref<80xi32, #tpu.memory_space<vmem>>) semaphore(%run_scoped3A_244 : memref<!tpu.dma_semaphore, #tpu.memory_space<semaphore_mem>>)
      %dma_wait3A_251 = arith.constant 0 : i32
      %dma_wait3A_252 = tpu.memref_slice %arg10[%run_scoped3A_17, %dma_wait3A_251] : memref<3x80xi32, #tpu.memory_space<vmem>> -> memref<1x80xi32, #tpu.memory_space<vmem>>
      %dma_wait3A_253 = tpu.memref_squeeze %dma_wait3A_252 : memref<1x80xi32, #tpu.memory_space<vmem>> -> memref<80xi32, #tpu.memory_space<vmem>>
      %dma_wait3A_254 = arith.constant 0 : i32
      %dma_wait3A_255 = arith.constant 0 : i32
      %dma_wait3A_256 = tpu.memref_slice %arg15[%dma_wait3A_254, %dma_wait3A_255] : memref<10240x128xf32, #tpu.memory_space<vmem_shared>> -> memref<10240x128xf32, #tpu.memory_space<vmem_shared>>
      tpu.wait_indirect_dma semaphore(%run_scoped3A_244 : memref<!tpu.dma_semaphore, #tpu.memory_space<semaphore_mem>>) src(%arg12 : memref<80x128xf32, #tpu.memory_space<vmem>>) dst(%dma_wait3A_256 : memref<10240x128xf32, #tpu.memory_space<vmem_shared>>)
      tpu.yield
    }) : () -> ()
    %run_scoped3A_18 = arith.constant 6 : i32
    %run_scoped3A_19 = arith.constant 0 : i32
    "tpu.region"() ({
      %run_scoped3A_244 = tpu.sem_alloc : memref<!tpu.dma_semaphore, #tpu.memory_space<semaphore_mem>>
      %dma_start3A_245 = arith.constant 0 : i32
      %dma_start3A_246 = tpu.memref_slice %arg10[%run_scoped3A_19, %dma_start3A_245] : memref<3x80xi32, #tpu.memory_space<vmem>> -> memref<1x80xi32, #tpu.memory_space<vmem>>
      %dma_start3A_247 = tpu.memref_squeeze %dma_start3A_246 : memref<1x80xi32, #tpu.memory_space<vmem>> -> memref<80xi32, #tpu.memory_space<vmem>>
      %dma_start3A_248 = arith.constant 0 : i32
      %dma_start3A_249 = tpu.memref_slice %arg5[%arg1, %run_scoped3A_18, %dma_start3A_248] : memref<16x8x80xi32, #tpu.memory_space<hbm>> -> memref<1x1x80xi32, #tpu.memory_space<hbm>>
      %dma_start3A_250 = tpu.memref_squeeze %dma_start3A_249 : memref<1x1x80xi32, #tpu.memory_space<hbm>> -> memref<80xi32, #tpu.memory_space<hbm>>
      %dma_start3A_251 = arith.constant 0 : i32
      %dma_start3A_252 = tpu.memref_slice %arg10[%run_scoped3A_19, %dma_start3A_251] : memref<3x80xi32, #tpu.memory_space<vmem>> -> memref<1x80xi32, #tpu.memory_space<vmem>>
      %dma_start3A_253 = tpu.memref_squeeze %dma_start3A_252 : memref<1x80xi32, #tpu.memory_space<vmem>> -> memref<80xi32, #tpu.memory_space<vmem>>
      %dma_start3A_254 = arith.constant 0 : i32
      %dma_start3A_255 = tpu.memref_slice %arg5[%arg1, %run_scoped3A_18, %dma_start3A_254] : memref<16x8x80xi32, #tpu.memory_space<hbm>> -> memref<1x1x80xi32, #tpu.memory_space<hbm>>
      %dma_start3A_256 = tpu.memref_squeeze %dma_start3A_255 : memref<1x1x80xi32, #tpu.memory_space<hbm>> -> memref<80xi32, #tpu.memory_space<hbm>>
      tpu.enqueue_dma source(%dma_start3A_256 : memref<80xi32, #tpu.memory_space<hbm>>) target(%dma_start3A_253 : memref<80xi32, #tpu.memory_space<vmem>>) target_semaphore(%run_scoped3A_244 : memref<!tpu.dma_semaphore, #tpu.memory_space<semaphore_mem>>)
      %dma_wait3A_257 = arith.constant 0 : i32
      %dma_wait3A_258 = tpu.memref_slice %arg10[%run_scoped3A_19, %dma_wait3A_257] : memref<3x80xi32, #tpu.memory_space<vmem>> -> memref<1x80xi32, #tpu.memory_space<vmem>>
      %dma_wait3A_259 = tpu.memref_squeeze %dma_wait3A_258 : memref<1x80xi32, #tpu.memory_space<vmem>> -> memref<80xi32, #tpu.memory_space<vmem>>
      %dma_wait3A_260 = arith.constant 0 : i32
      %dma_wait3A_261 = tpu.memref_slice %arg5[%arg1, %run_scoped3A_18, %dma_wait3A_260] : memref<16x8x80xi32, #tpu.memory_space<hbm>> -> memref<1x1x80xi32, #tpu.memory_space<hbm>>
      %dma_wait3A_262 = tpu.memref_squeeze %dma_wait3A_261 : memref<1x1x80xi32, #tpu.memory_space<hbm>> -> memref<80xi32, #tpu.memory_space<hbm>>
      %dma_wait3A_263 = arith.constant 0 : i32
      %dma_wait3A_264 = tpu.memref_slice %arg10[%run_scoped3A_19, %dma_wait3A_263] : memref<3x80xi32, #tpu.memory_space<vmem>> -> memref<1x80xi32, #tpu.memory_space<vmem>>
      %dma_wait3A_265 = tpu.memref_squeeze %dma_wait3A_264 : memref<1x80xi32, #tpu.memory_space<vmem>> -> memref<80xi32, #tpu.memory_space<vmem>>
      %dma_wait3A_266 = arith.constant 0 : i32
      %dma_wait3A_267 = tpu.memref_slice %arg5[%arg1, %run_scoped3A_18, %dma_wait3A_266] : memref<16x8x80xi32, #tpu.memory_space<hbm>> -> memref<1x1x80xi32, #tpu.memory_space<hbm>>
      %dma_wait3A_268 = tpu.memref_squeeze %dma_wait3A_267 : memref<1x1x80xi32, #tpu.memory_space<hbm>> -> memref<80xi32, #tpu.memory_space<hbm>>
      tpu.wait_dma2 semaphore(%run_scoped3A_244 : memref<!tpu.dma_semaphore, #tpu.memory_space<semaphore_mem>>) src(%dma_wait3A_268 : memref<80xi32, #tpu.memory_space<hbm>>) dst(%dma_wait3A_265 : memref<80xi32, #tpu.memory_space<vmem>>)
      tpu.yield
    }) : () -> ()
    %run_scoped3A_20 = arith.constant 0 : i32
    "tpu.region"() ({
      %run_scoped3A_244 = tpu.sem_alloc : memref<!tpu.dma_semaphore, #tpu.memory_space<semaphore_mem>>
      %dma_start3A_245 = arith.constant 0 : i32
      %dma_start3A_246 = tpu.memref_slice %arg10[%run_scoped3A_20, %dma_start3A_245] : memref<3x80xi32, #tpu.memory_space<vmem>> -> memref<1x80xi32, #tpu.memory_space<vmem>>
      %dma_start3A_247 = tpu.memref_squeeze %dma_start3A_246 : memref<1x80xi32, #tpu.memory_space<vmem>> -> memref<80xi32, #tpu.memory_space<vmem>>
      %dma_start3A_248 = arith.constant 0 : i32
      %dma_start3A_249 = arith.constant 0 : i32
      %dma_start3A_250 = tpu.memref_slice %arg15[%dma_start3A_248, %dma_start3A_249] : memref<10240x128xf32, #tpu.memory_space<vmem_shared>> -> memref<10240x128xf32, #tpu.memory_space<vmem_shared>>
      tpu.enqueue_indirect_dma source(%arg12 : memref<80x128xf32, #tpu.memory_space<vmem>>) target(%dma_start3A_250 : memref<10240x128xf32, #tpu.memory_space<vmem_shared>>) offsets(%dma_start3A_247 : memref<80xi32, #tpu.memory_space<vmem>>) semaphore(%run_scoped3A_244 : memref<!tpu.dma_semaphore, #tpu.memory_space<semaphore_mem>>)
      %dma_wait3A_251 = arith.constant 0 : i32
      %dma_wait3A_252 = tpu.memref_slice %arg10[%run_scoped3A_20, %dma_wait3A_251] : memref<3x80xi32, #tpu.memory_space<vmem>> -> memref<1x80xi32, #tpu.memory_space<vmem>>
      %dma_wait3A_253 = tpu.memref_squeeze %dma_wait3A_252 : memref<1x80xi32, #tpu.memory_space<vmem>> -> memref<80xi32, #tpu.memory_space<vmem>>
      %dma_wait3A_254 = arith.constant 0 : i32
      %dma_wait3A_255 = arith.constant 0 : i32
      %dma_wait3A_256 = tpu.memref_slice %arg15[%dma_wait3A_254, %dma_wait3A_255] : memref<10240x128xf32, #tpu.memory_space<vmem_shared>> -> memref<10240x128xf32, #tpu.memory_space<vmem_shared>>
      tpu.wait_indirect_dma semaphore(%run_scoped3A_244 : memref<!tpu.dma_semaphore, #tpu.memory_space<semaphore_mem>>) src(%arg12 : memref<80x128xf32, #tpu.memory_space<vmem>>) dst(%dma_wait3A_256 : memref<10240x128xf32, #tpu.memory_space<vmem_shared>>)
      tpu.yield
    }) : () -> ()
    %run_scoped3A_21 = arith.constant 7 : i32
    %run_scoped3A_22 = arith.constant 0 : i32
    "tpu.region"() ({
      %run_scoped3A_244 = tpu.sem_alloc : memref<!tpu.dma_semaphore, #tpu.memory_space<semaphore_mem>>
      %dma_start3A_245 = arith.constant 0 : i32
      %dma_start3A_246 = tpu.memref_slice %arg10[%run_scoped3A_22, %dma_start3A_245] : memref<3x80xi32, #tpu.memory_space<vmem>> -> memref<1x80xi32, #tpu.memory_space<vmem>>
      %dma_start3A_247 = tpu.memref_squeeze %dma_start3A_246 : memref<1x80xi32, #tpu.memory_space<vmem>> -> memref<80xi32, #tpu.memory_space<vmem>>
      %dma_start3A_248 = arith.constant 0 : i32
      %dma_start3A_249 = tpu.memref_slice %arg5[%arg1, %run_scoped3A_21, %dma_start3A_248] : memref<16x8x80xi32, #tpu.memory_space<hbm>> -> memref<1x1x80xi32, #tpu.memory_space<hbm>>
      %dma_start3A_250 = tpu.memref_squeeze %dma_start3A_249 : memref<1x1x80xi32, #tpu.memory_space<hbm>> -> memref<80xi32, #tpu.memory_space<hbm>>
      %dma_start3A_251 = arith.constant 0 : i32
      %dma_start3A_252 = tpu.memref_slice %arg10[%run_scoped3A_22, %dma_start3A_251] : memref<3x80xi32, #tpu.memory_space<vmem>> -> memref<1x80xi32, #tpu.memory_space<vmem>>
      %dma_start3A_253 = tpu.memref_squeeze %dma_start3A_252 : memref<1x80xi32, #tpu.memory_space<vmem>> -> memref<80xi32, #tpu.memory_space<vmem>>
      %dma_start3A_254 = arith.constant 0 : i32
      %dma_start3A_255 = tpu.memref_slice %arg5[%arg1, %run_scoped3A_21, %dma_start3A_254] : memref<16x8x80xi32, #tpu.memory_space<hbm>> -> memref<1x1x80xi32, #tpu.memory_space<hbm>>
      %dma_start3A_256 = tpu.memref_squeeze %dma_start3A_255 : memref<1x1x80xi32, #tpu.memory_space<hbm>> -> memref<80xi32, #tpu.memory_space<hbm>>
      tpu.enqueue_dma source(%dma_start3A_256 : memref<80xi32, #tpu.memory_space<hbm>>) target(%dma_start3A_253 : memref<80xi32, #tpu.memory_space<vmem>>) target_semaphore(%run_scoped3A_244 : memref<!tpu.dma_semaphore, #tpu.memory_space<semaphore_mem>>)
      %dma_wait3A_257 = arith.constant 0 : i32
      %dma_wait3A_258 = tpu.memref_slice %arg10[%run_scoped3A_22, %dma_wait3A_257] : memref<3x80xi32, #tpu.memory_space<vmem>> -> memref<1x80xi32, #tpu.memory_space<vmem>>
      %dma_wait3A_259 = tpu.memref_squeeze %dma_wait3A_258 : memref<1x80xi32, #tpu.memory_space<vmem>> -> memref<80xi32, #tpu.memory_space<vmem>>
      %dma_wait3A_260 = arith.constant 0 : i32
      %dma_wait3A_261 = tpu.memref_slice %arg5[%arg1, %run_scoped3A_21, %dma_wait3A_260] : memref<16x8x80xi32, #tpu.memory_space<hbm>> -> memref<1x1x80xi32, #tpu.memory_space<hbm>>
      %dma_wait3A_262 = tpu.memref_squeeze %dma_wait3A_261 : memref<1x1x80xi32, #tpu.memory_space<hbm>> -> memref<80xi32, #tpu.memory_space<hbm>>
      %dma_wait3A_263 = arith.constant 0 : i32
      %dma_wait3A_264 = tpu.memref_slice %arg10[%run_scoped3A_22, %dma_wait3A_263] : memref<3x80xi32, #tpu.memory_space<vmem>> -> memref<1x80xi32, #tpu.memory_space<vmem>>
      %dma_wait3A_265 = tpu.memref_squeeze %dma_wait3A_264 : memref<1x80xi32, #tpu.memory_space<vmem>> -> memref<80xi32, #tpu.memory_space<vmem>>
      %dma_wait3A_266 = arith.constant 0 : i32
      %dma_wait3A_267 = tpu.memref_slice %arg5[%arg1, %run_scoped3A_21, %dma_wait3A_266] : memref<16x8x80xi32, #tpu.memory_space<hbm>> -> memref<1x1x80xi32, #tpu.memory_space<hbm>>
      %dma_wait3A_268 = tpu.memref_squeeze %dma_wait3A_267 : memref<1x1x80xi32, #tpu.memory_space<hbm>> -> memref<80xi32, #tpu.memory_space<hbm>>
      tpu.wait_dma2 semaphore(%run_scoped3A_244 : memref<!tpu.dma_semaphore, #tpu.memory_space<semaphore_mem>>) src(%dma_wait3A_268 : memref<80xi32, #tpu.memory_space<hbm>>) dst(%dma_wait3A_265 : memref<80xi32, #tpu.memory_space<vmem>>)
      tpu.yield
    }) : () -> ()
    %run_scoped3A_23 = arith.constant 0 : i32
    "tpu.region"() ({
      %run_scoped3A_244 = tpu.sem_alloc : memref<!tpu.dma_semaphore, #tpu.memory_space<semaphore_mem>>
      %dma_start3A_245 = arith.constant 0 : i32
      %dma_start3A_246 = tpu.memref_slice %arg10[%run_scoped3A_23, %dma_start3A_245] : memref<3x80xi32, #tpu.memory_space<vmem>> -> memref<1x80xi32, #tpu.memory_space<vmem>>
      %dma_start3A_247 = tpu.memref_squeeze %dma_start3A_246 : memref<1x80xi32, #tpu.memory_space<vmem>> -> memref<80xi32, #tpu.memory_space<vmem>>
      %dma_start3A_248 = arith.constant 0 : i32
      %dma_start3A_249 = arith.constant 0 : i32
      %dma_start3A_250 = tpu.memref_slice %arg15[%dma_start3A_248, %dma_start3A_249] : memref<10240x128xf32, #tpu.memory_space<vmem_shared>> -> memref<10240x128xf32, #tpu.memory_space<vmem_shared>>
      tpu.enqueue_indirect_dma source(%arg12 : memref<80x128xf32, #tpu.memory_space<vmem>>) target(%dma_start3A_250 : memref<10240x128xf32, #tpu.memory_space<vmem_shared>>) offsets(%dma_start3A_247 : memref<80xi32, #tpu.memory_space<vmem>>) semaphore(%run_scoped3A_244 : memref<!tpu.dma_semaphore, #tpu.memory_space<semaphore_mem>>)
      %dma_wait3A_251 = arith.constant 0 : i32
      %dma_wait3A_252 = tpu.memref_slice %arg10[%run_scoped3A_23, %dma_wait3A_251] : memref<3x80xi32, #tpu.memory_space<vmem>> -> memref<1x80xi32, #tpu.memory_space<vmem>>
      %dma_wait3A_253 = tpu.memref_squeeze %dma_wait3A_252 : memref<1x80xi32, #tpu.memory_space<vmem>> -> memref<80xi32, #tpu.memory_space<vmem>>
      %dma_wait3A_254 = arith.constant 0 : i32
      %dma_wait3A_255 = arith.constant 0 : i32
      %dma_wait3A_256 = tpu.memref_slice %arg15[%dma_wait3A_254, %dma_wait3A_255] : memref<10240x128xf32, #tpu.memory_space<vmem_shared>> -> memref<10240x128xf32, #tpu.memory_space<vmem_shared>>
      tpu.wait_indirect_dma semaphore(%run_scoped3A_244 : memref<!tpu.dma_semaphore, #tpu.memory_space<semaphore_mem>>) src(%arg12 : memref<80x128xf32, #tpu.memory_space<vmem>>) dst(%dma_wait3A_256 : memref<10240x128xf32, #tpu.memory_space<vmem_shared>>)
      tpu.yield
    }) : () -> ()
    %run_scoped3A_24 = arith.constant 0 : i32
    %run_scoped3A_25 = arith.constant 0 : i32
    "tpu.region"() ({
      %run_scoped3A_244 = tpu.sem_alloc : memref<!tpu.dma_semaphore, #tpu.memory_space<semaphore_mem>>
      %dma_start3A_245 = arith.constant 0 : i32
      %dma_start3A_246 = tpu.memref_slice %arg10[%run_scoped3A_25, %dma_start3A_245] : memref<3x80xi32, #tpu.memory_space<vmem>> -> memref<1x80xi32, #tpu.memory_space<vmem>>
      %dma_start3A_247 = tpu.memref_squeeze %dma_start3A_246 : memref<1x80xi32, #tpu.memory_space<vmem>> -> memref<80xi32, #tpu.memory_space<vmem>>
      %dma_start3A_248 = arith.constant 0 : i32
      %dma_start3A_249 = tpu.memref_slice %arg6[%arg1, %run_scoped3A_24, %dma_start3A_248] : memref<16x1x80xi32, #tpu.memory_space<hbm>> -> memref<1x1x80xi32, #tpu.memory_space<hbm>>
      %dma_start3A_250 = tpu.memref_squeeze %dma_start3A_249 : memref<1x1x80xi32, #tpu.memory_space<hbm>> -> memref<80xi32, #tpu.memory_space<hbm>>
      %dma_start3A_251 = arith.constant 0 : i32
      %dma_start3A_252 = tpu.memref_slice %arg10[%run_scoped3A_25, %dma_start3A_251] : memref<3x80xi32, #tpu.memory_space<vmem>> -> memref<1x80xi32, #tpu.memory_space<vmem>>
      %dma_start3A_253 = tpu.memref_squeeze %dma_start3A_252 : memref<1x80xi32, #tpu.memory_space<vmem>> -> memref<80xi32, #tpu.memory_space<vmem>>
      %dma_start3A_254 = arith.constant 0 : i32
      %dma_start3A_255 = tpu.memref_slice %arg6[%arg1, %run_scoped3A_24, %dma_start3A_254] : memref<16x1x80xi32, #tpu.memory_space<hbm>> -> memref<1x1x80xi32, #tpu.memory_space<hbm>>
      %dma_start3A_256 = tpu.memref_squeeze %dma_start3A_255 : memref<1x1x80xi32, #tpu.memory_space<hbm>> -> memref<80xi32, #tpu.memory_space<hbm>>
      tpu.enqueue_dma source(%dma_start3A_256 : memref<80xi32, #tpu.memory_space<hbm>>) target(%dma_start3A_253 : memref<80xi32, #tpu.memory_space<vmem>>) target_semaphore(%run_scoped3A_244 : memref<!tpu.dma_semaphore, #tpu.memory_space<semaphore_mem>>)
      %dma_wait3A_257 = arith.constant 0 : i32
      %dma_wait3A_258 = tpu.memref_slice %arg10[%run_scoped3A_25, %dma_wait3A_257] : memref<3x80xi32, #tpu.memory_space<vmem>> -> memref<1x80xi32, #tpu.memory_space<vmem>>
      %dma_wait3A_259 = tpu.memref_squeeze %dma_wait3A_258 : memref<1x80xi32, #tpu.memory_space<vmem>> -> memref<80xi32, #tpu.memory_space<vmem>>
      %dma_wait3A_260 = arith.constant 0 : i32
      %dma_wait3A_261 = tpu.memref_slice %arg6[%arg1, %run_scoped3A_24, %dma_wait3A_260] : memref<16x1x80xi32, #tpu.memory_space<hbm>> -> memref<1x1x80xi32, #tpu.memory_space<hbm>>
      %dma_wait3A_262 = tpu.memref_squeeze %dma_wait3A_261 : memref<1x1x80xi32, #tpu.memory_space<hbm>> -> memref<80xi32, #tpu.memory_space<hbm>>
      %dma_wait3A_263 = arith.constant 0 : i32
      %dma_wait3A_264 = tpu.memref_slice %arg10[%run_scoped3A_25, %dma_wait3A_263] : memref<3x80xi32, #tpu.memory_space<vmem>> -> memref<1x80xi32, #tpu.memory_space<vmem>>
      %dma_wait3A_265 = tpu.memref_squeeze %dma_wait3A_264 : memref<1x80xi32, #tpu.memory_space<vmem>> -> memref<80xi32, #tpu.memory_space<vmem>>
      %dma_wait3A_266 = arith.constant 0 : i32
      %dma_wait3A_267 = tpu.memref_slice %arg6[%arg1, %run_scoped3A_24, %dma_wait3A_266] : memref<16x1x80xi32, #tpu.memory_space<hbm>> -> memref<1x1x80xi32, #tpu.memory_space<hbm>>
      %dma_wait3A_268 = tpu.memref_squeeze %dma_wait3A_267 : memref<1x1x80xi32, #tpu.memory_space<hbm>> -> memref<80xi32, #tpu.memory_space<hbm>>
      tpu.wait_dma2 semaphore(%run_scoped3A_244 : memref<!tpu.dma_semaphore, #tpu.memory_space<semaphore_mem>>) src(%dma_wait3A_268 : memref<80xi32, #tpu.memory_space<hbm>>) dst(%dma_wait3A_265 : memref<80xi32, #tpu.memory_space<vmem>>)
      tpu.yield
    }) : () -> ()
    %run_scoped3A_26 = arith.constant 0 : i32
    "tpu.region"() ({
      %run_scoped3A_244 = tpu.sem_alloc : memref<!tpu.dma_semaphore, #tpu.memory_space<semaphore_mem>>
      %dma_start3A_245 = arith.constant 0 : i32
      %dma_start3A_246 = tpu.memref_slice %arg10[%run_scoped3A_26, %dma_start3A_245] : memref<3x80xi32, #tpu.memory_space<vmem>> -> memref<1x80xi32, #tpu.memory_space<vmem>>
      %dma_start3A_247 = tpu.memref_squeeze %dma_start3A_246 : memref<1x80xi32, #tpu.memory_space<vmem>> -> memref<80xi32, #tpu.memory_space<vmem>>
      %dma_start3A_248 = arith.constant 0 : i32
      %dma_start3A_249 = arith.constant 0 : i32
      %dma_start3A_250 = tpu.memref_slice %arg16[%dma_start3A_248, %dma_start3A_249] : memref<1280x128xf32, #tpu.memory_space<vmem_shared>> -> memref<1280x128xf32, #tpu.memory_space<vmem_shared>>
      tpu.enqueue_indirect_dma source(%arg12 : memref<80x128xf32, #tpu.memory_space<vmem>>) target(%dma_start3A_250 : memref<1280x128xf32, #tpu.memory_space<vmem_shared>>) offsets(%dma_start3A_247 : memref<80xi32, #tpu.memory_space<vmem>>) semaphore(%run_scoped3A_244 : memref<!tpu.dma_semaphore, #tpu.memory_space<semaphore_mem>>)
      %dma_wait3A_251 = arith.constant 0 : i32
      %dma_wait3A_252 = tpu.memref_slice %arg10[%run_scoped3A_26, %dma_wait3A_251] : memref<3x80xi32, #tpu.memory_space<vmem>> -> memref<1x80xi32, #tpu.memory_space<vmem>>
      %dma_wait3A_253 = tpu.memref_squeeze %dma_wait3A_252 : memref<1x80xi32, #tpu.memory_space<vmem>> -> memref<80xi32, #tpu.memory_space<vmem>>
      %dma_wait3A_254 = arith.constant 0 : i32
      %dma_wait3A_255 = arith.constant 0 : i32
      %dma_wait3A_256 = tpu.memref_slice %arg16[%dma_wait3A_254, %dma_wait3A_255] : memref<1280x128xf32, #tpu.memory_space<vmem_shared>> -> memref<1280x128xf32, #tpu.memory_space<vmem_shared>>
      tpu.wait_indirect_dma semaphore(%run_scoped3A_244 : memref<!tpu.dma_semaphore, #tpu.memory_space<semaphore_mem>>) src(%arg12 : memref<80x128xf32, #tpu.memory_space<vmem>>) dst(%dma_wait3A_256 : memref<1280x128xf32, #tpu.memory_space<vmem_shared>>)
      tpu.yield
    }) : () -> ()
    %barrier3A = arith.constant 0 : index
    tpu.barrier barrier_id(%barrier3A)
    %mul3A_27 = arith.constant 10000 : i32
    %mul3A_28 = arith.muli %add3A, %mul3A_27 : i32
    %add3A_29 = arith.constant 0 : i32
    %add3A_30 = arith.addi %mul3A_28, %add3A_29 : i32
    %multiple_of3A = tpu.assume_multiple %add3A_30, 16 : i32
    %dma_start3A = arith.constant 0 : i32
    %dma_start3A_31 = tpu.memref_slice %arg4[%multiple_of3A, %dma_start3A] : memref<320000x128xf32, #tpu.memory_space<hbm>> -> memref<80x128xf32, #tpu.memory_space<hbm>>
    %dma_start3A_32 = arith.constant 0 : i32
    %dma_start3A_33 = tpu.memref_slice %arg4[%multiple_of3A, %dma_start3A_32] : memref<320000x128xf32, #tpu.memory_space<hbm>> -> memref<80x128xf32, #tpu.memory_space<hbm>>
    tpu.enqueue_dma source(%dma_start3A_33 : memref<80x128xf32, #tpu.memory_space<hbm>>) target(%arg14 : memref<80x128xf32, #tpu.memory_space<vmem>>) target_semaphore(%arg19 : memref<!tpu.dma_semaphore, #tpu.memory_space<semaphore_mem>>)
    %run_scoped3A_34 = arith.constant 0 : i32
    "tpu.region"() ({
      %run_scoped3A_244 = tpu.sem_alloc : memref<!tpu.dma_semaphore, #tpu.memory_space<semaphore_mem>>
      %dma_start3A_245 = arith.constant 0 : i32
      %dma_start3A_246 = arith.constant 0 : i32
      %dma_start3A_247 = tpu.memref_slice %arg3[%add3A, %run_scoped3A_34, %dma_start3A_245, %dma_start3A_246] : memref<32x125x3x80xi32, #tpu.memory_space<hbm>> -> memref<1x1x3x80xi32, #tpu.memory_space<hbm>>
      %dma_start3A_248 = tpu.memref_squeeze %dma_start3A_247 : memref<1x1x3x80xi32, #tpu.memory_space<hbm>> -> memref<3x80xi32, #tpu.memory_space<hbm>>
      %dma_start3A_249 = arith.constant 0 : i32
      %dma_start3A_250 = arith.constant 0 : i32
      %dma_start3A_251 = tpu.memref_slice %arg3[%add3A, %run_scoped3A_34, %dma_start3A_249, %dma_start3A_250] : memref<32x125x3x80xi32, #tpu.memory_space<hbm>> -> memref<1x1x3x80xi32, #tpu.memory_space<hbm>>
      %dma_start3A_252 = tpu.memref_squeeze %dma_start3A_251 : memref<1x1x3x80xi32, #tpu.memory_space<hbm>> -> memref<3x80xi32, #tpu.memory_space<hbm>>
      tpu.enqueue_dma source(%dma_start3A_252 : memref<3x80xi32, #tpu.memory_space<hbm>>) target(%arg10 : memref<3x80xi32, #tpu.memory_space<vmem>>) target_semaphore(%run_scoped3A_244 : memref<!tpu.dma_semaphore, #tpu.memory_space<semaphore_mem>>)
      %dma_wait3A_253 = arith.constant 0 : i32
      %dma_wait3A_254 = arith.constant 0 : i32
      %dma_wait3A_255 = tpu.memref_slice %arg3[%add3A, %run_scoped3A_34, %dma_wait3A_253, %dma_wait3A_254] : memref<32x125x3x80xi32, #tpu.memory_space<hbm>> -> memref<1x1x3x80xi32, #tpu.memory_space<hbm>>
      %dma_wait3A_256 = tpu.memref_squeeze %dma_wait3A_255 : memref<1x1x3x80xi32, #tpu.memory_space<hbm>> -> memref<3x80xi32, #tpu.memory_space<hbm>>
      %dma_wait3A_257 = arith.constant 0 : i32
      %dma_wait3A_258 = arith.constant 0 : i32
      %dma_wait3A_259 = tpu.memref_slice %arg3[%add3A, %run_scoped3A_34, %dma_wait3A_257, %dma_wait3A_258] : memref<32x125x3x80xi32, #tpu.memory_space<hbm>> -> memref<1x1x3x80xi32, #tpu.memory_space<hbm>>
      %dma_wait3A_260 = tpu.memref_squeeze %dma_wait3A_259 : memref<1x1x3x80xi32, #tpu.memory_space<hbm>> -> memref<3x80xi32, #tpu.memory_space<hbm>>
      tpu.wait_dma2 semaphore(%run_scoped3A_244 : memref<!tpu.dma_semaphore, #tpu.memory_space<semaphore_mem>>) src(%dma_wait3A_260 : memref<3x80xi32, #tpu.memory_space<hbm>>) dst(%arg10 : memref<3x80xi32, #tpu.memory_space<vmem>>)
      tpu.yield
    }) : () -> ()
    %dma_start3A_35 = arith.constant 0 : i32
    %dma_start3A_36 = arith.constant 0 : i32
    %dma_start3A_37 = tpu.memref_slice %arg10[%dma_start3A_35, %dma_start3A_36] : memref<3x80xi32, #tpu.memory_space<vmem>> -> memref<1x80xi32, #tpu.memory_space<vmem>>
    %dma_start3A_38 = tpu.memref_squeeze %dma_start3A_37 : memref<1x80xi32, #tpu.memory_space<vmem>> -> memref<80xi32, #tpu.memory_space<vmem>>
    %dma_start3A_39 = arith.constant 0 : i32
    %dma_start3A_40 = arith.constant 0 : i32
    %dma_start3A_41 = tpu.memref_slice %arg2[%dma_start3A_39, %dma_start3A_40] : memref<10000x128xf32, #tpu.memory_space<hbm>> -> memref<10000x128xf32, #tpu.memory_space<hbm>>
    tpu.enqueue_indirect_dma source(%dma_start3A_41 : memref<10000x128xf32, #tpu.memory_space<hbm>>) target(%arg12 : memref<80x128xf32, #tpu.memory_space<vmem>>) offsets(%dma_start3A_38 : memref<80xi32, #tpu.memory_space<vmem>>) semaphore(%arg17 : memref<!tpu.dma_semaphore, #tpu.memory_space<semaphore_mem>>)
    %scan3A = arith.constant 0 : i32
    %scan3A_42 = arith.constant 0 : i32
    %scan3A_43 = arith.constant 62 : i32
    %scan3A_44 = arith.addi %scan3A_42, %scan3A_43 : i32
    %scan3A_45 = arith.constant 1 : i32
    scf.for %scan3A_244 = %scan3A_42 to %scan3A_44 step %scan3A_45  : i32 {
      %mul3A_245 = arith.constant 2 : i32
      %mul3A_246 = arith.muli %mul3A_245, %scan3A_244 : i32
      %add3A_247 = arith.constant 1 : i32
      %add3A_248 = arith.addi %mul3A_246, %add3A_247 : i32
      "tpu.region"() ({
        %run_scoped3A_325 = tpu.sem_alloc : memref<!tpu.dma_semaphore, #tpu.memory_space<semaphore_mem>>
        %dma_start3A_326 = arith.constant 0 : i32
        %dma_start3A_327 = arith.constant 0 : i32
        %dma_start3A_328 = tpu.memref_slice %arg3[%add3A, %add3A_248, %dma_start3A_326, %dma_start3A_327] : memref<32x125x3x80xi32, #tpu.memory_space<hbm>> -> memref<1x1x3x80xi32, #tpu.memory_space<hbm>>
        %dma_start3A_329 = tpu.memref_squeeze %dma_start3A_328 : memref<1x1x3x80xi32, #tpu.memory_space<hbm>> -> memref<3x80xi32, #tpu.memory_space<hbm>>
        %dma_start3A_330 = arith.constant 0 : i32
        %dma_start3A_331 = arith.constant 0 : i32
        %dma_start3A_332 = tpu.memref_slice %arg3[%add3A, %add3A_248, %dma_start3A_330, %dma_start3A_331] : memref<32x125x3x80xi32, #tpu.memory_space<hbm>> -> memref<1x1x3x80xi32, #tpu.memory_space<hbm>>
        %dma_start3A_333 = tpu.memref_squeeze %dma_start3A_332 : memref<1x1x3x80xi32, #tpu.memory_space<hbm>> -> memref<3x80xi32, #tpu.memory_space<hbm>>
        tpu.enqueue_dma source(%dma_start3A_333 : memref<3x80xi32, #tpu.memory_space<hbm>>) target(%arg11 : memref<3x80xi32, #tpu.memory_space<vmem>>) target_semaphore(%run_scoped3A_325 : memref<!tpu.dma_semaphore, #tpu.memory_space<semaphore_mem>>)
        %dma_wait3A_334 = arith.constant 0 : i32
        %dma_wait3A_335 = arith.constant 0 : i32
        %dma_wait3A_336 = tpu.memref_slice %arg3[%add3A, %add3A_248, %dma_wait3A_334, %dma_wait3A_335] : memref<32x125x3x80xi32, #tpu.memory_space<hbm>> -> memref<1x1x3x80xi32, #tpu.memory_space<hbm>>
        %dma_wait3A_337 = tpu.memref_squeeze %dma_wait3A_336 : memref<1x1x3x80xi32, #tpu.memory_space<hbm>> -> memref<3x80xi32, #tpu.memory_space<hbm>>
        %dma_wait3A_338 = arith.constant 0 : i32
        %dma_wait3A_339 = arith.constant 0 : i32
        %dma_wait3A_340 = tpu.memref_slice %arg3[%add3A, %add3A_248, %dma_wait3A_338, %dma_wait3A_339] : memref<32x125x3x80xi32, #tpu.memory_space<hbm>> -> memref<1x1x3x80xi32, #tpu.memory_space<hbm>>
        %dma_wait3A_341 = tpu.memref_squeeze %dma_wait3A_340 : memref<1x1x3x80xi32, #tpu.memory_space<hbm>> -> memref<3x80xi32, #tpu.memory_space<hbm>>
        tpu.wait_dma2 semaphore(%run_scoped3A_325 : memref<!tpu.dma_semaphore, #tpu.memory_space<semaphore_mem>>) src(%dma_wait3A_341 : memref<3x80xi32, #tpu.memory_space<hbm>>) dst(%arg11 : memref<3x80xi32, #tpu.memory_space<vmem>>)
        tpu.yield
      }) : () -> ()
      %dma_start3A_249 = arith.constant 0 : i32
      %dma_start3A_250 = arith.constant 0 : i32
      %dma_start3A_251 = tpu.memref_slice %arg11[%dma_start3A_249, %dma_start3A_250] : memref<3x80xi32, #tpu.memory_space<vmem>> -> memref<1x80xi32, #tpu.memory_space<vmem>>
      %dma_start3A_252 = tpu.memref_squeeze %dma_start3A_251 : memref<1x80xi32, #tpu.memory_space<vmem>> -> memref<80xi32, #tpu.memory_space<vmem>>
      %dma_start3A_253 = arith.constant 0 : i32
      %dma_start3A_254 = arith.constant 0 : i32
      %dma_start3A_255 = tpu.memref_slice %arg2[%dma_start3A_253, %dma_start3A_254] : memref<10000x128xf32, #tpu.memory_space<hbm>> -> memref<10000x128xf32, #tpu.memory_space<hbm>>
      tpu.enqueue_indirect_dma source(%dma_start3A_255 : memref<10000x128xf32, #tpu.memory_space<hbm>>) target(%arg13 : memref<80x128xf32, #tpu.memory_space<vmem>>) offsets(%dma_start3A_252 : memref<80xi32, #tpu.memory_space<vmem>>) semaphore(%arg18 : memref<!tpu.dma_semaphore, #tpu.memory_space<semaphore_mem>>)
      %dma_wait3A_256 = arith.constant 0 : i32
      %dma_wait3A_257 = arith.constant 0 : i32
      %dma_wait3A_258 = tpu.memref_slice %arg10[%dma_wait3A_256, %dma_wait3A_257] : memref<3x80xi32, #tpu.memory_space<vmem>> -> memref<1x80xi32, #tpu.memory_space<vmem>>
      %dma_wait3A_259 = tpu.memref_squeeze %dma_wait3A_258 : memref<1x80xi32, #tpu.memory_space<vmem>> -> memref<80xi32, #tpu.memory_space<vmem>>
      %dma_wait3A_260 = arith.constant 0 : i32
      %dma_wait3A_261 = arith.constant 0 : i32
      %dma_wait3A_262 = tpu.memref_slice %arg2[%dma_wait3A_260, %dma_wait3A_261] : memref<10000x128xf32, #tpu.memory_space<hbm>> -> memref<10000x128xf32, #tpu.memory_space<hbm>>
      tpu.wait_indirect_dma semaphore(%arg17 : memref<!tpu.dma_semaphore, #tpu.memory_space<semaphore_mem>>) src(%dma_wait3A_262 : memref<10000x128xf32, #tpu.memory_space<hbm>>) dst(%arg12 : memref<80x128xf32, #tpu.memory_space<vmem>>)
      %run_scoped3A_263 = arith.constant 1 : i32
      "tpu.region"() ({
        %run_scoped3A_325 = tpu.sem_alloc : memref<!tpu.dma_semaphore, #tpu.memory_space<semaphore_mem>>
        %dma_start3A_326 = arith.constant 0 : i32
        %dma_start3A_327 = tpu.memref_slice %arg10[%run_scoped3A_263, %dma_start3A_326] : memref<3x80xi32, #tpu.memory_space<vmem>> -> memref<1x80xi32, #tpu.memory_space<vmem>>
        %dma_start3A_328 = tpu.memref_squeeze %dma_start3A_327 : memref<1x80xi32, #tpu.memory_space<vmem>> -> memref<80xi32, #tpu.memory_space<vmem>>
        %dma_start3A_329 = arith.constant 0 : i32
        %dma_start3A_330 = arith.constant 0 : i32
        %dma_start3A_331 = tpu.memref_slice %arg15[%dma_start3A_329, %dma_start3A_330] : memref<10240x128xf32, #tpu.memory_space<vmem_shared>> -> memref<10240x128xf32, #tpu.memory_space<vmem_shared>>
        tpu.enqueue_indirect_dma source(%arg12 : memref<80x128xf32, #tpu.memory_space<vmem>>) target(%dma_start3A_331 : memref<10240x128xf32, #tpu.memory_space<vmem_shared>>) offsets(%dma_start3A_328 : memref<80xi32, #tpu.memory_space<vmem>>) semaphore(%run_scoped3A_325 : memref<!tpu.dma_semaphore, #tpu.memory_space<semaphore_mem>>) {add = true}
        %dma_wait3A_332 = arith.constant 0 : i32
        %dma_wait3A_333 = tpu.memref_slice %arg10[%run_scoped3A_263, %dma_wait3A_332] : memref<3x80xi32, #tpu.memory_space<vmem>> -> memref<1x80xi32, #tpu.memory_space<vmem>>
        %dma_wait3A_334 = tpu.memref_squeeze %dma_wait3A_333 : memref<1x80xi32, #tpu.memory_space<vmem>> -> memref<80xi32, #tpu.memory_space<vmem>>
        %dma_wait3A_335 = arith.constant 0 : i32
        %dma_wait3A_336 = arith.constant 0 : i32
        %dma_wait3A_337 = tpu.memref_slice %arg15[%dma_wait3A_335, %dma_wait3A_336] : memref<10240x128xf32, #tpu.memory_space<vmem_shared>> -> memref<10240x128xf32, #tpu.memory_space<vmem_shared>>
        tpu.wait_indirect_dma semaphore(%run_scoped3A_325 : memref<!tpu.dma_semaphore, #tpu.memory_space<semaphore_mem>>) src(%arg12 : memref<80x128xf32, #tpu.memory_space<vmem>>) dst(%dma_wait3A_337 : memref<10240x128xf32, #tpu.memory_space<vmem_shared>>)
        tpu.yield
      }) : () -> ()
      %mul3A_264 = arith.constant 80 : i32
      %mul3A_265 = arith.muli %mul3A_246, %mul3A_264 : i32
      %add3A_266 = arith.addi %mul3A_28, %mul3A_265 : i32
      %multiple_of3A_267 = tpu.assume_multiple %add3A_266, 16 : i32
      %dma_wait3A_268 = arith.constant 0 : i32
      %dma_wait3A_269 = tpu.memref_slice %arg4[%multiple_of3A_267, %dma_wait3A_268] : memref<320000x128xf32, #tpu.memory_space<hbm>> -> memref<80x128xf32, #tpu.memory_space<hbm>>
      %dma_wait3A_270 = arith.constant 0 : i32
      %dma_wait3A_271 = tpu.memref_slice %arg4[%multiple_of3A_267, %dma_wait3A_270] : memref<320000x128xf32, #tpu.memory_space<hbm>> -> memref<80x128xf32, #tpu.memory_space<hbm>>
      tpu.wait_dma2 semaphore(%arg19 : memref<!tpu.dma_semaphore, #tpu.memory_space<semaphore_mem>>) src(%dma_wait3A_271 : memref<80x128xf32, #tpu.memory_space<hbm>>) dst(%arg14 : memref<80x128xf32, #tpu.memory_space<vmem>>)
      %run_scoped3A_272 = arith.constant 2 : i32
      "tpu.region"() ({
        %run_scoped3A_325 = tpu.sem_alloc : memref<!tpu.dma_semaphore, #tpu.memory_space<semaphore_mem>>
        %dma_start3A_326 = arith.constant 0 : i32
        %dma_start3A_327 = tpu.memref_slice %arg10[%run_scoped3A_272, %dma_start3A_326] : memref<3x80xi32, #tpu.memory_space<vmem>> -> memref<1x80xi32, #tpu.memory_space<vmem>>
        %dma_start3A_328 = tpu.memref_squeeze %dma_start3A_327 : memref<1x80xi32, #tpu.memory_space<vmem>> -> memref<80xi32, #tpu.memory_space<vmem>>
        %dma_start3A_329 = arith.constant 0 : i32
        %dma_start3A_330 = arith.constant 0 : i32
        %dma_start3A_331 = tpu.memref_slice %arg16[%dma_start3A_329, %dma_start3A_330] : memref<1280x128xf32, #tpu.memory_space<vmem_shared>> -> memref<1280x128xf32, #tpu.memory_space<vmem_shared>>
        tpu.enqueue_indirect_dma source(%arg14 : memref<80x128xf32, #tpu.memory_space<vmem>>) target(%dma_start3A_331 : memref<1280x128xf32, #tpu.memory_space<vmem_shared>>) offsets(%dma_start3A_328 : memref<80xi32, #tpu.memory_space<vmem>>) semaphore(%run_scoped3A_325 : memref<!tpu.dma_semaphore, #tpu.memory_space<semaphore_mem>>) {add = true}
        %dma_wait3A_332 = arith.constant 0 : i32
        %dma_wait3A_333 = tpu.memref_slice %arg10[%run_scoped3A_272, %dma_wait3A_332] : memref<3x80xi32, #tpu.memory_space<vmem>> -> memref<1x80xi32, #tpu.memory_space<vmem>>
        %dma_wait3A_334 = tpu.memref_squeeze %dma_wait3A_333 : memref<1x80xi32, #tpu.memory_space<vmem>> -> memref<80xi32, #tpu.memory_space<vmem>>
        %dma_wait3A_335 = arith.constant 0 : i32
        %dma_wait3A_336 = arith.constant 0 : i32
        %dma_wait3A_337 = tpu.memref_slice %arg16[%dma_wait3A_335, %dma_wait3A_336] : memref<1280x128xf32, #tpu.memory_space<vmem_shared>> -> memref<1280x128xf32, #tpu.memory_space<vmem_shared>>
        tpu.wait_indirect_dma semaphore(%run_scoped3A_325 : memref<!tpu.dma_semaphore, #tpu.memory_space<semaphore_mem>>) src(%arg14 : memref<80x128xf32, #tpu.memory_space<vmem>>) dst(%dma_wait3A_337 : memref<1280x128xf32, #tpu.memory_space<vmem_shared>>)
        tpu.yield
      }) : () -> ()
      %add3A_273 = arith.constant 1 : i32
      %add3A_274 = arith.addi %mul3A_246, %add3A_273 : i32
      %min3A_275 = arith.constant 124 : i32
      %min3A_276 = arith.minsi %add3A_274, %min3A_275 : i32
      %mul3A_277 = arith.constant 80 : i32
      %mul3A_278 = arith.muli %min3A_276, %mul3A_277 : i32
      %add3A_279 = arith.addi %mul3A_28, %mul3A_278 : i32
      %multiple_of3A_280 = tpu.assume_multiple %add3A_279, 16 : i32
      %dma_start3A_281 = arith.constant 0 : i32
      %dma_start3A_282 = tpu.memref_slice %arg4[%multiple_of3A_280, %dma_start3A_281] : memref<320000x128xf32, #tpu.memory_space<hbm>> -> memref<80x128xf32, #tpu.memory_space<hbm>>
      %dma_start3A_283 = arith.constant 0 : i32
      %dma_start3A_284 = tpu.memref_slice %arg4[%multiple_of3A_280, %dma_start3A_283] : memref<320000x128xf32, #tpu.memory_space<hbm>> -> memref<80x128xf32, #tpu.memory_space<hbm>>
      tpu.enqueue_dma source(%dma_start3A_284 : memref<80x128xf32, #tpu.memory_space<hbm>>) target(%arg14 : memref<80x128xf32, #tpu.memory_space<vmem>>) target_semaphore(%arg19 : memref<!tpu.dma_semaphore, #tpu.memory_space<semaphore_mem>>)
      %add3A_285 = arith.constant 2 : i32
      %add3A_286 = arith.addi %mul3A_246, %add3A_285 : i32
      "tpu.region"() ({
        %run_scoped3A_325 = tpu.sem_alloc : memref<!tpu.dma_semaphore, #tpu.memory_space<semaphore_mem>>
        %dma_start3A_326 = arith.constant 0 : i32
        %dma_start3A_327 = arith.constant 0 : i32
        %dma_start3A_328 = tpu.memref_slice %arg3[%add3A, %add3A_286, %dma_start3A_326, %dma_start3A_327] : memref<32x125x3x80xi32, #tpu.memory_space<hbm>> -> memref<1x1x3x80xi32, #tpu.memory_space<hbm>>
        %dma_start3A_329 = tpu.memref_squeeze %dma_start3A_328 : memref<1x1x3x80xi32, #tpu.memory_space<hbm>> -> memref<3x80xi32, #tpu.memory_space<hbm>>
        %dma_start3A_330 = arith.constant 0 : i32
        %dma_start3A_331 = arith.constant 0 : i32
        %dma_start3A_332 = tpu.memref_slice %arg3[%add3A, %add3A_286, %dma_start3A_330, %dma_start3A_331] : memref<32x125x3x80xi32, #tpu.memory_space<hbm>> -> memref<1x1x3x80xi32, #tpu.memory_space<hbm>>
        %dma_start3A_333 = tpu.memref_squeeze %dma_start3A_332 : memref<1x1x3x80xi32, #tpu.memory_space<hbm>> -> memref<3x80xi32, #tpu.memory_space<hbm>>
        tpu.enqueue_dma source(%dma_start3A_333 : memref<3x80xi32, #tpu.memory_space<hbm>>) target(%arg10 : memref<3x80xi32, #tpu.memory_space<vmem>>) target_semaphore(%run_scoped3A_325 : memref<!tpu.dma_semaphore, #tpu.memory_space<semaphore_mem>>)
        %dma_wait3A_334 = arith.constant 0 : i32
        %dma_wait3A_335 = arith.constant 0 : i32
        %dma_wait3A_336 = tpu.memref_slice %arg3[%add3A, %add3A_286, %dma_wait3A_334, %dma_wait3A_335] : memref<32x125x3x80xi32, #tpu.memory_space<hbm>> -> memref<1x1x3x80xi32, #tpu.memory_space<hbm>>
        %dma_wait3A_337 = tpu.memref_squeeze %dma_wait3A_336 : memref<1x1x3x80xi32, #tpu.memory_space<hbm>> -> memref<3x80xi32, #tpu.memory_space<hbm>>
        %dma_wait3A_338 = arith.constant 0 : i32
        %dma_wait3A_339 = arith.constant 0 : i32
        %dma_wait3A_340 = tpu.memref_slice %arg3[%add3A, %add3A_286, %dma_wait3A_338, %dma_wait3A_339] : memref<32x125x3x80xi32, #tpu.memory_space<hbm>> -> memref<1x1x3x80xi32, #tpu.memory_space<hbm>>
        %dma_wait3A_341 = tpu.memref_squeeze %dma_wait3A_340 : memref<1x1x3x80xi32, #tpu.memory_space<hbm>> -> memref<3x80xi32, #tpu.memory_space<hbm>>
        tpu.wait_dma2 semaphore(%run_scoped3A_325 : memref<!tpu.dma_semaphore, #tpu.memory_space<semaphore_mem>>) src(%dma_wait3A_341 : memref<3x80xi32, #tpu.memory_space<hbm>>) dst(%arg10 : memref<3x80xi32, #tpu.memory_space<vmem>>)
        tpu.yield
      }) : () -> ()
      %dma_start3A_287 = arith.constant 0 : i32
      %dma_start3A_288 = arith.constant 0 : i32
      %dma_start3A_289 = tpu.memref_slice %arg10[%dma_start3A_287, %dma_start3A_288] : memref<3x80xi32, #tpu.memory_space<vmem>> -> memref<1x80xi32, #tpu.memory_space<vmem>>
      %dma_start3A_290 = tpu.memref_squeeze %dma_start3A_289 : memref<1x80xi32, #tpu.memory_space<vmem>> -> memref<80xi32, #tpu.memory_space<vmem>>
      %dma_start3A_291 = arith.constant 0 : i32
      %dma_start3A_292 = arith.constant 0 : i32
      %dma_start3A_293 = tpu.memref_slice %arg2[%dma_start3A_291, %dma_start3A_292] : memref<10000x128xf32, #tpu.memory_space<hbm>> -> memref<10000x128xf32, #tpu.memory_space<hbm>>
      tpu.enqueue_indirect_dma source(%dma_start3A_293 : memref<10000x128xf32, #tpu.memory_space<hbm>>) target(%arg12 : memref<80x128xf32, #tpu.memory_space<vmem>>) offsets(%dma_start3A_290 : memref<80xi32, #tpu.memory_space<vmem>>) semaphore(%arg17 : memref<!tpu.dma_semaphore, #tpu.memory_space<semaphore_mem>>)
      %add3A_294 = arith.constant 1 : i32
      %add3A_295 = arith.addi %mul3A_246, %add3A_294 : i32
      %dma_wait3A_296 = arith.constant 0 : i32
      %dma_wait3A_297 = arith.constant 0 : i32
      %dma_wait3A_298 = tpu.memref_slice %arg11[%dma_wait3A_296, %dma_wait3A_297] : memref<3x80xi32, #tpu.memory_space<vmem>> -> memref<1x80xi32, #tpu.memory_space<vmem>>
      %dma_wait3A_299 = tpu.memref_squeeze %dma_wait3A_298 : memref<1x80xi32, #tpu.memory_space<vmem>> -> memref<80xi32, #tpu.memory_space<vmem>>
      %dma_wait3A_300 = arith.constant 0 : i32
      %dma_wait3A_301 = arith.constant 0 : i32
      %dma_wait3A_302 = tpu.memref_slice %arg2[%dma_wait3A_300, %dma_wait3A_301] : memref<10000x128xf32, #tpu.memory_space<hbm>> -> memref<10000x128xf32, #tpu.memory_space<hbm>>
      tpu.wait_indirect_dma semaphore(%arg18 : memref<!tpu.dma_semaphore, #tpu.memory_space<semaphore_mem>>) src(%dma_wait3A_302 : memref<10000x128xf32, #tpu.memory_space<hbm>>) dst(%arg13 : memref<80x128xf32, #tpu.memory_space<vmem>>)
      %run_scoped3A_303 = arith.constant 1 : i32
      "tpu.region"() ({
        %run_scoped3A_325 = tpu.sem_alloc : memref<!tpu.dma_semaphore, #tpu.memory_space<semaphore_mem>>
        %dma_start3A_326 = arith.constant 0 : i32
        %dma_start3A_327 = tpu.memref_slice %arg11[%run_scoped3A_303, %dma_start3A_326] : memref<3x80xi32, #tpu.memory_space<vmem>> -> memref<1x80xi32, #tpu.memory_space<vmem>>
        %dma_start3A_328 = tpu.memref_squeeze %dma_start3A_327 : memref<1x80xi32, #tpu.memory_space<vmem>> -> memref<80xi32, #tpu.memory_space<vmem>>
        %dma_start3A_329 = arith.constant 0 : i32
        %dma_start3A_330 = arith.constant 0 : i32
        %dma_start3A_331 = tpu.memref_slice %arg15[%dma_start3A_329, %dma_start3A_330] : memref<10240x128xf32, #tpu.memory_space<vmem_shared>> -> memref<10240x128xf32, #tpu.memory_space<vmem_shared>>
        tpu.enqueue_indirect_dma source(%arg13 : memref<80x128xf32, #tpu.memory_space<vmem>>) target(%dma_start3A_331 : memref<10240x128xf32, #tpu.memory_space<vmem_shared>>) offsets(%dma_start3A_328 : memref<80xi32, #tpu.memory_space<vmem>>) semaphore(%run_scoped3A_325 : memref<!tpu.dma_semaphore, #tpu.memory_space<semaphore_mem>>) {add = true}
        %dma_wait3A_332 = arith.constant 0 : i32
        %dma_wait3A_333 = tpu.memref_slice %arg11[%run_scoped3A_303, %dma_wait3A_332] : memref<3x80xi32, #tpu.memory_space<vmem>> -> memref<1x80xi32, #tpu.memory_space<vmem>>
        %dma_wait3A_334 = tpu.memref_squeeze %dma_wait3A_333 : memref<1x80xi32, #tpu.memory_space<vmem>> -> memref<80xi32, #tpu.memory_space<vmem>>
        %dma_wait3A_335 = arith.constant 0 : i32
        %dma_wait3A_336 = arith.constant 0 : i32
        %dma_wait3A_337 = tpu.memref_slice %arg15[%dma_wait3A_335, %dma_wait3A_336] : memref<10240x128xf32, #tpu.memory_space<vmem_shared>> -> memref<10240x128xf32, #tpu.memory_space<vmem_shared>>
        tpu.wait_indirect_dma semaphore(%run_scoped3A_325 : memref<!tpu.dma_semaphore, #tpu.memory_space<semaphore_mem>>) src(%arg13 : memref<80x128xf32, #tpu.memory_space<vmem>>) dst(%dma_wait3A_337 : memref<10240x128xf32, #tpu.memory_space<vmem_shared>>)
        tpu.yield
      }) : () -> ()
      %mul3A_304 = arith.constant 80 : i32
      %mul3A_305 = arith.muli %add3A_295, %mul3A_304 : i32
      %add3A_306 = arith.addi %mul3A_28, %mul3A_305 : i32
      %multiple_of3A_307 = tpu.assume_multiple %add3A_306, 16 : i32
      %dma_wait3A_308 = arith.constant 0 : i32
      %dma_wait3A_309 = tpu.memref_slice %arg4[%multiple_of3A_307, %dma_wait3A_308] : memref<320000x128xf32, #tpu.memory_space<hbm>> -> memref<80x128xf32, #tpu.memory_space<hbm>>
      %dma_wait3A_310 = arith.constant 0 : i32
      %dma_wait3A_311 = tpu.memref_slice %arg4[%multiple_of3A_307, %dma_wait3A_310] : memref<320000x128xf32, #tpu.memory_space<hbm>> -> memref<80x128xf32, #tpu.memory_space<hbm>>
      tpu.wait_dma2 semaphore(%arg19 : memref<!tpu.dma_semaphore, #tpu.memory_space<semaphore_mem>>) src(%dma_wait3A_311 : memref<80x128xf32, #tpu.memory_space<hbm>>) dst(%arg14 : memref<80x128xf32, #tpu.memory_space<vmem>>)
      %run_scoped3A_312 = arith.constant 2 : i32
      "tpu.region"() ({
        %run_scoped3A_325 = tpu.sem_alloc : memref<!tpu.dma_semaphore, #tpu.memory_space<semaphore_mem>>
        %dma_start3A_326 = arith.constant 0 : i32
        %dma_start3A_327 = tpu.memref_slice %arg11[%run_scoped3A_312, %dma_start3A_326] : memref<3x80xi32, #tpu.memory_space<vmem>> -> memref<1x80xi32, #tpu.memory_space<vmem>>
        %dma_start3A_328 = tpu.memref_squeeze %dma_start3A_327 : memref<1x80xi32, #tpu.memory_space<vmem>> -> memref<80xi32, #tpu.memory_space<vmem>>
        %dma_start3A_329 = arith.constant 0 : i32
        %dma_start3A_330 = arith.constant 0 : i32
        %dma_start3A_331 = tpu.memref_slice %arg16[%dma_start3A_329, %dma_start3A_330] : memref<1280x128xf32, #tpu.memory_space<vmem_shared>> -> memref<1280x128xf32, #tpu.memory_space<vmem_shared>>
        tpu.enqueue_indirect_dma source(%arg14 : memref<80x128xf32, #tpu.memory_space<vmem>>) target(%dma_start3A_331 : memref<1280x128xf32, #tpu.memory_space<vmem_shared>>) offsets(%dma_start3A_328 : memref<80xi32, #tpu.memory_space<vmem>>) semaphore(%run_scoped3A_325 : memref<!tpu.dma_semaphore, #tpu.memory_space<semaphore_mem>>) {add = true}
        %dma_wait3A_332 = arith.constant 0 : i32
        %dma_wait3A_333 = tpu.memref_slice %arg11[%run_scoped3A_312, %dma_wait3A_332] : memref<3x80xi32, #tpu.memory_space<vmem>> -> memref<1x80xi32, #tpu.memory_space<vmem>>
        %dma_wait3A_334 = tpu.memref_squeeze %dma_wait3A_333 : memref<1x80xi32, #tpu.memory_space<vmem>> -> memref<80xi32, #tpu.memory_space<vmem>>
        %dma_wait3A_335 = arith.constant 0 : i32
        %dma_wait3A_336 = arith.constant 0 : i32
        %dma_wait3A_337 = tpu.memref_slice %arg16[%dma_wait3A_335, %dma_wait3A_336] : memref<1280x128xf32, #tpu.memory_space<vmem_shared>> -> memref<1280x128xf32, #tpu.memory_space<vmem_shared>>
        tpu.wait_indirect_dma semaphore(%run_scoped3A_325 : memref<!tpu.dma_semaphore, #tpu.memory_space<semaphore_mem>>) src(%arg14 : memref<80x128xf32, #tpu.memory_space<vmem>>) dst(%dma_wait3A_337 : memref<1280x128xf32, #tpu.memory_space<vmem_shared>>)
        tpu.yield
      }) : () -> ()
      %add3A_313 = arith.constant 1 : i32
      %add3A_314 = arith.addi %add3A_295, %add3A_313 : i32
      %min3A_315 = arith.constant 124 : i32
      %min3A_316 = arith.minsi %add3A_314, %min3A_315 : i32
      %mul3A_317 = arith.constant 80 : i32
      %mul3A_318 = arith.muli %min3A_316, %mul3A_317 : i32
      %add3A_319 = arith.addi %mul3A_28, %mul3A_318 : i32
      %multiple_of3A_320 = tpu.assume_multiple %add3A_319, 16 : i32
      %dma_start3A_321 = arith.constant 0 : i32
      %dma_start3A_322 = tpu.memref_slice %arg4[%multiple_of3A_320, %dma_start3A_321] : memref<320000x128xf32, #tpu.memory_space<hbm>> -> memref<80x128xf32, #tpu.memory_space<hbm>>
      %dma_start3A_323 = arith.constant 0 : i32
      %dma_start3A_324 = tpu.memref_slice %arg4[%multiple_of3A_320, %dma_start3A_323] : memref<320000x128xf32, #tpu.memory_space<hbm>> -> memref<80x128xf32, #tpu.memory_space<hbm>>
      tpu.enqueue_dma source(%dma_start3A_324 : memref<80x128xf32, #tpu.memory_space<hbm>>) target(%arg14 : memref<80x128xf32, #tpu.memory_space<vmem>>) target_semaphore(%arg19 : memref<!tpu.dma_semaphore, #tpu.memory_space<semaphore_mem>>)
    }
    %scan3A_46 = arith.constant 62 : i32
    %dma_wait3A = arith.constant 0 : i32
    %dma_wait3A_47 = arith.constant 0 : i32
    %dma_wait3A_48 = tpu.memref_slice %arg10[%dma_wait3A, %dma_wait3A_47] : memref<3x80xi32, #tpu.memory_space<vmem>> -> memref<1x80xi32, #tpu.memory_space<vmem>>
    %dma_wait3A_49 = tpu.memref_squeeze %dma_wait3A_48 : memref<1x80xi32, #tpu.memory_space<vmem>> -> memref<80xi32, #tpu.memory_space<vmem>>
    %dma_wait3A_50 = arith.constant 0 : i32
    %dma_wait3A_51 = arith.constant 0 : i32
    %dma_wait3A_52 = tpu.memref_slice %arg2[%dma_wait3A_50, %dma_wait3A_51] : memref<10000x128xf32, #tpu.memory_space<hbm>> -> memref<10000x128xf32, #tpu.memory_space<hbm>>
    tpu.wait_indirect_dma semaphore(%arg17 : memref<!tpu.dma_semaphore, #tpu.memory_space<semaphore_mem>>) src(%dma_wait3A_52 : memref<10000x128xf32, #tpu.memory_space<hbm>>) dst(%arg12 : memref<80x128xf32, #tpu.memory_space<vmem>>)
    %run_scoped3A_53 = arith.constant 1 : i32
    "tpu.region"() ({
      %run_scoped3A_244 = tpu.sem_alloc : memref<!tpu.dma_semaphore, #tpu.memory_space<semaphore_mem>>
      %dma_start3A_245 = arith.constant 0 : i32
      %dma_start3A_246 = tpu.memref_slice %arg10[%run_scoped3A_53, %dma_start3A_245] : memref<3x80xi32, #tpu.memory_space<vmem>> -> memref<1x80xi32, #tpu.memory_space<vmem>>
      %dma_start3A_247 = tpu.memref_squeeze %dma_start3A_246 : memref<1x80xi32, #tpu.memory_space<vmem>> -> memref<80xi32, #tpu.memory_space<vmem>>
      %dma_start3A_248 = arith.constant 0 : i32
      %dma_start3A_249 = arith.constant 0 : i32
      %dma_start3A_250 = tpu.memref_slice %arg15[%dma_start3A_248, %dma_start3A_249] : memref<10240x128xf32, #tpu.memory_space<vmem_shared>> -> memref<10240x128xf32, #tpu.memory_space<vmem_shared>>
      tpu.enqueue_indirect_dma source(%arg12 : memref<80x128xf32, #tpu.memory_space<vmem>>) target(%dma_start3A_250 : memref<10240x128xf32, #tpu.memory_space<vmem_shared>>) offsets(%dma_start3A_247 : memref<80xi32, #tpu.memory_space<vmem>>) semaphore(%run_scoped3A_244 : memref<!tpu.dma_semaphore, #tpu.memory_space<semaphore_mem>>) {add = true}
      %dma_wait3A_251 = arith.constant 0 : i32
      %dma_wait3A_252 = tpu.memref_slice %arg10[%run_scoped3A_53, %dma_wait3A_251] : memref<3x80xi32, #tpu.memory_space<vmem>> -> memref<1x80xi32, #tpu.memory_space<vmem>>
      %dma_wait3A_253 = tpu.memref_squeeze %dma_wait3A_252 : memref<1x80xi32, #tpu.memory_space<vmem>> -> memref<80xi32, #tpu.memory_space<vmem>>
      %dma_wait3A_254 = arith.constant 0 : i32
      %dma_wait3A_255 = arith.constant 0 : i32
      %dma_wait3A_256 = tpu.memref_slice %arg15[%dma_wait3A_254, %dma_wait3A_255] : memref<10240x128xf32, #tpu.memory_space<vmem_shared>> -> memref<10240x128xf32, #tpu.memory_space<vmem_shared>>
      tpu.wait_indirect_dma semaphore(%run_scoped3A_244 : memref<!tpu.dma_semaphore, #tpu.memory_space<semaphore_mem>>) src(%arg12 : memref<80x128xf32, #tpu.memory_space<vmem>>) dst(%dma_wait3A_256 : memref<10240x128xf32, #tpu.memory_space<vmem_shared>>)
      tpu.yield
    }) : () -> ()
    %add3A_54 = arith.constant 9920 : i32
    %add3A_55 = arith.addi %mul3A_28, %add3A_54 : i32
    %multiple_of3A_56 = tpu.assume_multiple %add3A_55, 16 : i32
    %dma_wait3A_57 = arith.constant 0 : i32
    %dma_wait3A_58 = tpu.memref_slice %arg4[%multiple_of3A_56, %dma_wait3A_57] : memref<320000x128xf32, #tpu.memory_space<hbm>> -> memref<80x128xf32, #tpu.memory_space<hbm>>
    %dma_wait3A_59 = arith.constant 0 : i32
    %dma_wait3A_60 = tpu.memref_slice %arg4[%multiple_of3A_56, %dma_wait3A_59] : memref<320000x128xf32, #tpu.memory_space<hbm>> -> memref<80x128xf32, #tpu.memory_space<hbm>>
    tpu.wait_dma2 semaphore(%arg19 : memref<!tpu.dma_semaphore, #tpu.memory_space<semaphore_mem>>) src(%dma_wait3A_60 : memref<80x128xf32, #tpu.memory_space<hbm>>) dst(%arg14 : memref<80x128xf32, #tpu.memory_space<vmem>>)
    %run_scoped3A_61 = arith.constant 2 : i32
    "tpu.region"() ({
      %run_scoped3A_244 = tpu.sem_alloc : memref<!tpu.dma_semaphore, #tpu.memory_space<semaphore_mem>>
      %dma_start3A_245 = arith.constant 0 : i32
      %dma_start3A_246 = tpu.memref_slice %arg10[%run_scoped3A_61, %dma_start3A_245] : memref<3x80xi32, #tpu.memory_space<vmem>> -> memref<1x80xi32, #tpu.memory_space<vmem>>
      %dma_start3A_247 = tpu.memref_squeeze %dma_start3A_246 : memref<1x80xi32, #tpu.memory_space<vmem>> -> memref<80xi32, #tpu.memory_space<vmem>>
      %dma_start3A_248 = arith.constant 0 : i32
      %dma_start3A_249 = arith.constant 0 : i32
      %dma_start3A_250 = tpu.memref_slice %arg16[%dma_start3A_248, %dma_start3A_249] : memref<1280x128xf32, #tpu.memory_space<vmem_shared>> -> memref<1280x128xf32, #tpu.memory_space<vmem_shared>>
      tpu.enqueue_indirect_dma source(%arg14 : memref<80x128xf32, #tpu.memory_space<vmem>>) target(%dma_start3A_250 : memref<1280x128xf32, #tpu.memory_space<vmem_shared>>) offsets(%dma_start3A_247 : memref<80xi32, #tpu.memory_space<vmem>>) semaphore(%run_scoped3A_244 : memref<!tpu.dma_semaphore, #tpu.memory_space<semaphore_mem>>) {add = true}
      %dma_wait3A_251 = arith.constant 0 : i32
      %dma_wait3A_252 = tpu.memref_slice %arg10[%run_scoped3A_61, %dma_wait3A_251] : memref<3x80xi32, #tpu.memory_space<vmem>> -> memref<1x80xi32, #tpu.memory_space<vmem>>
      %dma_wait3A_253 = tpu.memref_squeeze %dma_wait3A_252 : memref<1x80xi32, #tpu.memory_space<vmem>> -> memref<80xi32, #tpu.memory_space<vmem>>
      %dma_wait3A_254 = arith.constant 0 : i32
      %dma_wait3A_255 = arith.constant 0 : i32
      %dma_wait3A_256 = tpu.memref_slice %arg16[%dma_wait3A_254, %dma_wait3A_255] : memref<1280x128xf32, #tpu.memory_space<vmem_shared>> -> memref<1280x128xf32, #tpu.memory_space<vmem_shared>>
      tpu.wait_indirect_dma semaphore(%run_scoped3A_244 : memref<!tpu.dma_semaphore, #tpu.memory_space<semaphore_mem>>) src(%arg14 : memref<80x128xf32, #tpu.memory_space<vmem>>) dst(%dma_wait3A_256 : memref<1280x128xf32, #tpu.memory_space<vmem_shared>>)
      tpu.yield
    }) : () -> ()
    %min3A = arith.constant 125 : i32
    %min3A_62 = arith.constant 124 : i32
    %min3A_63 = arith.minsi %min3A, %min3A_62 : i32
    %mul3A_64 = arith.constant 80 : i32
    %mul3A_65 = arith.muli %min3A_63, %mul3A_64 : i32
    %add3A_66 = arith.addi %mul3A_28, %mul3A_65 : i32
    %multiple_of3A_67 = tpu.assume_multiple %add3A_66, 16 : i32
    %dma_start3A_68 = arith.constant 0 : i32
    %dma_start3A_69 = tpu.memref_slice %arg4[%multiple_of3A_67, %dma_start3A_68] : memref<320000x128xf32, #tpu.memory_space<hbm>> -> memref<80x128xf32, #tpu.memory_space<hbm>>
    %dma_start3A_70 = arith.constant 0 : i32
    %dma_start3A_71 = tpu.memref_slice %arg4[%multiple_of3A_67, %dma_start3A_70] : memref<320000x128xf32, #tpu.memory_space<hbm>> -> memref<80x128xf32, #tpu.memory_space<hbm>>
    tpu.enqueue_dma source(%dma_start3A_71 : memref<80x128xf32, #tpu.memory_space<hbm>>) target(%arg14 : memref<80x128xf32, #tpu.memory_space<vmem>>) target_semaphore(%arg19 : memref<!tpu.dma_semaphore, #tpu.memory_space<semaphore_mem>>)
    %add3A_72 = arith.constant 9920 : i32
    %add3A_73 = arith.addi %mul3A_28, %add3A_72 : i32
    %multiple_of3A_74 = tpu.assume_multiple %add3A_73, 16 : i32
    %dma_wait3A_75 = arith.constant 0 : i32
    %dma_wait3A_76 = tpu.memref_slice %arg4[%multiple_of3A_74, %dma_wait3A_75] : memref<320000x128xf32, #tpu.memory_space<hbm>> -> memref<80x128xf32, #tpu.memory_space<hbm>>
    %dma_wait3A_77 = arith.constant 0 : i32
    %dma_wait3A_78 = tpu.memref_slice %arg4[%multiple_of3A_74, %dma_wait3A_77] : memref<320000x128xf32, #tpu.memory_space<hbm>> -> memref<80x128xf32, #tpu.memory_space<hbm>>
    tpu.wait_dma2 semaphore(%arg19 : memref<!tpu.dma_semaphore, #tpu.memory_space<semaphore_mem>>) src(%dma_wait3A_78 : memref<80x128xf32, #tpu.memory_space<hbm>>) dst(%arg14 : memref<80x128xf32, #tpu.memory_space<vmem>>)
    %barrier3A_79 = arith.constant 0 : index
    tpu.barrier barrier_id(%barrier3A_79)
    %mul3A_80 = arith.constant 640 : i32
    %mul3A_81 = arith.muli %arg1, %mul3A_80 : i32
    %run_scoped3A_82 = arith.constant 0 : i32
    %run_scoped3A_83 = arith.constant 0 : i32
    "tpu.region"() ({
      %run_scoped3A_244 = tpu.sem_alloc : memref<!tpu.dma_semaphore, #tpu.memory_space<semaphore_mem>>
      %dma_start3A_245 = arith.constant 0 : i32
      %dma_start3A_246 = tpu.memref_slice %arg10[%run_scoped3A_83, %dma_start3A_245] : memref<3x80xi32, #tpu.memory_space<vmem>> -> memref<1x80xi32, #tpu.memory_space<vmem>>
      %dma_start3A_247 = tpu.memref_squeeze %dma_start3A_246 : memref<1x80xi32, #tpu.memory_space<vmem>> -> memref<80xi32, #tpu.memory_space<vmem>>
      %dma_start3A_248 = arith.constant 0 : i32
      %dma_start3A_249 = tpu.memref_slice %arg5[%arg1, %run_scoped3A_82, %dma_start3A_248] : memref<16x8x80xi32, #tpu.memory_space<hbm>> -> memref<1x1x80xi32, #tpu.memory_space<hbm>>
      %dma_start3A_250 = tpu.memref_squeeze %dma_start3A_249 : memref<1x1x80xi32, #tpu.memory_space<hbm>> -> memref<80xi32, #tpu.memory_space<hbm>>
      %dma_start3A_251 = arith.constant 0 : i32
      %dma_start3A_252 = tpu.memref_slice %arg10[%run_scoped3A_83, %dma_start3A_251] : memref<3x80xi32, #tpu.memory_space<vmem>> -> memref<1x80xi32, #tpu.memory_space<vmem>>
      %dma_start3A_253 = tpu.memref_squeeze %dma_start3A_252 : memref<1x80xi32, #tpu.memory_space<vmem>> -> memref<80xi32, #tpu.memory_space<vmem>>
      %dma_start3A_254 = arith.constant 0 : i32
      %dma_start3A_255 = tpu.memref_slice %arg5[%arg1, %run_scoped3A_82, %dma_start3A_254] : memref<16x8x80xi32, #tpu.memory_space<hbm>> -> memref<1x1x80xi32, #tpu.memory_space<hbm>>
      %dma_start3A_256 = tpu.memref_squeeze %dma_start3A_255 : memref<1x1x80xi32, #tpu.memory_space<hbm>> -> memref<80xi32, #tpu.memory_space<hbm>>
      tpu.enqueue_dma source(%dma_start3A_256 : memref<80xi32, #tpu.memory_space<hbm>>) target(%dma_start3A_253 : memref<80xi32, #tpu.memory_space<vmem>>) target_semaphore(%run_scoped3A_244 : memref<!tpu.dma_semaphore, #tpu.memory_space<semaphore_mem>>)
      %dma_wait3A_257 = arith.constant 0 : i32
      %dma_wait3A_258 = tpu.memref_slice %arg10[%run_scoped3A_83, %dma_wait3A_257] : memref<3x80xi32, #tpu.memory_space<vmem>> -> memref<1x80xi32, #tpu.memory_space<vmem>>
      %dma_wait3A_259 = tpu.memref_squeeze %dma_wait3A_258 : memref<1x80xi32, #tpu.memory_space<vmem>> -> memref<80xi32, #tpu.memory_space<vmem>>
      %dma_wait3A_260 = arith.constant 0 : i32
      %dma_wait3A_261 = tpu.memref_slice %arg5[%arg1, %run_scoped3A_82, %dma_wait3A_260] : memref<16x8x80xi32, #tpu.memory_space<hbm>> -> memref<1x1x80xi32, #tpu.memory_space<hbm>>
      %dma_wait3A_262 = tpu.memref_squeeze %dma_wait3A_261 : memref<1x1x80xi32, #tpu.memory_space<hbm>> -> memref<80xi32, #tpu.memory_space<hbm>>
      %dma_wait3A_263 = arith.constant 0 : i32
      %dma_wait3A_264 = tpu.memref_slice %arg10[%run_scoped3A_83, %dma_wait3A_263] : memref<3x80xi32, #tpu.memory_space<vmem>> -> memref<1x80xi32, #tpu.memory_space<vmem>>
      %dma_wait3A_265 = tpu.memref_squeeze %dma_wait3A_264 : memref<1x80xi32, #tpu.memory_space<vmem>> -> memref<80xi32, #tpu.memory_space<vmem>>
      %dma_wait3A_266 = arith.constant 0 : i32
      %dma_wait3A_267 = tpu.memref_slice %arg5[%arg1, %run_scoped3A_82, %dma_wait3A_266] : memref<16x8x80xi32, #tpu.memory_space<hbm>> -> memref<1x1x80xi32, #tpu.memory_space<hbm>>
      %dma_wait3A_268 = tpu.memref_squeeze %dma_wait3A_267 : memref<1x1x80xi32, #tpu.memory_space<hbm>> -> memref<80xi32, #tpu.memory_space<hbm>>
      tpu.wait_dma2 semaphore(%run_scoped3A_244 : memref<!tpu.dma_semaphore, #tpu.memory_space<semaphore_mem>>) src(%dma_wait3A_268 : memref<80xi32, #tpu.memory_space<hbm>>) dst(%dma_wait3A_265 : memref<80xi32, #tpu.memory_space<vmem>>)
      tpu.yield
    }) : () -> ()
    %dma_start3A_84 = arith.constant 0 : i32
    %dma_start3A_85 = arith.constant 0 : i32
    %dma_start3A_86 = tpu.memref_slice %arg10[%dma_start3A_84, %dma_start3A_85] : memref<3x80xi32, #tpu.memory_space<vmem>> -> memref<1x80xi32, #tpu.memory_space<vmem>>
    %dma_start3A_87 = tpu.memref_squeeze %dma_start3A_86 : memref<1x80xi32, #tpu.memory_space<vmem>> -> memref<80xi32, #tpu.memory_space<vmem>>
    %dma_start3A_88 = arith.constant 0 : i32
    %dma_start3A_89 = arith.constant 0 : i32
    %dma_start3A_90 = tpu.memref_slice %arg15[%dma_start3A_88, %dma_start3A_89] : memref<10240x128xf32, #tpu.memory_space<vmem_shared>> -> memref<10240x128xf32, #tpu.memory_space<vmem_shared>>
    tpu.enqueue_indirect_dma source(%dma_start3A_90 : memref<10240x128xf32, #tpu.memory_space<vmem_shared>>) target(%arg12 : memref<80x128xf32, #tpu.memory_space<vmem>>) offsets(%dma_start3A_87 : memref<80xi32, #tpu.memory_space<vmem>>) semaphore(%arg17 : memref<!tpu.dma_semaphore, #tpu.memory_space<semaphore_mem>>)
    %dma_wait3A_91 = arith.constant 0 : i32
    %dma_wait3A_92 = arith.constant 0 : i32
    %dma_wait3A_93 = tpu.memref_slice %arg10[%dma_wait3A_91, %dma_wait3A_92] : memref<3x80xi32, #tpu.memory_space<vmem>> -> memref<1x80xi32, #tpu.memory_space<vmem>>
    %dma_wait3A_94 = tpu.memref_squeeze %dma_wait3A_93 : memref<1x80xi32, #tpu.memory_space<vmem>> -> memref<80xi32, #tpu.memory_space<vmem>>
    %dma_wait3A_95 = arith.constant 0 : i32
    %dma_wait3A_96 = arith.constant 0 : i32
    %dma_wait3A_97 = tpu.memref_slice %arg15[%dma_wait3A_95, %dma_wait3A_96] : memref<10240x128xf32, #tpu.memory_space<vmem_shared>> -> memref<10240x128xf32, #tpu.memory_space<vmem_shared>>
    tpu.wait_indirect_dma semaphore(%arg17 : memref<!tpu.dma_semaphore, #tpu.memory_space<semaphore_mem>>) src(%dma_wait3A_97 : memref<10240x128xf32, #tpu.memory_space<vmem_shared>>) dst(%arg12 : memref<80x128xf32, #tpu.memory_space<vmem>>)
    %add3A_98 = arith.constant 0 : i32
    %add3A_99 = arith.addi %mul3A_81, %add3A_98 : i32
    "tpu.region"() ({
      %run_scoped3A_244 = tpu.sem_alloc : memref<!tpu.dma_semaphore, #tpu.memory_space<semaphore_mem>>
      %dma_start3A_245 = arith.constant 0 : i32
      %dma_start3A_246 = tpu.memref_slice %arg8[%arg0, %add3A_99, %dma_start3A_245] : memref<2x10240x128xf32, #tpu.memory_space<hbm>> -> memref<1x80x128xf32, #tpu.memory_space<hbm>>
      %dma_start3A_247 = tpu.memref_squeeze %dma_start3A_246 : memref<1x80x128xf32, #tpu.memory_space<hbm>> -> memref<80x128xf32, #tpu.memory_space<hbm>>
      %dma_start3A_248 = arith.constant 0 : i32
      %dma_start3A_249 = tpu.memref_slice %arg8[%arg0, %add3A_99, %dma_start3A_248] : memref<2x10240x128xf32, #tpu.memory_space<hbm>> -> memref<1x80x128xf32, #tpu.memory_space<hbm>>
      %dma_start3A_250 = tpu.memref_squeeze %dma_start3A_249 : memref<1x80x128xf32, #tpu.memory_space<hbm>> -> memref<80x128xf32, #tpu.memory_space<hbm>>
      tpu.enqueue_dma source(%arg12 : memref<80x128xf32, #tpu.memory_space<vmem>>) target(%dma_start3A_250 : memref<80x128xf32, #tpu.memory_space<hbm>>) target_semaphore(%run_scoped3A_244 : memref<!tpu.dma_semaphore, #tpu.memory_space<semaphore_mem>>)
      %dma_wait3A_251 = arith.constant 0 : i32
      %dma_wait3A_252 = tpu.memref_slice %arg8[%arg0, %add3A_99, %dma_wait3A_251] : memref<2x10240x128xf32, #tpu.memory_space<hbm>> -> memref<1x80x128xf32, #tpu.memory_space<hbm>>
      %dma_wait3A_253 = tpu.memref_squeeze %dma_wait3A_252 : memref<1x80x128xf32, #tpu.memory_space<hbm>> -> memref<80x128xf32, #tpu.memory_space<hbm>>
      %dma_wait3A_254 = arith.constant 0 : i32
      %dma_wait3A_255 = tpu.memref_slice %arg8[%arg0, %add3A_99, %dma_wait3A_254] : memref<2x10240x128xf32, #tpu.memory_space<hbm>> -> memref<1x80x128xf32, #tpu.memory_space<hbm>>
      %dma_wait3A_256 = tpu.memref_squeeze %dma_wait3A_255 : memref<1x80x128xf32, #tpu.memory_space<hbm>> -> memref<80x128xf32, #tpu.memory_space<hbm>>
      tpu.wait_dma2 semaphore(%run_scoped3A_244 : memref<!tpu.dma_semaphore, #tpu.memory_space<semaphore_mem>>) src(%arg12 : memref<80x128xf32, #tpu.memory_space<vmem>>) dst(%dma_wait3A_256 : memref<80x128xf32, #tpu.memory_space<hbm>>)
      tpu.yield
    }) : () -> ()
    %run_scoped3A_100 = arith.constant 1 : i32
    %run_scoped3A_101 = arith.constant 0 : i32
    "tpu.region"() ({
      %run_scoped3A_244 = tpu.sem_alloc : memref<!tpu.dma_semaphore, #tpu.memory_space<semaphore_mem>>
      %dma_start3A_245 = arith.constant 0 : i32
      %dma_start3A_246 = tpu.memref_slice %arg10[%run_scoped3A_101, %dma_start3A_245] : memref<3x80xi32, #tpu.memory_space<vmem>> -> memref<1x80xi32, #tpu.memory_space<vmem>>
      %dma_start3A_247 = tpu.memref_squeeze %dma_start3A_246 : memref<1x80xi32, #tpu.memory_space<vmem>> -> memref<80xi32, #tpu.memory_space<vmem>>
      %dma_start3A_248 = arith.constant 0 : i32
      %dma_start3A_249 = tpu.memref_slice %arg5[%arg1, %run_scoped3A_100, %dma_start3A_248] : memref<16x8x80xi32, #tpu.memory_space<hbm>> -> memref<1x1x80xi32, #tpu.memory_space<hbm>>
      %dma_start3A_250 = tpu.memref_squeeze %dma_start3A_249 : memref<1x1x80xi32, #tpu.memory_space<hbm>> -> memref<80xi32, #tpu.memory_space<hbm>>
      %dma_start3A_251 = arith.constant 0 : i32
      %dma_start3A_252 = tpu.memref_slice %arg10[%run_scoped3A_101, %dma_start3A_251] : memref<3x80xi32, #tpu.memory_space<vmem>> -> memref<1x80xi32, #tpu.memory_space<vmem>>
      %dma_start3A_253 = tpu.memref_squeeze %dma_start3A_252 : memref<1x80xi32, #tpu.memory_space<vmem>> -> memref<80xi32, #tpu.memory_space<vmem>>
      %dma_start3A_254 = arith.constant 0 : i32
      %dma_start3A_255 = tpu.memref_slice %arg5[%arg1, %run_scoped3A_100, %dma_start3A_254] : memref<16x8x80xi32, #tpu.memory_space<hbm>> -> memref<1x1x80xi32, #tpu.memory_space<hbm>>
      %dma_start3A_256 = tpu.memref_squeeze %dma_start3A_255 : memref<1x1x80xi32, #tpu.memory_space<hbm>> -> memref<80xi32, #tpu.memory_space<hbm>>
      tpu.enqueue_dma source(%dma_start3A_256 : memref<80xi32, #tpu.memory_space<hbm>>) target(%dma_start3A_253 : memref<80xi32, #tpu.memory_space<vmem>>) target_semaphore(%run_scoped3A_244 : memref<!tpu.dma_semaphore, #tpu.memory_space<semaphore_mem>>)
      %dma_wait3A_257 = arith.constant 0 : i32
      %dma_wait3A_258 = tpu.memref_slice %arg10[%run_scoped3A_101, %dma_wait3A_257] : memref<3x80xi32, #tpu.memory_space<vmem>> -> memref<1x80xi32, #tpu.memory_space<vmem>>
      %dma_wait3A_259 = tpu.memref_squeeze %dma_wait3A_258 : memref<1x80xi32, #tpu.memory_space<vmem>> -> memref<80xi32, #tpu.memory_space<vmem>>
      %dma_wait3A_260 = arith.constant 0 : i32
      %dma_wait3A_261 = tpu.memref_slice %arg5[%arg1, %run_scoped3A_100, %dma_wait3A_260] : memref<16x8x80xi32, #tpu.memory_space<hbm>> -> memref<1x1x80xi32, #tpu.memory_space<hbm>>
      %dma_wait3A_262 = tpu.memref_squeeze %dma_wait3A_261 : memref<1x1x80xi32, #tpu.memory_space<hbm>> -> memref<80xi32, #tpu.memory_space<hbm>>
      %dma_wait3A_263 = arith.constant 0 : i32
      %dma_wait3A_264 = tpu.memref_slice %arg10[%run_scoped3A_101, %dma_wait3A_263] : memref<3x80xi32, #tpu.memory_space<vmem>> -> memref<1x80xi32, #tpu.memory_space<vmem>>
      %dma_wait3A_265 = tpu.memref_squeeze %dma_wait3A_264 : memref<1x80xi32, #tpu.memory_space<vmem>> -> memref<80xi32, #tpu.memory_space<vmem>>
      %dma_wait3A_266 = arith.constant 0 : i32
      %dma_wait3A_267 = tpu.memref_slice %arg5[%arg1, %run_scoped3A_100, %dma_wait3A_266] : memref<16x8x80xi32, #tpu.memory_space<hbm>> -> memref<1x1x80xi32, #tpu.memory_space<hbm>>
      %dma_wait3A_268 = tpu.memref_squeeze %dma_wait3A_267 : memref<1x1x80xi32, #tpu.memory_space<hbm>> -> memref<80xi32, #tpu.memory_space<hbm>>
      tpu.wait_dma2 semaphore(%run_scoped3A_244 : memref<!tpu.dma_semaphore, #tpu.memory_space<semaphore_mem>>) src(%dma_wait3A_268 : memref<80xi32, #tpu.memory_space<hbm>>) dst(%dma_wait3A_265 : memref<80xi32, #tpu.memory_space<vmem>>)
      tpu.yield
    }) : () -> ()
    %dma_start3A_102 = arith.constant 0 : i32
    %dma_start3A_103 = arith.constant 0 : i32
    %dma_start3A_104 = tpu.memref_slice %arg10[%dma_start3A_102, %dma_start3A_103] : memref<3x80xi32, #tpu.memory_space<vmem>> -> memref<1x80xi32, #tpu.memory_space<vmem>>
    %dma_start3A_105 = tpu.memref_squeeze %dma_start3A_104 : memref<1x80xi32, #tpu.memory_space<vmem>> -> memref<80xi32, #tpu.memory_space<vmem>>
    %dma_start3A_106 = arith.constant 0 : i32
    %dma_start3A_107 = arith.constant 0 : i32
    %dma_start3A_108 = tpu.memref_slice %arg15[%dma_start3A_106, %dma_start3A_107] : memref<10240x128xf32, #tpu.memory_space<vmem_shared>> -> memref<10240x128xf32, #tpu.memory_space<vmem_shared>>
    tpu.enqueue_indirect_dma source(%dma_start3A_108 : memref<10240x128xf32, #tpu.memory_space<vmem_shared>>) target(%arg12 : memref<80x128xf32, #tpu.memory_space<vmem>>) offsets(%dma_start3A_105 : memref<80xi32, #tpu.memory_space<vmem>>) semaphore(%arg17 : memref<!tpu.dma_semaphore, #tpu.memory_space<semaphore_mem>>)
    %dma_wait3A_109 = arith.constant 0 : i32
    %dma_wait3A_110 = arith.constant 0 : i32
    %dma_wait3A_111 = tpu.memref_slice %arg10[%dma_wait3A_109, %dma_wait3A_110] : memref<3x80xi32, #tpu.memory_space<vmem>> -> memref<1x80xi32, #tpu.memory_space<vmem>>
    %dma_wait3A_112 = tpu.memref_squeeze %dma_wait3A_111 : memref<1x80xi32, #tpu.memory_space<vmem>> -> memref<80xi32, #tpu.memory_space<vmem>>
    %dma_wait3A_113 = arith.constant 0 : i32
    %dma_wait3A_114 = arith.constant 0 : i32
    %dma_wait3A_115 = tpu.memref_slice %arg15[%dma_wait3A_113, %dma_wait3A_114] : memref<10240x128xf32, #tpu.memory_space<vmem_shared>> -> memref<10240x128xf32, #tpu.memory_space<vmem_shared>>
    tpu.wait_indirect_dma semaphore(%arg17 : memref<!tpu.dma_semaphore, #tpu.memory_space<semaphore_mem>>) src(%dma_wait3A_115 : memref<10240x128xf32, #tpu.memory_space<vmem_shared>>) dst(%arg12 : memref<80x128xf32, #tpu.memory_space<vmem>>)
    %add3A_116 = arith.constant 80 : i32
    %add3A_117 = arith.addi %mul3A_81, %add3A_116 : i32
    "tpu.region"() ({
      %run_scoped3A_244 = tpu.sem_alloc : memref<!tpu.dma_semaphore, #tpu.memory_space<semaphore_mem>>
      %dma_start3A_245 = arith.constant 0 : i32
      %dma_start3A_246 = tpu.memref_slice %arg8[%arg0, %add3A_117, %dma_start3A_245] : memref<2x10240x128xf32, #tpu.memory_space<hbm>> -> memref<1x80x128xf32, #tpu.memory_space<hbm>>
      %dma_start3A_247 = tpu.memref_squeeze %dma_start3A_246 : memref<1x80x128xf32, #tpu.memory_space<hbm>> -> memref<80x128xf32, #tpu.memory_space<hbm>>
      %dma_start3A_248 = arith.constant 0 : i32
      %dma_start3A_249 = tpu.memref_slice %arg8[%arg0, %add3A_117, %dma_start3A_248] : memref<2x10240x128xf32, #tpu.memory_space<hbm>> -> memref<1x80x128xf32, #tpu.memory_space<hbm>>
      %dma_start3A_250 = tpu.memref_squeeze %dma_start3A_249 : memref<1x80x128xf32, #tpu.memory_space<hbm>> -> memref<80x128xf32, #tpu.memory_space<hbm>>
      tpu.enqueue_dma source(%arg12 : memref<80x128xf32, #tpu.memory_space<vmem>>) target(%dma_start3A_250 : memref<80x128xf32, #tpu.memory_space<hbm>>) target_semaphore(%run_scoped3A_244 : memref<!tpu.dma_semaphore, #tpu.memory_space<semaphore_mem>>)
      %dma_wait3A_251 = arith.constant 0 : i32
      %dma_wait3A_252 = tpu.memref_slice %arg8[%arg0, %add3A_117, %dma_wait3A_251] : memref<2x10240x128xf32, #tpu.memory_space<hbm>> -> memref<1x80x128xf32, #tpu.memory_space<hbm>>
      %dma_wait3A_253 = tpu.memref_squeeze %dma_wait3A_252 : memref<1x80x128xf32, #tpu.memory_space<hbm>> -> memref<80x128xf32, #tpu.memory_space<hbm>>
      %dma_wait3A_254 = arith.constant 0 : i32
      %dma_wait3A_255 = tpu.memref_slice %arg8[%arg0, %add3A_117, %dma_wait3A_254] : memref<2x10240x128xf32, #tpu.memory_space<hbm>> -> memref<1x80x128xf32, #tpu.memory_space<hbm>>
      %dma_wait3A_256 = tpu.memref_squeeze %dma_wait3A_255 : memref<1x80x128xf32, #tpu.memory_space<hbm>> -> memref<80x128xf32, #tpu.memory_space<hbm>>
      tpu.wait_dma2 semaphore(%run_scoped3A_244 : memref<!tpu.dma_semaphore, #tpu.memory_space<semaphore_mem>>) src(%arg12 : memref<80x128xf32, #tpu.memory_space<vmem>>) dst(%dma_wait3A_256 : memref<80x128xf32, #tpu.memory_space<hbm>>)
      tpu.yield
    }) : () -> ()
    %run_scoped3A_118 = arith.constant 2 : i32
    %run_scoped3A_119 = arith.constant 0 : i32
    "tpu.region"() ({
      %run_scoped3A_244 = tpu.sem_alloc : memref<!tpu.dma_semaphore, #tpu.memory_space<semaphore_mem>>
      %dma_start3A_245 = arith.constant 0 : i32
      %dma_start3A_246 = tpu.memref_slice %arg10[%run_scoped3A_119, %dma_start3A_245] : memref<3x80xi32, #tpu.memory_space<vmem>> -> memref<1x80xi32, #tpu.memory_space<vmem>>
      %dma_start3A_247 = tpu.memref_squeeze %dma_start3A_246 : memref<1x80xi32, #tpu.memory_space<vmem>> -> memref<80xi32, #tpu.memory_space<vmem>>
      %dma_start3A_248 = arith.constant 0 : i32
      %dma_start3A_249 = tpu.memref_slice %arg5[%arg1, %run_scoped3A_118, %dma_start3A_248] : memref<16x8x80xi32, #tpu.memory_space<hbm>> -> memref<1x1x80xi32, #tpu.memory_space<hbm>>
      %dma_start3A_250 = tpu.memref_squeeze %dma_start3A_249 : memref<1x1x80xi32, #tpu.memory_space<hbm>> -> memref<80xi32, #tpu.memory_space<hbm>>
      %dma_start3A_251 = arith.constant 0 : i32
      %dma_start3A_252 = tpu.memref_slice %arg10[%run_scoped3A_119, %dma_start3A_251] : memref<3x80xi32, #tpu.memory_space<vmem>> -> memref<1x80xi32, #tpu.memory_space<vmem>>
      %dma_start3A_253 = tpu.memref_squeeze %dma_start3A_252 : memref<1x80xi32, #tpu.memory_space<vmem>> -> memref<80xi32, #tpu.memory_space<vmem>>
      %dma_start3A_254 = arith.constant 0 : i32
      %dma_start3A_255 = tpu.memref_slice %arg5[%arg1, %run_scoped3A_118, %dma_start3A_254] : memref<16x8x80xi32, #tpu.memory_space<hbm>> -> memref<1x1x80xi32, #tpu.memory_space<hbm>>
      %dma_start3A_256 = tpu.memref_squeeze %dma_start3A_255 : memref<1x1x80xi32, #tpu.memory_space<hbm>> -> memref<80xi32, #tpu.memory_space<hbm>>
      tpu.enqueue_dma source(%dma_start3A_256 : memref<80xi32, #tpu.memory_space<hbm>>) target(%dma_start3A_253 : memref<80xi32, #tpu.memory_space<vmem>>) target_semaphore(%run_scoped3A_244 : memref<!tpu.dma_semaphore, #tpu.memory_space<semaphore_mem>>)
      %dma_wait3A_257 = arith.constant 0 : i32
      %dma_wait3A_258 = tpu.memref_slice %arg10[%run_scoped3A_119, %dma_wait3A_257] : memref<3x80xi32, #tpu.memory_space<vmem>> -> memref<1x80xi32, #tpu.memory_space<vmem>>
      %dma_wait3A_259 = tpu.memref_squeeze %dma_wait3A_258 : memref<1x80xi32, #tpu.memory_space<vmem>> -> memref<80xi32, #tpu.memory_space<vmem>>
      %dma_wait3A_260 = arith.constant 0 : i32
      %dma_wait3A_261 = tpu.memref_slice %arg5[%arg1, %run_scoped3A_118, %dma_wait3A_260] : memref<16x8x80xi32, #tpu.memory_space<hbm>> -> memref<1x1x80xi32, #tpu.memory_space<hbm>>
      %dma_wait3A_262 = tpu.memref_squeeze %dma_wait3A_261 : memref<1x1x80xi32, #tpu.memory_space<hbm>> -> memref<80xi32, #tpu.memory_space<hbm>>
      %dma_wait3A_263 = arith.constant 0 : i32
      %dma_wait3A_264 = tpu.memref_slice %arg10[%run_scoped3A_119, %dma_wait3A_263] : memref<3x80xi32, #tpu.memory_space<vmem>> -> memref<1x80xi32, #tpu.memory_space<vmem>>
      %dma_wait3A_265 = tpu.memref_squeeze %dma_wait3A_264 : memref<1x80xi32, #tpu.memory_space<vmem>> -> memref<80xi32, #tpu.memory_space<vmem>>
      %dma_wait3A_266 = arith.constant 0 : i32
      %dma_wait3A_267 = tpu.memref_slice %arg5[%arg1, %run_scoped3A_118, %dma_wait3A_266] : memref<16x8x80xi32, #tpu.memory_space<hbm>> -> memref<1x1x80xi32, #tpu.memory_space<hbm>>
      %dma_wait3A_268 = tpu.memref_squeeze %dma_wait3A_267 : memref<1x1x80xi32, #tpu.memory_space<hbm>> -> memref<80xi32, #tpu.memory_space<hbm>>
      tpu.wait_dma2 semaphore(%run_scoped3A_244 : memref<!tpu.dma_semaphore, #tpu.memory_space<semaphore_mem>>) src(%dma_wait3A_268 : memref<80xi32, #tpu.memory_space<hbm>>) dst(%dma_wait3A_265 : memref<80xi32, #tpu.memory_space<vmem>>)
      tpu.yield
    }) : () -> ()
    %dma_start3A_120 = arith.constant 0 : i32
    %dma_start3A_121 = arith.constant 0 : i32
    %dma_start3A_122 = tpu.memref_slice %arg10[%dma_start3A_120, %dma_start3A_121] : memref<3x80xi32, #tpu.memory_space<vmem>> -> memref<1x80xi32, #tpu.memory_space<vmem>>
    %dma_start3A_123 = tpu.memref_squeeze %dma_start3A_122 : memref<1x80xi32, #tpu.memory_space<vmem>> -> memref<80xi32, #tpu.memory_space<vmem>>
    %dma_start3A_124 = arith.constant 0 : i32
    %dma_start3A_125 = arith.constant 0 : i32
    %dma_start3A_126 = tpu.memref_slice %arg15[%dma_start3A_124, %dma_start3A_125] : memref<10240x128xf32, #tpu.memory_space<vmem_shared>> -> memref<10240x128xf32, #tpu.memory_space<vmem_shared>>
    tpu.enqueue_indirect_dma source(%dma_start3A_126 : memref<10240x128xf32, #tpu.memory_space<vmem_shared>>) target(%arg12 : memref<80x128xf32, #tpu.memory_space<vmem>>) offsets(%dma_start3A_123 : memref<80xi32, #tpu.memory_space<vmem>>) semaphore(%arg17 : memref<!tpu.dma_semaphore, #tpu.memory_space<semaphore_mem>>)
    %dma_wait3A_127 = arith.constant 0 : i32
    %dma_wait3A_128 = arith.constant 0 : i32
    %dma_wait3A_129 = tpu.memref_slice %arg10[%dma_wait3A_127, %dma_wait3A_128] : memref<3x80xi32, #tpu.memory_space<vmem>> -> memref<1x80xi32, #tpu.memory_space<vmem>>
    %dma_wait3A_130 = tpu.memref_squeeze %dma_wait3A_129 : memref<1x80xi32, #tpu.memory_space<vmem>> -> memref<80xi32, #tpu.memory_space<vmem>>
    %dma_wait3A_131 = arith.constant 0 : i32
    %dma_wait3A_132 = arith.constant 0 : i32
    %dma_wait3A_133 = tpu.memref_slice %arg15[%dma_wait3A_131, %dma_wait3A_132] : memref<10240x128xf32, #tpu.memory_space<vmem_shared>> -> memref<10240x128xf32, #tpu.memory_space<vmem_shared>>
    tpu.wait_indirect_dma semaphore(%arg17 : memref<!tpu.dma_semaphore, #tpu.memory_space<semaphore_mem>>) src(%dma_wait3A_133 : memref<10240x128xf32, #tpu.memory_space<vmem_shared>>) dst(%arg12 : memref<80x128xf32, #tpu.memory_space<vmem>>)
    %add3A_134 = arith.constant 160 : i32
    %add3A_135 = arith.addi %mul3A_81, %add3A_134 : i32
    "tpu.region"() ({
      %run_scoped3A_244 = tpu.sem_alloc : memref<!tpu.dma_semaphore, #tpu.memory_space<semaphore_mem>>
      %dma_start3A_245 = arith.constant 0 : i32
      %dma_start3A_246 = tpu.memref_slice %arg8[%arg0, %add3A_135, %dma_start3A_245] : memref<2x10240x128xf32, #tpu.memory_space<hbm>> -> memref<1x80x128xf32, #tpu.memory_space<hbm>>
      %dma_start3A_247 = tpu.memref_squeeze %dma_start3A_246 : memref<1x80x128xf32, #tpu.memory_space<hbm>> -> memref<80x128xf32, #tpu.memory_space<hbm>>
      %dma_start3A_248 = arith.constant 0 : i32
      %dma_start3A_249 = tpu.memref_slice %arg8[%arg0, %add3A_135, %dma_start3A_248] : memref<2x10240x128xf32, #tpu.memory_space<hbm>> -> memref<1x80x128xf32, #tpu.memory_space<hbm>>
      %dma_start3A_250 = tpu.memref_squeeze %dma_start3A_249 : memref<1x80x128xf32, #tpu.memory_space<hbm>> -> memref<80x128xf32, #tpu.memory_space<hbm>>
      tpu.enqueue_dma source(%arg12 : memref<80x128xf32, #tpu.memory_space<vmem>>) target(%dma_start3A_250 : memref<80x128xf32, #tpu.memory_space<hbm>>) target_semaphore(%run_scoped3A_244 : memref<!tpu.dma_semaphore, #tpu.memory_space<semaphore_mem>>)
      %dma_wait3A_251 = arith.constant 0 : i32
      %dma_wait3A_252 = tpu.memref_slice %arg8[%arg0, %add3A_135, %dma_wait3A_251] : memref<2x10240x128xf32, #tpu.memory_space<hbm>> -> memref<1x80x128xf32, #tpu.memory_space<hbm>>
      %dma_wait3A_253 = tpu.memref_squeeze %dma_wait3A_252 : memref<1x80x128xf32, #tpu.memory_space<hbm>> -> memref<80x128xf32, #tpu.memory_space<hbm>>
      %dma_wait3A_254 = arith.constant 0 : i32
      %dma_wait3A_255 = tpu.memref_slice %arg8[%arg0, %add3A_135, %dma_wait3A_254] : memref<2x10240x128xf32, #tpu.memory_space<hbm>> -> memref<1x80x128xf32, #tpu.memory_space<hbm>>
      %dma_wait3A_256 = tpu.memref_squeeze %dma_wait3A_255 : memref<1x80x128xf32, #tpu.memory_space<hbm>> -> memref<80x128xf32, #tpu.memory_space<hbm>>
      tpu.wait_dma2 semaphore(%run_scoped3A_244 : memref<!tpu.dma_semaphore, #tpu.memory_space<semaphore_mem>>) src(%arg12 : memref<80x128xf32, #tpu.memory_space<vmem>>) dst(%dma_wait3A_256 : memref<80x128xf32, #tpu.memory_space<hbm>>)
      tpu.yield
    }) : () -> ()
    %run_scoped3A_136 = arith.constant 3 : i32
    %run_scoped3A_137 = arith.constant 0 : i32
    "tpu.region"() ({
      %run_scoped3A_244 = tpu.sem_alloc : memref<!tpu.dma_semaphore, #tpu.memory_space<semaphore_mem>>
      %dma_start3A_245 = arith.constant 0 : i32
      %dma_start3A_246 = tpu.memref_slice %arg10[%run_scoped3A_137, %dma_start3A_245] : memref<3x80xi32, #tpu.memory_space<vmem>> -> memref<1x80xi32, #tpu.memory_space<vmem>>
      %dma_start3A_247 = tpu.memref_squeeze %dma_start3A_246 : memref<1x80xi32, #tpu.memory_space<vmem>> -> memref<80xi32, #tpu.memory_space<vmem>>
      %dma_start3A_248 = arith.constant 0 : i32
      %dma_start3A_249 = tpu.memref_slice %arg5[%arg1, %run_scoped3A_136, %dma_start3A_248] : memref<16x8x80xi32, #tpu.memory_space<hbm>> -> memref<1x1x80xi32, #tpu.memory_space<hbm>>
      %dma_start3A_250 = tpu.memref_squeeze %dma_start3A_249 : memref<1x1x80xi32, #tpu.memory_space<hbm>> -> memref<80xi32, #tpu.memory_space<hbm>>
      %dma_start3A_251 = arith.constant 0 : i32
      %dma_start3A_252 = tpu.memref_slice %arg10[%run_scoped3A_137, %dma_start3A_251] : memref<3x80xi32, #tpu.memory_space<vmem>> -> memref<1x80xi32, #tpu.memory_space<vmem>>
      %dma_start3A_253 = tpu.memref_squeeze %dma_start3A_252 : memref<1x80xi32, #tpu.memory_space<vmem>> -> memref<80xi32, #tpu.memory_space<vmem>>
      %dma_start3A_254 = arith.constant 0 : i32
      %dma_start3A_255 = tpu.memref_slice %arg5[%arg1, %run_scoped3A_136, %dma_start3A_254] : memref<16x8x80xi32, #tpu.memory_space<hbm>> -> memref<1x1x80xi32, #tpu.memory_space<hbm>>
      %dma_start3A_256 = tpu.memref_squeeze %dma_start3A_255 : memref<1x1x80xi32, #tpu.memory_space<hbm>> -> memref<80xi32, #tpu.memory_space<hbm>>
      tpu.enqueue_dma source(%dma_start3A_256 : memref<80xi32, #tpu.memory_space<hbm>>) target(%dma_start3A_253 : memref<80xi32, #tpu.memory_space<vmem>>) target_semaphore(%run_scoped3A_244 : memref<!tpu.dma_semaphore, #tpu.memory_space<semaphore_mem>>)
      %dma_wait3A_257 = arith.constant 0 : i32
      %dma_wait3A_258 = tpu.memref_slice %arg10[%run_scoped3A_137, %dma_wait3A_257] : memref<3x80xi32, #tpu.memory_space<vmem>> -> memref<1x80xi32, #tpu.memory_space<vmem>>
      %dma_wait3A_259 = tpu.memref_squeeze %dma_wait3A_258 : memref<1x80xi32, #tpu.memory_space<vmem>> -> memref<80xi32, #tpu.memory_space<vmem>>
      %dma_wait3A_260 = arith.constant 0 : i32
      %dma_wait3A_261 = tpu.memref_slice %arg5[%arg1, %run_scoped3A_136, %dma_wait3A_260] : memref<16x8x80xi32, #tpu.memory_space<hbm>> -> memref<1x1x80xi32, #tpu.memory_space<hbm>>
      %dma_wait3A_262 = tpu.memref_squeeze %dma_wait3A_261 : memref<1x1x80xi32, #tpu.memory_space<hbm>> -> memref<80xi32, #tpu.memory_space<hbm>>
      %dma_wait3A_263 = arith.constant 0 : i32
      %dma_wait3A_264 = tpu.memref_slice %arg10[%run_scoped3A_137, %dma_wait3A_263] : memref<3x80xi32, #tpu.memory_space<vmem>> -> memref<1x80xi32, #tpu.memory_space<vmem>>
      %dma_wait3A_265 = tpu.memref_squeeze %dma_wait3A_264 : memref<1x80xi32, #tpu.memory_space<vmem>> -> memref<80xi32, #tpu.memory_space<vmem>>
      %dma_wait3A_266 = arith.constant 0 : i32
      %dma_wait3A_267 = tpu.memref_slice %arg5[%arg1, %run_scoped3A_136, %dma_wait3A_266] : memref<16x8x80xi32, #tpu.memory_space<hbm>> -> memref<1x1x80xi32, #tpu.memory_space<hbm>>
      %dma_wait3A_268 = tpu.memref_squeeze %dma_wait3A_267 : memref<1x1x80xi32, #tpu.memory_space<hbm>> -> memref<80xi32, #tpu.memory_space<hbm>>
      tpu.wait_dma2 semaphore(%run_scoped3A_244 : memref<!tpu.dma_semaphore, #tpu.memory_space<semaphore_mem>>) src(%dma_wait3A_268 : memref<80xi32, #tpu.memory_space<hbm>>) dst(%dma_wait3A_265 : memref<80xi32, #tpu.memory_space<vmem>>)
      tpu.yield
    }) : () -> ()
    %dma_start3A_138 = arith.constant 0 : i32
    %dma_start3A_139 = arith.constant 0 : i32
    %dma_start3A_140 = tpu.memref_slice %arg10[%dma_start3A_138, %dma_start3A_139] : memref<3x80xi32, #tpu.memory_space<vmem>> -> memref<1x80xi32, #tpu.memory_space<vmem>>
    %dma_start3A_141 = tpu.memref_squeeze %dma_start3A_140 : memref<1x80xi32, #tpu.memory_space<vmem>> -> memref<80xi32, #tpu.memory_space<vmem>>
    %dma_start3A_142 = arith.constant 0 : i32
    %dma_start3A_143 = arith.constant 0 : i32
    %dma_start3A_144 = tpu.memref_slice %arg15[%dma_start3A_142, %dma_start3A_143] : memref<10240x128xf32, #tpu.memory_space<vmem_shared>> -> memref<10240x128xf32, #tpu.memory_space<vmem_shared>>
    tpu.enqueue_indirect_dma source(%dma_start3A_144 : memref<10240x128xf32, #tpu.memory_space<vmem_shared>>) target(%arg12 : memref<80x128xf32, #tpu.memory_space<vmem>>) offsets(%dma_start3A_141 : memref<80xi32, #tpu.memory_space<vmem>>) semaphore(%arg17 : memref<!tpu.dma_semaphore, #tpu.memory_space<semaphore_mem>>)
    %dma_wait3A_145 = arith.constant 0 : i32
    %dma_wait3A_146 = arith.constant 0 : i32
    %dma_wait3A_147 = tpu.memref_slice %arg10[%dma_wait3A_145, %dma_wait3A_146] : memref<3x80xi32, #tpu.memory_space<vmem>> -> memref<1x80xi32, #tpu.memory_space<vmem>>
    %dma_wait3A_148 = tpu.memref_squeeze %dma_wait3A_147 : memref<1x80xi32, #tpu.memory_space<vmem>> -> memref<80xi32, #tpu.memory_space<vmem>>
    %dma_wait3A_149 = arith.constant 0 : i32
    %dma_wait3A_150 = arith.constant 0 : i32
    %dma_wait3A_151 = tpu.memref_slice %arg15[%dma_wait3A_149, %dma_wait3A_150] : memref<10240x128xf32, #tpu.memory_space<vmem_shared>> -> memref<10240x128xf32, #tpu.memory_space<vmem_shared>>
    tpu.wait_indirect_dma semaphore(%arg17 : memref<!tpu.dma_semaphore, #tpu.memory_space<semaphore_mem>>) src(%dma_wait3A_151 : memref<10240x128xf32, #tpu.memory_space<vmem_shared>>) dst(%arg12 : memref<80x128xf32, #tpu.memory_space<vmem>>)
    %add3A_152 = arith.constant 240 : i32
    %add3A_153 = arith.addi %mul3A_81, %add3A_152 : i32
    "tpu.region"() ({
      %run_scoped3A_244 = tpu.sem_alloc : memref<!tpu.dma_semaphore, #tpu.memory_space<semaphore_mem>>
      %dma_start3A_245 = arith.constant 0 : i32
      %dma_start3A_246 = tpu.memref_slice %arg8[%arg0, %add3A_153, %dma_start3A_245] : memref<2x10240x128xf32, #tpu.memory_space<hbm>> -> memref<1x80x128xf32, #tpu.memory_space<hbm>>
      %dma_start3A_247 = tpu.memref_squeeze %dma_start3A_246 : memref<1x80x128xf32, #tpu.memory_space<hbm>> -> memref<80x128xf32, #tpu.memory_space<hbm>>
      %dma_start3A_248 = arith.constant 0 : i32
      %dma_start3A_249 = tpu.memref_slice %arg8[%arg0, %add3A_153, %dma_start3A_248] : memref<2x10240x128xf32, #tpu.memory_space<hbm>> -> memref<1x80x128xf32, #tpu.memory_space<hbm>>
      %dma_start3A_250 = tpu.memref_squeeze %dma_start3A_249 : memref<1x80x128xf32, #tpu.memory_space<hbm>> -> memref<80x128xf32, #tpu.memory_space<hbm>>
      tpu.enqueue_dma source(%arg12 : memref<80x128xf32, #tpu.memory_space<vmem>>) target(%dma_start3A_250 : memref<80x128xf32, #tpu.memory_space<hbm>>) target_semaphore(%run_scoped3A_244 : memref<!tpu.dma_semaphore, #tpu.memory_space<semaphore_mem>>)
      %dma_wait3A_251 = arith.constant 0 : i32
      %dma_wait3A_252 = tpu.memref_slice %arg8[%arg0, %add3A_153, %dma_wait3A_251] : memref<2x10240x128xf32, #tpu.memory_space<hbm>> -> memref<1x80x128xf32, #tpu.memory_space<hbm>>
      %dma_wait3A_253 = tpu.memref_squeeze %dma_wait3A_252 : memref<1x80x128xf32, #tpu.memory_space<hbm>> -> memref<80x128xf32, #tpu.memory_space<hbm>>
      %dma_wait3A_254 = arith.constant 0 : i32
      %dma_wait3A_255 = tpu.memref_slice %arg8[%arg0, %add3A_153, %dma_wait3A_254] : memref<2x10240x128xf32, #tpu.memory_space<hbm>> -> memref<1x80x128xf32, #tpu.memory_space<hbm>>
      %dma_wait3A_256 = tpu.memref_squeeze %dma_wait3A_255 : memref<1x80x128xf32, #tpu.memory_space<hbm>> -> memref<80x128xf32, #tpu.memory_space<hbm>>
      tpu.wait_dma2 semaphore(%run_scoped3A_244 : memref<!tpu.dma_semaphore, #tpu.memory_space<semaphore_mem>>) src(%arg12 : memref<80x128xf32, #tpu.memory_space<vmem>>) dst(%dma_wait3A_256 : memref<80x128xf32, #tpu.memory_space<hbm>>)
      tpu.yield
    }) : () -> ()
    %run_scoped3A_154 = arith.constant 4 : i32
    %run_scoped3A_155 = arith.constant 0 : i32
    "tpu.region"() ({
      %run_scoped3A_244 = tpu.sem_alloc : memref<!tpu.dma_semaphore, #tpu.memory_space<semaphore_mem>>
      %dma_start3A_245 = arith.constant 0 : i32
      %dma_start3A_246 = tpu.memref_slice %arg10[%run_scoped3A_155, %dma_start3A_245] : memref<3x80xi32, #tpu.memory_space<vmem>> -> memref<1x80xi32, #tpu.memory_space<vmem>>
      %dma_start3A_247 = tpu.memref_squeeze %dma_start3A_246 : memref<1x80xi32, #tpu.memory_space<vmem>> -> memref<80xi32, #tpu.memory_space<vmem>>
      %dma_start3A_248 = arith.constant 0 : i32
      %dma_start3A_249 = tpu.memref_slice %arg5[%arg1, %run_scoped3A_154, %dma_start3A_248] : memref<16x8x80xi32, #tpu.memory_space<hbm>> -> memref<1x1x80xi32, #tpu.memory_space<hbm>>
      %dma_start3A_250 = tpu.memref_squeeze %dma_start3A_249 : memref<1x1x80xi32, #tpu.memory_space<hbm>> -> memref<80xi32, #tpu.memory_space<hbm>>
      %dma_start3A_251 = arith.constant 0 : i32
      %dma_start3A_252 = tpu.memref_slice %arg10[%run_scoped3A_155, %dma_start3A_251] : memref<3x80xi32, #tpu.memory_space<vmem>> -> memref<1x80xi32, #tpu.memory_space<vmem>>
      %dma_start3A_253 = tpu.memref_squeeze %dma_start3A_252 : memref<1x80xi32, #tpu.memory_space<vmem>> -> memref<80xi32, #tpu.memory_space<vmem>>
      %dma_start3A_254 = arith.constant 0 : i32
      %dma_start3A_255 = tpu.memref_slice %arg5[%arg1, %run_scoped3A_154, %dma_start3A_254] : memref<16x8x80xi32, #tpu.memory_space<hbm>> -> memref<1x1x80xi32, #tpu.memory_space<hbm>>
      %dma_start3A_256 = tpu.memref_squeeze %dma_start3A_255 : memref<1x1x80xi32, #tpu.memory_space<hbm>> -> memref<80xi32, #tpu.memory_space<hbm>>
      tpu.enqueue_dma source(%dma_start3A_256 : memref<80xi32, #tpu.memory_space<hbm>>) target(%dma_start3A_253 : memref<80xi32, #tpu.memory_space<vmem>>) target_semaphore(%run_scoped3A_244 : memref<!tpu.dma_semaphore, #tpu.memory_space<semaphore_mem>>)
      %dma_wait3A_257 = arith.constant 0 : i32
      %dma_wait3A_258 = tpu.memref_slice %arg10[%run_scoped3A_155, %dma_wait3A_257] : memref<3x80xi32, #tpu.memory_space<vmem>> -> memref<1x80xi32, #tpu.memory_space<vmem>>
      %dma_wait3A_259 = tpu.memref_squeeze %dma_wait3A_258 : memref<1x80xi32, #tpu.memory_space<vmem>> -> memref<80xi32, #tpu.memory_space<vmem>>
      %dma_wait3A_260 = arith.constant 0 : i32
      %dma_wait3A_261 = tpu.memref_slice %arg5[%arg1, %run_scoped3A_154, %dma_wait3A_260] : memref<16x8x80xi32, #tpu.memory_space<hbm>> -> memref<1x1x80xi32, #tpu.memory_space<hbm>>
      %dma_wait3A_262 = tpu.memref_squeeze %dma_wait3A_261 : memref<1x1x80xi32, #tpu.memory_space<hbm>> -> memref<80xi32, #tpu.memory_space<hbm>>
      %dma_wait3A_263 = arith.constant 0 : i32
      %dma_wait3A_264 = tpu.memref_slice %arg10[%run_scoped3A_155, %dma_wait3A_263] : memref<3x80xi32, #tpu.memory_space<vmem>> -> memref<1x80xi32, #tpu.memory_space<vmem>>
      %dma_wait3A_265 = tpu.memref_squeeze %dma_wait3A_264 : memref<1x80xi32, #tpu.memory_space<vmem>> -> memref<80xi32, #tpu.memory_space<vmem>>
      %dma_wait3A_266 = arith.constant 0 : i32
      %dma_wait3A_267 = tpu.memref_slice %arg5[%arg1, %run_scoped3A_154, %dma_wait3A_266] : memref<16x8x80xi32, #tpu.memory_space<hbm>> -> memref<1x1x80xi32, #tpu.memory_space<hbm>>
      %dma_wait3A_268 = tpu.memref_squeeze %dma_wait3A_267 : memref<1x1x80xi32, #tpu.memory_space<hbm>> -> memref<80xi32, #tpu.memory_space<hbm>>
      tpu.wait_dma2 semaphore(%run_scoped3A_244 : memref<!tpu.dma_semaphore, #tpu.memory_space<semaphore_mem>>) src(%dma_wait3A_268 : memref<80xi32, #tpu.memory_space<hbm>>) dst(%dma_wait3A_265 : memref<80xi32, #tpu.memory_space<vmem>>)
      tpu.yield
    }) : () -> ()
    %dma_start3A_156 = arith.constant 0 : i32
    %dma_start3A_157 = arith.constant 0 : i32
    %dma_start3A_158 = tpu.memref_slice %arg10[%dma_start3A_156, %dma_start3A_157] : memref<3x80xi32, #tpu.memory_space<vmem>> -> memref<1x80xi32, #tpu.memory_space<vmem>>
    %dma_start3A_159 = tpu.memref_squeeze %dma_start3A_158 : memref<1x80xi32, #tpu.memory_space<vmem>> -> memref<80xi32, #tpu.memory_space<vmem>>
    %dma_start3A_160 = arith.constant 0 : i32
    %dma_start3A_161 = arith.constant 0 : i32
    %dma_start3A_162 = tpu.memref_slice %arg15[%dma_start3A_160, %dma_start3A_161] : memref<10240x128xf32, #tpu.memory_space<vmem_shared>> -> memref<10240x128xf32, #tpu.memory_space<vmem_shared>>
    tpu.enqueue_indirect_dma source(%dma_start3A_162 : memref<10240x128xf32, #tpu.memory_space<vmem_shared>>) target(%arg12 : memref<80x128xf32, #tpu.memory_space<vmem>>) offsets(%dma_start3A_159 : memref<80xi32, #tpu.memory_space<vmem>>) semaphore(%arg17 : memref<!tpu.dma_semaphore, #tpu.memory_space<semaphore_mem>>)
    %dma_wait3A_163 = arith.constant 0 : i32
    %dma_wait3A_164 = arith.constant 0 : i32
    %dma_wait3A_165 = tpu.memref_slice %arg10[%dma_wait3A_163, %dma_wait3A_164] : memref<3x80xi32, #tpu.memory_space<vmem>> -> memref<1x80xi32, #tpu.memory_space<vmem>>
    %dma_wait3A_166 = tpu.memref_squeeze %dma_wait3A_165 : memref<1x80xi32, #tpu.memory_space<vmem>> -> memref<80xi32, #tpu.memory_space<vmem>>
    %dma_wait3A_167 = arith.constant 0 : i32
    %dma_wait3A_168 = arith.constant 0 : i32
    %dma_wait3A_169 = tpu.memref_slice %arg15[%dma_wait3A_167, %dma_wait3A_168] : memref<10240x128xf32, #tpu.memory_space<vmem_shared>> -> memref<10240x128xf32, #tpu.memory_space<vmem_shared>>
    tpu.wait_indirect_dma semaphore(%arg17 : memref<!tpu.dma_semaphore, #tpu.memory_space<semaphore_mem>>) src(%dma_wait3A_169 : memref<10240x128xf32, #tpu.memory_space<vmem_shared>>) dst(%arg12 : memref<80x128xf32, #tpu.memory_space<vmem>>)
    %add3A_170 = arith.constant 320 : i32
    %add3A_171 = arith.addi %mul3A_81, %add3A_170 : i32
    "tpu.region"() ({
      %run_scoped3A_244 = tpu.sem_alloc : memref<!tpu.dma_semaphore, #tpu.memory_space<semaphore_mem>>
      %dma_start3A_245 = arith.constant 0 : i32
      %dma_start3A_246 = tpu.memref_slice %arg8[%arg0, %add3A_171, %dma_start3A_245] : memref<2x10240x128xf32, #tpu.memory_space<hbm>> -> memref<1x80x128xf32, #tpu.memory_space<hbm>>
      %dma_start3A_247 = tpu.memref_squeeze %dma_start3A_246 : memref<1x80x128xf32, #tpu.memory_space<hbm>> -> memref<80x128xf32, #tpu.memory_space<hbm>>
      %dma_start3A_248 = arith.constant 0 : i32
      %dma_start3A_249 = tpu.memref_slice %arg8[%arg0, %add3A_171, %dma_start3A_248] : memref<2x10240x128xf32, #tpu.memory_space<hbm>> -> memref<1x80x128xf32, #tpu.memory_space<hbm>>
      %dma_start3A_250 = tpu.memref_squeeze %dma_start3A_249 : memref<1x80x128xf32, #tpu.memory_space<hbm>> -> memref<80x128xf32, #tpu.memory_space<hbm>>
      tpu.enqueue_dma source(%arg12 : memref<80x128xf32, #tpu.memory_space<vmem>>) target(%dma_start3A_250 : memref<80x128xf32, #tpu.memory_space<hbm>>) target_semaphore(%run_scoped3A_244 : memref<!tpu.dma_semaphore, #tpu.memory_space<semaphore_mem>>)
      %dma_wait3A_251 = arith.constant 0 : i32
      %dma_wait3A_252 = tpu.memref_slice %arg8[%arg0, %add3A_171, %dma_wait3A_251] : memref<2x10240x128xf32, #tpu.memory_space<hbm>> -> memref<1x80x128xf32, #tpu.memory_space<hbm>>
      %dma_wait3A_253 = tpu.memref_squeeze %dma_wait3A_252 : memref<1x80x128xf32, #tpu.memory_space<hbm>> -> memref<80x128xf32, #tpu.memory_space<hbm>>
      %dma_wait3A_254 = arith.constant 0 : i32
      %dma_wait3A_255 = tpu.memref_slice %arg8[%arg0, %add3A_171, %dma_wait3A_254] : memref<2x10240x128xf32, #tpu.memory_space<hbm>> -> memref<1x80x128xf32, #tpu.memory_space<hbm>>
      %dma_wait3A_256 = tpu.memref_squeeze %dma_wait3A_255 : memref<1x80x128xf32, #tpu.memory_space<hbm>> -> memref<80x128xf32, #tpu.memory_space<hbm>>
      tpu.wait_dma2 semaphore(%run_scoped3A_244 : memref<!tpu.dma_semaphore, #tpu.memory_space<semaphore_mem>>) src(%arg12 : memref<80x128xf32, #tpu.memory_space<vmem>>) dst(%dma_wait3A_256 : memref<80x128xf32, #tpu.memory_space<hbm>>)
      tpu.yield
    }) : () -> ()
    %run_scoped3A_172 = arith.constant 5 : i32
    %run_scoped3A_173 = arith.constant 0 : i32
    "tpu.region"() ({
      %run_scoped3A_244 = tpu.sem_alloc : memref<!tpu.dma_semaphore, #tpu.memory_space<semaphore_mem>>
      %dma_start3A_245 = arith.constant 0 : i32
      %dma_start3A_246 = tpu.memref_slice %arg10[%run_scoped3A_173, %dma_start3A_245] : memref<3x80xi32, #tpu.memory_space<vmem>> -> memref<1x80xi32, #tpu.memory_space<vmem>>
      %dma_start3A_247 = tpu.memref_squeeze %dma_start3A_246 : memref<1x80xi32, #tpu.memory_space<vmem>> -> memref<80xi32, #tpu.memory_space<vmem>>
      %dma_start3A_248 = arith.constant 0 : i32
      %dma_start3A_249 = tpu.memref_slice %arg5[%arg1, %run_scoped3A_172, %dma_start3A_248] : memref<16x8x80xi32, #tpu.memory_space<hbm>> -> memref<1x1x80xi32, #tpu.memory_space<hbm>>
      %dma_start3A_250 = tpu.memref_squeeze %dma_start3A_249 : memref<1x1x80xi32, #tpu.memory_space<hbm>> -> memref<80xi32, #tpu.memory_space<hbm>>
      %dma_start3A_251 = arith.constant 0 : i32
      %dma_start3A_252 = tpu.memref_slice %arg10[%run_scoped3A_173, %dma_start3A_251] : memref<3x80xi32, #tpu.memory_space<vmem>> -> memref<1x80xi32, #tpu.memory_space<vmem>>
      %dma_start3A_253 = tpu.memref_squeeze %dma_start3A_252 : memref<1x80xi32, #tpu.memory_space<vmem>> -> memref<80xi32, #tpu.memory_space<vmem>>
      %dma_start3A_254 = arith.constant 0 : i32
      %dma_start3A_255 = tpu.memref_slice %arg5[%arg1, %run_scoped3A_172, %dma_start3A_254] : memref<16x8x80xi32, #tpu.memory_space<hbm>> -> memref<1x1x80xi32, #tpu.memory_space<hbm>>
      %dma_start3A_256 = tpu.memref_squeeze %dma_start3A_255 : memref<1x1x80xi32, #tpu.memory_space<hbm>> -> memref<80xi32, #tpu.memory_space<hbm>>
      tpu.enqueue_dma source(%dma_start3A_256 : memref<80xi32, #tpu.memory_space<hbm>>) target(%dma_start3A_253 : memref<80xi32, #tpu.memory_space<vmem>>) target_semaphore(%run_scoped3A_244 : memref<!tpu.dma_semaphore, #tpu.memory_space<semaphore_mem>>)
      %dma_wait3A_257 = arith.constant 0 : i32
      %dma_wait3A_258 = tpu.memref_slice %arg10[%run_scoped3A_173, %dma_wait3A_257] : memref<3x80xi32, #tpu.memory_space<vmem>> -> memref<1x80xi32, #tpu.memory_space<vmem>>
      %dma_wait3A_259 = tpu.memref_squeeze %dma_wait3A_258 : memref<1x80xi32, #tpu.memory_space<vmem>> -> memref<80xi32, #tpu.memory_space<vmem>>
      %dma_wait3A_260 = arith.constant 0 : i32
      %dma_wait3A_261 = tpu.memref_slice %arg5[%arg1, %run_scoped3A_172, %dma_wait3A_260] : memref<16x8x80xi32, #tpu.memory_space<hbm>> -> memref<1x1x80xi32, #tpu.memory_space<hbm>>
      %dma_wait3A_262 = tpu.memref_squeeze %dma_wait3A_261 : memref<1x1x80xi32, #tpu.memory_space<hbm>> -> memref<80xi32, #tpu.memory_space<hbm>>
      %dma_wait3A_263 = arith.constant 0 : i32
      %dma_wait3A_264 = tpu.memref_slice %arg10[%run_scoped3A_173, %dma_wait3A_263] : memref<3x80xi32, #tpu.memory_space<vmem>> -> memref<1x80xi32, #tpu.memory_space<vmem>>
      %dma_wait3A_265 = tpu.memref_squeeze %dma_wait3A_264 : memref<1x80xi32, #tpu.memory_space<vmem>> -> memref<80xi32, #tpu.memory_space<vmem>>
      %dma_wait3A_266 = arith.constant 0 : i32
      %dma_wait3A_267 = tpu.memref_slice %arg5[%arg1, %run_scoped3A_172, %dma_wait3A_266] : memref<16x8x80xi32, #tpu.memory_space<hbm>> -> memref<1x1x80xi32, #tpu.memory_space<hbm>>
      %dma_wait3A_268 = tpu.memref_squeeze %dma_wait3A_267 : memref<1x1x80xi32, #tpu.memory_space<hbm>> -> memref<80xi32, #tpu.memory_space<hbm>>
      tpu.wait_dma2 semaphore(%run_scoped3A_244 : memref<!tpu.dma_semaphore, #tpu.memory_space<semaphore_mem>>) src(%dma_wait3A_268 : memref<80xi32, #tpu.memory_space<hbm>>) dst(%dma_wait3A_265 : memref<80xi32, #tpu.memory_space<vmem>>)
      tpu.yield
    }) : () -> ()
    %dma_start3A_174 = arith.constant 0 : i32
    %dma_start3A_175 = arith.constant 0 : i32
    %dma_start3A_176 = tpu.memref_slice %arg10[%dma_start3A_174, %dma_start3A_175] : memref<3x80xi32, #tpu.memory_space<vmem>> -> memref<1x80xi32, #tpu.memory_space<vmem>>
    %dma_start3A_177 = tpu.memref_squeeze %dma_start3A_176 : memref<1x80xi32, #tpu.memory_space<vmem>> -> memref<80xi32, #tpu.memory_space<vmem>>
    %dma_start3A_178 = arith.constant 0 : i32
    %dma_start3A_179 = arith.constant 0 : i32
    %dma_start3A_180 = tpu.memref_slice %arg15[%dma_start3A_178, %dma_start3A_179] : memref<10240x128xf32, #tpu.memory_space<vmem_shared>> -> memref<10240x128xf32, #tpu.memory_space<vmem_shared>>
    tpu.enqueue_indirect_dma source(%dma_start3A_180 : memref<10240x128xf32, #tpu.memory_space<vmem_shared>>) target(%arg12 : memref<80x128xf32, #tpu.memory_space<vmem>>) offsets(%dma_start3A_177 : memref<80xi32, #tpu.memory_space<vmem>>) semaphore(%arg17 : memref<!tpu.dma_semaphore, #tpu.memory_space<semaphore_mem>>)
    %dma_wait3A_181 = arith.constant 0 : i32
    %dma_wait3A_182 = arith.constant 0 : i32
    %dma_wait3A_183 = tpu.memref_slice %arg10[%dma_wait3A_181, %dma_wait3A_182] : memref<3x80xi32, #tpu.memory_space<vmem>> -> memref<1x80xi32, #tpu.memory_space<vmem>>
    %dma_wait3A_184 = tpu.memref_squeeze %dma_wait3A_183 : memref<1x80xi32, #tpu.memory_space<vmem>> -> memref<80xi32, #tpu.memory_space<vmem>>
    %dma_wait3A_185 = arith.constant 0 : i32
    %dma_wait3A_186 = arith.constant 0 : i32
    %dma_wait3A_187 = tpu.memref_slice %arg15[%dma_wait3A_185, %dma_wait3A_186] : memref<10240x128xf32, #tpu.memory_space<vmem_shared>> -> memref<10240x128xf32, #tpu.memory_space<vmem_shared>>
    tpu.wait_indirect_dma semaphore(%arg17 : memref<!tpu.dma_semaphore, #tpu.memory_space<semaphore_mem>>) src(%dma_wait3A_187 : memref<10240x128xf32, #tpu.memory_space<vmem_shared>>) dst(%arg12 : memref<80x128xf32, #tpu.memory_space<vmem>>)
    %add3A_188 = arith.constant 400 : i32
    %add3A_189 = arith.addi %mul3A_81, %add3A_188 : i32
    "tpu.region"() ({
      %run_scoped3A_244 = tpu.sem_alloc : memref<!tpu.dma_semaphore, #tpu.memory_space<semaphore_mem>>
      %dma_start3A_245 = arith.constant 0 : i32
      %dma_start3A_246 = tpu.memref_slice %arg8[%arg0, %add3A_189, %dma_start3A_245] : memref<2x10240x128xf32, #tpu.memory_space<hbm>> -> memref<1x80x128xf32, #tpu.memory_space<hbm>>
      %dma_start3A_247 = tpu.memref_squeeze %dma_start3A_246 : memref<1x80x128xf32, #tpu.memory_space<hbm>> -> memref<80x128xf32, #tpu.memory_space<hbm>>
      %dma_start3A_248 = arith.constant 0 : i32
      %dma_start3A_249 = tpu.memref_slice %arg8[%arg0, %add3A_189, %dma_start3A_248] : memref<2x10240x128xf32, #tpu.memory_space<hbm>> -> memref<1x80x128xf32, #tpu.memory_space<hbm>>
      %dma_start3A_250 = tpu.memref_squeeze %dma_start3A_249 : memref<1x80x128xf32, #tpu.memory_space<hbm>> -> memref<80x128xf32, #tpu.memory_space<hbm>>
      tpu.enqueue_dma source(%arg12 : memref<80x128xf32, #tpu.memory_space<vmem>>) target(%dma_start3A_250 : memref<80x128xf32, #tpu.memory_space<hbm>>) target_semaphore(%run_scoped3A_244 : memref<!tpu.dma_semaphore, #tpu.memory_space<semaphore_mem>>)
      %dma_wait3A_251 = arith.constant 0 : i32
      %dma_wait3A_252 = tpu.memref_slice %arg8[%arg0, %add3A_189, %dma_wait3A_251] : memref<2x10240x128xf32, #tpu.memory_space<hbm>> -> memref<1x80x128xf32, #tpu.memory_space<hbm>>
      %dma_wait3A_253 = tpu.memref_squeeze %dma_wait3A_252 : memref<1x80x128xf32, #tpu.memory_space<hbm>> -> memref<80x128xf32, #tpu.memory_space<hbm>>
      %dma_wait3A_254 = arith.constant 0 : i32
      %dma_wait3A_255 = tpu.memref_slice %arg8[%arg0, %add3A_189, %dma_wait3A_254] : memref<2x10240x128xf32, #tpu.memory_space<hbm>> -> memref<1x80x128xf32, #tpu.memory_space<hbm>>
      %dma_wait3A_256 = tpu.memref_squeeze %dma_wait3A_255 : memref<1x80x128xf32, #tpu.memory_space<hbm>> -> memref<80x128xf32, #tpu.memory_space<hbm>>
      tpu.wait_dma2 semaphore(%run_scoped3A_244 : memref<!tpu.dma_semaphore, #tpu.memory_space<semaphore_mem>>) src(%arg12 : memref<80x128xf32, #tpu.memory_space<vmem>>) dst(%dma_wait3A_256 : memref<80x128xf32, #tpu.memory_space<hbm>>)
      tpu.yield
    }) : () -> ()
    %run_scoped3A_190 = arith.constant 6 : i32
    %run_scoped3A_191 = arith.constant 0 : i32
    "tpu.region"() ({
      %run_scoped3A_244 = tpu.sem_alloc : memref<!tpu.dma_semaphore, #tpu.memory_space<semaphore_mem>>
      %dma_start3A_245 = arith.constant 0 : i32
      %dma_start3A_246 = tpu.memref_slice %arg10[%run_scoped3A_191, %dma_start3A_245] : memref<3x80xi32, #tpu.memory_space<vmem>> -> memref<1x80xi32, #tpu.memory_space<vmem>>
      %dma_start3A_247 = tpu.memref_squeeze %dma_start3A_246 : memref<1x80xi32, #tpu.memory_space<vmem>> -> memref<80xi32, #tpu.memory_space<vmem>>
      %dma_start3A_248 = arith.constant 0 : i32
      %dma_start3A_249 = tpu.memref_slice %arg5[%arg1, %run_scoped3A_190, %dma_start3A_248] : memref<16x8x80xi32, #tpu.memory_space<hbm>> -> memref<1x1x80xi32, #tpu.memory_space<hbm>>
      %dma_start3A_250 = tpu.memref_squeeze %dma_start3A_249 : memref<1x1x80xi32, #tpu.memory_space<hbm>> -> memref<80xi32, #tpu.memory_space<hbm>>
      %dma_start3A_251 = arith.constant 0 : i32
      %dma_start3A_252 = tpu.memref_slice %arg10[%run_scoped3A_191, %dma_start3A_251] : memref<3x80xi32, #tpu.memory_space<vmem>> -> memref<1x80xi32, #tpu.memory_space<vmem>>
      %dma_start3A_253 = tpu.memref_squeeze %dma_start3A_252 : memref<1x80xi32, #tpu.memory_space<vmem>> -> memref<80xi32, #tpu.memory_space<vmem>>
      %dma_start3A_254 = arith.constant 0 : i32
      %dma_start3A_255 = tpu.memref_slice %arg5[%arg1, %run_scoped3A_190, %dma_start3A_254] : memref<16x8x80xi32, #tpu.memory_space<hbm>> -> memref<1x1x80xi32, #tpu.memory_space<hbm>>
      %dma_start3A_256 = tpu.memref_squeeze %dma_start3A_255 : memref<1x1x80xi32, #tpu.memory_space<hbm>> -> memref<80xi32, #tpu.memory_space<hbm>>
      tpu.enqueue_dma source(%dma_start3A_256 : memref<80xi32, #tpu.memory_space<hbm>>) target(%dma_start3A_253 : memref<80xi32, #tpu.memory_space<vmem>>) target_semaphore(%run_scoped3A_244 : memref<!tpu.dma_semaphore, #tpu.memory_space<semaphore_mem>>)
      %dma_wait3A_257 = arith.constant 0 : i32
      %dma_wait3A_258 = tpu.memref_slice %arg10[%run_scoped3A_191, %dma_wait3A_257] : memref<3x80xi32, #tpu.memory_space<vmem>> -> memref<1x80xi32, #tpu.memory_space<vmem>>
      %dma_wait3A_259 = tpu.memref_squeeze %dma_wait3A_258 : memref<1x80xi32, #tpu.memory_space<vmem>> -> memref<80xi32, #tpu.memory_space<vmem>>
      %dma_wait3A_260 = arith.constant 0 : i32
      %dma_wait3A_261 = tpu.memref_slice %arg5[%arg1, %run_scoped3A_190, %dma_wait3A_260] : memref<16x8x80xi32, #tpu.memory_space<hbm>> -> memref<1x1x80xi32, #tpu.memory_space<hbm>>
      %dma_wait3A_262 = tpu.memref_squeeze %dma_wait3A_261 : memref<1x1x80xi32, #tpu.memory_space<hbm>> -> memref<80xi32, #tpu.memory_space<hbm>>
      %dma_wait3A_263 = arith.constant 0 : i32
      %dma_wait3A_264 = tpu.memref_slice %arg10[%run_scoped3A_191, %dma_wait3A_263] : memref<3x80xi32, #tpu.memory_space<vmem>> -> memref<1x80xi32, #tpu.memory_space<vmem>>
      %dma_wait3A_265 = tpu.memref_squeeze %dma_wait3A_264 : memref<1x80xi32, #tpu.memory_space<vmem>> -> memref<80xi32, #tpu.memory_space<vmem>>
      %dma_wait3A_266 = arith.constant 0 : i32
      %dma_wait3A_267 = tpu.memref_slice %arg5[%arg1, %run_scoped3A_190, %dma_wait3A_266] : memref<16x8x80xi32, #tpu.memory_space<hbm>> -> memref<1x1x80xi32, #tpu.memory_space<hbm>>
      %dma_wait3A_268 = tpu.memref_squeeze %dma_wait3A_267 : memref<1x1x80xi32, #tpu.memory_space<hbm>> -> memref<80xi32, #tpu.memory_space<hbm>>
      tpu.wait_dma2 semaphore(%run_scoped3A_244 : memref<!tpu.dma_semaphore, #tpu.memory_space<semaphore_mem>>) src(%dma_wait3A_268 : memref<80xi32, #tpu.memory_space<hbm>>) dst(%dma_wait3A_265 : memref<80xi32, #tpu.memory_space<vmem>>)
      tpu.yield
    }) : () -> ()
    %dma_start3A_192 = arith.constant 0 : i32
    %dma_start3A_193 = arith.constant 0 : i32
    %dma_start3A_194 = tpu.memref_slice %arg10[%dma_start3A_192, %dma_start3A_193] : memref<3x80xi32, #tpu.memory_space<vmem>> -> memref<1x80xi32, #tpu.memory_space<vmem>>
    %dma_start3A_195 = tpu.memref_squeeze %dma_start3A_194 : memref<1x80xi32, #tpu.memory_space<vmem>> -> memref<80xi32, #tpu.memory_space<vmem>>
    %dma_start3A_196 = arith.constant 0 : i32
    %dma_start3A_197 = arith.constant 0 : i32
    %dma_start3A_198 = tpu.memref_slice %arg15[%dma_start3A_196, %dma_start3A_197] : memref<10240x128xf32, #tpu.memory_space<vmem_shared>> -> memref<10240x128xf32, #tpu.memory_space<vmem_shared>>
    tpu.enqueue_indirect_dma source(%dma_start3A_198 : memref<10240x128xf32, #tpu.memory_space<vmem_shared>>) target(%arg12 : memref<80x128xf32, #tpu.memory_space<vmem>>) offsets(%dma_start3A_195 : memref<80xi32, #tpu.memory_space<vmem>>) semaphore(%arg17 : memref<!tpu.dma_semaphore, #tpu.memory_space<semaphore_mem>>)
    %dma_wait3A_199 = arith.constant 0 : i32
    %dma_wait3A_200 = arith.constant 0 : i32
    %dma_wait3A_201 = tpu.memref_slice %arg10[%dma_wait3A_199, %dma_wait3A_200] : memref<3x80xi32, #tpu.memory_space<vmem>> -> memref<1x80xi32, #tpu.memory_space<vmem>>
    %dma_wait3A_202 = tpu.memref_squeeze %dma_wait3A_201 : memref<1x80xi32, #tpu.memory_space<vmem>> -> memref<80xi32, #tpu.memory_space<vmem>>
    %dma_wait3A_203 = arith.constant 0 : i32
    %dma_wait3A_204 = arith.constant 0 : i32
    %dma_wait3A_205 = tpu.memref_slice %arg15[%dma_wait3A_203, %dma_wait3A_204] : memref<10240x128xf32, #tpu.memory_space<vmem_shared>> -> memref<10240x128xf32, #tpu.memory_space<vmem_shared>>
    tpu.wait_indirect_dma semaphore(%arg17 : memref<!tpu.dma_semaphore, #tpu.memory_space<semaphore_mem>>) src(%dma_wait3A_205 : memref<10240x128xf32, #tpu.memory_space<vmem_shared>>) dst(%arg12 : memref<80x128xf32, #tpu.memory_space<vmem>>)
    %add3A_206 = arith.constant 480 : i32
    %add3A_207 = arith.addi %mul3A_81, %add3A_206 : i32
    "tpu.region"() ({
      %run_scoped3A_244 = tpu.sem_alloc : memref<!tpu.dma_semaphore, #tpu.memory_space<semaphore_mem>>
      %dma_start3A_245 = arith.constant 0 : i32
      %dma_start3A_246 = tpu.memref_slice %arg8[%arg0, %add3A_207, %dma_start3A_245] : memref<2x10240x128xf32, #tpu.memory_space<hbm>> -> memref<1x80x128xf32, #tpu.memory_space<hbm>>
      %dma_start3A_247 = tpu.memref_squeeze %dma_start3A_246 : memref<1x80x128xf32, #tpu.memory_space<hbm>> -> memref<80x128xf32, #tpu.memory_space<hbm>>
      %dma_start3A_248 = arith.constant 0 : i32
      %dma_start3A_249 = tpu.memref_slice %arg8[%arg0, %add3A_207, %dma_start3A_248] : memref<2x10240x128xf32, #tpu.memory_space<hbm>> -> memref<1x80x128xf32, #tpu.memory_space<hbm>>
      %dma_start3A_250 = tpu.memref_squeeze %dma_start3A_249 : memref<1x80x128xf32, #tpu.memory_space<hbm>> -> memref<80x128xf32, #tpu.memory_space<hbm>>
      tpu.enqueue_dma source(%arg12 : memref<80x128xf32, #tpu.memory_space<vmem>>) target(%dma_start3A_250 : memref<80x128xf32, #tpu.memory_space<hbm>>) target_semaphore(%run_scoped3A_244 : memref<!tpu.dma_semaphore, #tpu.memory_space<semaphore_mem>>)
      %dma_wait3A_251 = arith.constant 0 : i32
      %dma_wait3A_252 = tpu.memref_slice %arg8[%arg0, %add3A_207, %dma_wait3A_251] : memref<2x10240x128xf32, #tpu.memory_space<hbm>> -> memref<1x80x128xf32, #tpu.memory_space<hbm>>
      %dma_wait3A_253 = tpu.memref_squeeze %dma_wait3A_252 : memref<1x80x128xf32, #tpu.memory_space<hbm>> -> memref<80x128xf32, #tpu.memory_space<hbm>>
      %dma_wait3A_254 = arith.constant 0 : i32
      %dma_wait3A_255 = tpu.memref_slice %arg8[%arg0, %add3A_207, %dma_wait3A_254] : memref<2x10240x128xf32, #tpu.memory_space<hbm>> -> memref<1x80x128xf32, #tpu.memory_space<hbm>>
      %dma_wait3A_256 = tpu.memref_squeeze %dma_wait3A_255 : memref<1x80x128xf32, #tpu.memory_space<hbm>> -> memref<80x128xf32, #tpu.memory_space<hbm>>
      tpu.wait_dma2 semaphore(%run_scoped3A_244 : memref<!tpu.dma_semaphore, #tpu.memory_space<semaphore_mem>>) src(%arg12 : memref<80x128xf32, #tpu.memory_space<vmem>>) dst(%dma_wait3A_256 : memref<80x128xf32, #tpu.memory_space<hbm>>)
      tpu.yield
    }) : () -> ()
    %run_scoped3A_208 = arith.constant 7 : i32
    %run_scoped3A_209 = arith.constant 0 : i32
    "tpu.region"() ({
      %run_scoped3A_244 = tpu.sem_alloc : memref<!tpu.dma_semaphore, #tpu.memory_space<semaphore_mem>>
      %dma_start3A_245 = arith.constant 0 : i32
      %dma_start3A_246 = tpu.memref_slice %arg10[%run_scoped3A_209, %dma_start3A_245] : memref<3x80xi32, #tpu.memory_space<vmem>> -> memref<1x80xi32, #tpu.memory_space<vmem>>
      %dma_start3A_247 = tpu.memref_squeeze %dma_start3A_246 : memref<1x80xi32, #tpu.memory_space<vmem>> -> memref<80xi32, #tpu.memory_space<vmem>>
      %dma_start3A_248 = arith.constant 0 : i32
      %dma_start3A_249 = tpu.memref_slice %arg5[%arg1, %run_scoped3A_208, %dma_start3A_248] : memref<16x8x80xi32, #tpu.memory_space<hbm>> -> memref<1x1x80xi32, #tpu.memory_space<hbm>>
      %dma_start3A_250 = tpu.memref_squeeze %dma_start3A_249 : memref<1x1x80xi32, #tpu.memory_space<hbm>> -> memref<80xi32, #tpu.memory_space<hbm>>
      %dma_start3A_251 = arith.constant 0 : i32
      %dma_start3A_252 = tpu.memref_slice %arg10[%run_scoped3A_209, %dma_start3A_251] : memref<3x80xi32, #tpu.memory_space<vmem>> -> memref<1x80xi32, #tpu.memory_space<vmem>>
      %dma_start3A_253 = tpu.memref_squeeze %dma_start3A_252 : memref<1x80xi32, #tpu.memory_space<vmem>> -> memref<80xi32, #tpu.memory_space<vmem>>
      %dma_start3A_254 = arith.constant 0 : i32
      %dma_start3A_255 = tpu.memref_slice %arg5[%arg1, %run_scoped3A_208, %dma_start3A_254] : memref<16x8x80xi32, #tpu.memory_space<hbm>> -> memref<1x1x80xi32, #tpu.memory_space<hbm>>
      %dma_start3A_256 = tpu.memref_squeeze %dma_start3A_255 : memref<1x1x80xi32, #tpu.memory_space<hbm>> -> memref<80xi32, #tpu.memory_space<hbm>>
      tpu.enqueue_dma source(%dma_start3A_256 : memref<80xi32, #tpu.memory_space<hbm>>) target(%dma_start3A_253 : memref<80xi32, #tpu.memory_space<vmem>>) target_semaphore(%run_scoped3A_244 : memref<!tpu.dma_semaphore, #tpu.memory_space<semaphore_mem>>)
      %dma_wait3A_257 = arith.constant 0 : i32
      %dma_wait3A_258 = tpu.memref_slice %arg10[%run_scoped3A_209, %dma_wait3A_257] : memref<3x80xi32, #tpu.memory_space<vmem>> -> memref<1x80xi32, #tpu.memory_space<vmem>>
      %dma_wait3A_259 = tpu.memref_squeeze %dma_wait3A_258 : memref<1x80xi32, #tpu.memory_space<vmem>> -> memref<80xi32, #tpu.memory_space<vmem>>
      %dma_wait3A_260 = arith.constant 0 : i32
      %dma_wait3A_261 = tpu.memref_slice %arg5[%arg1, %run_scoped3A_208, %dma_wait3A_260] : memref<16x8x80xi32, #tpu.memory_space<hbm>> -> memref<1x1x80xi32, #tpu.memory_space<hbm>>
      %dma_wait3A_262 = tpu.memref_squeeze %dma_wait3A_261 : memref<1x1x80xi32, #tpu.memory_space<hbm>> -> memref<80xi32, #tpu.memory_space<hbm>>
      %dma_wait3A_263 = arith.constant 0 : i32
      %dma_wait3A_264 = tpu.memref_slice %arg10[%run_scoped3A_209, %dma_wait3A_263] : memref<3x80xi32, #tpu.memory_space<vmem>> -> memref<1x80xi32, #tpu.memory_space<vmem>>
      %dma_wait3A_265 = tpu.memref_squeeze %dma_wait3A_264 : memref<1x80xi32, #tpu.memory_space<vmem>> -> memref<80xi32, #tpu.memory_space<vmem>>
      %dma_wait3A_266 = arith.constant 0 : i32
      %dma_wait3A_267 = tpu.memref_slice %arg5[%arg1, %run_scoped3A_208, %dma_wait3A_266] : memref<16x8x80xi32, #tpu.memory_space<hbm>> -> memref<1x1x80xi32, #tpu.memory_space<hbm>>
      %dma_wait3A_268 = tpu.memref_squeeze %dma_wait3A_267 : memref<1x1x80xi32, #tpu.memory_space<hbm>> -> memref<80xi32, #tpu.memory_space<hbm>>
      tpu.wait_dma2 semaphore(%run_scoped3A_244 : memref<!tpu.dma_semaphore, #tpu.memory_space<semaphore_mem>>) src(%dma_wait3A_268 : memref<80xi32, #tpu.memory_space<hbm>>) dst(%dma_wait3A_265 : memref<80xi32, #tpu.memory_space<vmem>>)
      tpu.yield
    }) : () -> ()
    %dma_start3A_210 = arith.constant 0 : i32
    %dma_start3A_211 = arith.constant 0 : i32
    %dma_start3A_212 = tpu.memref_slice %arg10[%dma_start3A_210, %dma_start3A_211] : memref<3x80xi32, #tpu.memory_space<vmem>> -> memref<1x80xi32, #tpu.memory_space<vmem>>
    %dma_start3A_213 = tpu.memref_squeeze %dma_start3A_212 : memref<1x80xi32, #tpu.memory_space<vmem>> -> memref<80xi32, #tpu.memory_space<vmem>>
    %dma_start3A_214 = arith.constant 0 : i32
    %dma_start3A_215 = arith.constant 0 : i32
    %dma_start3A_216 = tpu.memref_slice %arg15[%dma_start3A_214, %dma_start3A_215] : memref<10240x128xf32, #tpu.memory_space<vmem_shared>> -> memref<10240x128xf32, #tpu.memory_space<vmem_shared>>
    tpu.enqueue_indirect_dma source(%dma_start3A_216 : memref<10240x128xf32, #tpu.memory_space<vmem_shared>>) target(%arg12 : memref<80x128xf32, #tpu.memory_space<vmem>>) offsets(%dma_start3A_213 : memref<80xi32, #tpu.memory_space<vmem>>) semaphore(%arg17 : memref<!tpu.dma_semaphore, #tpu.memory_space<semaphore_mem>>)
    %dma_wait3A_217 = arith.constant 0 : i32
    %dma_wait3A_218 = arith.constant 0 : i32
    %dma_wait3A_219 = tpu.memref_slice %arg10[%dma_wait3A_217, %dma_wait3A_218] : memref<3x80xi32, #tpu.memory_space<vmem>> -> memref<1x80xi32, #tpu.memory_space<vmem>>
    %dma_wait3A_220 = tpu.memref_squeeze %dma_wait3A_219 : memref<1x80xi32, #tpu.memory_space<vmem>> -> memref<80xi32, #tpu.memory_space<vmem>>
    %dma_wait3A_221 = arith.constant 0 : i32
    %dma_wait3A_222 = arith.constant 0 : i32
    %dma_wait3A_223 = tpu.memref_slice %arg15[%dma_wait3A_221, %dma_wait3A_222] : memref<10240x128xf32, #tpu.memory_space<vmem_shared>> -> memref<10240x128xf32, #tpu.memory_space<vmem_shared>>
    tpu.wait_indirect_dma semaphore(%arg17 : memref<!tpu.dma_semaphore, #tpu.memory_space<semaphore_mem>>) src(%dma_wait3A_223 : memref<10240x128xf32, #tpu.memory_space<vmem_shared>>) dst(%arg12 : memref<80x128xf32, #tpu.memory_space<vmem>>)
    %add3A_224 = arith.constant 560 : i32
    %add3A_225 = arith.addi %mul3A_81, %add3A_224 : i32
    "tpu.region"() ({
      %run_scoped3A_244 = tpu.sem_alloc : memref<!tpu.dma_semaphore, #tpu.memory_space<semaphore_mem>>
      %dma_start3A_245 = arith.constant 0 : i32
      %dma_start3A_246 = tpu.memref_slice %arg8[%arg0, %add3A_225, %dma_start3A_245] : memref<2x10240x128xf32, #tpu.memory_space<hbm>> -> memref<1x80x128xf32, #tpu.memory_space<hbm>>
      %dma_start3A_247 = tpu.memref_squeeze %dma_start3A_246 : memref<1x80x128xf32, #tpu.memory_space<hbm>> -> memref<80x128xf32, #tpu.memory_space<hbm>>
      %dma_start3A_248 = arith.constant 0 : i32
      %dma_start3A_249 = tpu.memref_slice %arg8[%arg0, %add3A_225, %dma_start3A_248] : memref<2x10240x128xf32, #tpu.memory_space<hbm>> -> memref<1x80x128xf32, #tpu.memory_space<hbm>>
      %dma_start3A_250 = tpu.memref_squeeze %dma_start3A_249 : memref<1x80x128xf32, #tpu.memory_space<hbm>> -> memref<80x128xf32, #tpu.memory_space<hbm>>
      tpu.enqueue_dma source(%arg12 : memref<80x128xf32, #tpu.memory_space<vmem>>) target(%dma_start3A_250 : memref<80x128xf32, #tpu.memory_space<hbm>>) target_semaphore(%run_scoped3A_244 : memref<!tpu.dma_semaphore, #tpu.memory_space<semaphore_mem>>)
      %dma_wait3A_251 = arith.constant 0 : i32
      %dma_wait3A_252 = tpu.memref_slice %arg8[%arg0, %add3A_225, %dma_wait3A_251] : memref<2x10240x128xf32, #tpu.memory_space<hbm>> -> memref<1x80x128xf32, #tpu.memory_space<hbm>>
      %dma_wait3A_253 = tpu.memref_squeeze %dma_wait3A_252 : memref<1x80x128xf32, #tpu.memory_space<hbm>> -> memref<80x128xf32, #tpu.memory_space<hbm>>
      %dma_wait3A_254 = arith.constant 0 : i32
      %dma_wait3A_255 = tpu.memref_slice %arg8[%arg0, %add3A_225, %dma_wait3A_254] : memref<2x10240x128xf32, #tpu.memory_space<hbm>> -> memref<1x80x128xf32, #tpu.memory_space<hbm>>
      %dma_wait3A_256 = tpu.memref_squeeze %dma_wait3A_255 : memref<1x80x128xf32, #tpu.memory_space<hbm>> -> memref<80x128xf32, #tpu.memory_space<hbm>>
      tpu.wait_dma2 semaphore(%run_scoped3A_244 : memref<!tpu.dma_semaphore, #tpu.memory_space<semaphore_mem>>) src(%arg12 : memref<80x128xf32, #tpu.memory_space<vmem>>) dst(%dma_wait3A_256 : memref<80x128xf32, #tpu.memory_space<hbm>>)
      tpu.yield
    }) : () -> ()
    %run_scoped3A_226 = arith.constant 0 : i32
    %run_scoped3A_227 = arith.constant 0 : i32
    "tpu.region"() ({
      %run_scoped3A_244 = tpu.sem_alloc : memref<!tpu.dma_semaphore, #tpu.memory_space<semaphore_mem>>
      %dma_start3A_245 = arith.constant 0 : i32
      %dma_start3A_246 = tpu.memref_slice %arg10[%run_scoped3A_227, %dma_start3A_245] : memref<3x80xi32, #tpu.memory_space<vmem>> -> memref<1x80xi32, #tpu.memory_space<vmem>>
      %dma_start3A_247 = tpu.memref_squeeze %dma_start3A_246 : memref<1x80xi32, #tpu.memory_space<vmem>> -> memref<80xi32, #tpu.memory_space<vmem>>
      %dma_start3A_248 = arith.constant 0 : i32
      %dma_start3A_249 = tpu.memref_slice %arg6[%arg1, %run_scoped3A_226, %dma_start3A_248] : memref<16x1x80xi32, #tpu.memory_space<hbm>> -> memref<1x1x80xi32, #tpu.memory_space<hbm>>
      %dma_start3A_250 = tpu.memref_squeeze %dma_start3A_249 : memref<1x1x80xi32, #tpu.memory_space<hbm>> -> memref<80xi32, #tpu.memory_space<hbm>>
      %dma_start3A_251 = arith.constant 0 : i32
      %dma_start3A_252 = tpu.memref_slice %arg10[%run_scoped3A_227, %dma_start3A_251] : memref<3x80xi32, #tpu.memory_space<vmem>> -> memref<1x80xi32, #tpu.memory_space<vmem>>
      %dma_start3A_253 = tpu.memref_squeeze %dma_start3A_252 : memref<1x80xi32, #tpu.memory_space<vmem>> -> memref<80xi32, #tpu.memory_space<vmem>>
      %dma_start3A_254 = arith.constant 0 : i32
      %dma_start3A_255 = tpu.memref_slice %arg6[%arg1, %run_scoped3A_226, %dma_start3A_254] : memref<16x1x80xi32, #tpu.memory_space<hbm>> -> memref<1x1x80xi32, #tpu.memory_space<hbm>>
      %dma_start3A_256 = tpu.memref_squeeze %dma_start3A_255 : memref<1x1x80xi32, #tpu.memory_space<hbm>> -> memref<80xi32, #tpu.memory_space<hbm>>
      tpu.enqueue_dma source(%dma_start3A_256 : memref<80xi32, #tpu.memory_space<hbm>>) target(%dma_start3A_253 : memref<80xi32, #tpu.memory_space<vmem>>) target_semaphore(%run_scoped3A_244 : memref<!tpu.dma_semaphore, #tpu.memory_space<semaphore_mem>>)
      %dma_wait3A_257 = arith.constant 0 : i32
      %dma_wait3A_258 = tpu.memref_slice %arg10[%run_scoped3A_227, %dma_wait3A_257] : memref<3x80xi32, #tpu.memory_space<vmem>> -> memref<1x80xi32, #tpu.memory_space<vmem>>
      %dma_wait3A_259 = tpu.memref_squeeze %dma_wait3A_258 : memref<1x80xi32, #tpu.memory_space<vmem>> -> memref<80xi32, #tpu.memory_space<vmem>>
      %dma_wait3A_260 = arith.constant 0 : i32
      %dma_wait3A_261 = tpu.memref_slice %arg6[%arg1, %run_scoped3A_226, %dma_wait3A_260] : memref<16x1x80xi32, #tpu.memory_space<hbm>> -> memref<1x1x80xi32, #tpu.memory_space<hbm>>
      %dma_wait3A_262 = tpu.memref_squeeze %dma_wait3A_261 : memref<1x1x80xi32, #tpu.memory_space<hbm>> -> memref<80xi32, #tpu.memory_space<hbm>>
      %dma_wait3A_263 = arith.constant 0 : i32
      %dma_wait3A_264 = tpu.memref_slice %arg10[%run_scoped3A_227, %dma_wait3A_263] : memref<3x80xi32, #tpu.memory_space<vmem>> -> memref<1x80xi32, #tpu.memory_space<vmem>>
      %dma_wait3A_265 = tpu.memref_squeeze %dma_wait3A_264 : memref<1x80xi32, #tpu.memory_space<vmem>> -> memref<80xi32, #tpu.memory_space<vmem>>
      %dma_wait3A_266 = arith.constant 0 : i32
      %dma_wait3A_267 = tpu.memref_slice %arg6[%arg1, %run_scoped3A_226, %dma_wait3A_266] : memref<16x1x80xi32, #tpu.memory_space<hbm>> -> memref<1x1x80xi32, #tpu.memory_space<hbm>>
      %dma_wait3A_268 = tpu.memref_squeeze %dma_wait3A_267 : memref<1x1x80xi32, #tpu.memory_space<hbm>> -> memref<80xi32, #tpu.memory_space<hbm>>
      tpu.wait_dma2 semaphore(%run_scoped3A_244 : memref<!tpu.dma_semaphore, #tpu.memory_space<semaphore_mem>>) src(%dma_wait3A_268 : memref<80xi32, #tpu.memory_space<hbm>>) dst(%dma_wait3A_265 : memref<80xi32, #tpu.memory_space<vmem>>)
      tpu.yield
    }) : () -> ()
    %dma_start3A_228 = arith.constant 0 : i32
    %dma_start3A_229 = arith.constant 0 : i32
    %dma_start3A_230 = tpu.memref_slice %arg10[%dma_start3A_228, %dma_start3A_229] : memref<3x80xi32, #tpu.memory_space<vmem>> -> memref<1x80xi32, #tpu.memory_space<vmem>>
    %dma_start3A_231 = tpu.memref_squeeze %dma_start3A_230 : memref<1x80xi32, #tpu.memory_space<vmem>> -> memref<80xi32, #tpu.memory_space<vmem>>
    %dma_start3A_232 = arith.constant 0 : i32
    %dma_start3A_233 = arith.constant 0 : i32
    %dma_start3A_234 = tpu.memref_slice %arg16[%dma_start3A_232, %dma_start3A_233] : memref<1280x128xf32, #tpu.memory_space<vmem_shared>> -> memref<1280x128xf32, #tpu.memory_space<vmem_shared>>
    tpu.enqueue_indirect_dma source(%dma_start3A_234 : memref<1280x128xf32, #tpu.memory_space<vmem_shared>>) target(%arg12 : memref<80x128xf32, #tpu.memory_space<vmem>>) offsets(%dma_start3A_231 : memref<80xi32, #tpu.memory_space<vmem>>) semaphore(%arg17 : memref<!tpu.dma_semaphore, #tpu.memory_space<semaphore_mem>>)
    %dma_wait3A_235 = arith.constant 0 : i32
    %dma_wait3A_236 = arith.constant 0 : i32
    %dma_wait3A_237 = tpu.memref_slice %arg10[%dma_wait3A_235, %dma_wait3A_236] : memref<3x80xi32, #tpu.memory_space<vmem>> -> memref<1x80xi32, #tpu.memory_space<vmem>>
    %dma_wait3A_238 = tpu.memref_squeeze %dma_wait3A_237 : memref<1x80xi32, #tpu.memory_space<vmem>> -> memref<80xi32, #tpu.memory_space<vmem>>
    %dma_wait3A_239 = arith.constant 0 : i32
    %dma_wait3A_240 = arith.constant 0 : i32
    %dma_wait3A_241 = tpu.memref_slice %arg16[%dma_wait3A_239, %dma_wait3A_240] : memref<1280x128xf32, #tpu.memory_space<vmem_shared>> -> memref<1280x128xf32, #tpu.memory_space<vmem_shared>>
    tpu.wait_indirect_dma semaphore(%arg17 : memref<!tpu.dma_semaphore, #tpu.memory_space<semaphore_mem>>) src(%dma_wait3A_241 : memref<1280x128xf32, #tpu.memory_space<vmem_shared>>) dst(%arg12 : memref<80x128xf32, #tpu.memory_space<vmem>>)
    %mul3A_242 = arith.constant 80 : i32
    %mul3A_243 = arith.muli %arg1, %mul3A_242 : i32
    "tpu.region"() ({
      %run_scoped3A_244 = tpu.sem_alloc : memref<!tpu.dma_semaphore, #tpu.memory_space<semaphore_mem>>
      %dma_start3A_245 = arith.constant 0 : i32
      %dma_start3A_246 = tpu.memref_slice %arg9[%arg0, %mul3A_243, %dma_start3A_245] : memref<2x1280x128xf32, #tpu.memory_space<hbm>> -> memref<1x80x128xf32, #tpu.memory_space<hbm>>
      %dma_start3A_247 = tpu.memref_squeeze %dma_start3A_246 : memref<1x80x128xf32, #tpu.memory_space<hbm>> -> memref<80x128xf32, #tpu.memory_space<hbm>>
      %dma_start3A_248 = arith.constant 0 : i32
      %dma_start3A_249 = tpu.memref_slice %arg9[%arg0, %mul3A_243, %dma_start3A_248] : memref<2x1280x128xf32, #tpu.memory_space<hbm>> -> memref<1x80x128xf32, #tpu.memory_space<hbm>>
      %dma_start3A_250 = tpu.memref_squeeze %dma_start3A_249 : memref<1x80x128xf32, #tpu.memory_space<hbm>> -> memref<80x128xf32, #tpu.memory_space<hbm>>
      tpu.enqueue_dma source(%arg12 : memref<80x128xf32, #tpu.memory_space<vmem>>) target(%dma_start3A_250 : memref<80x128xf32, #tpu.memory_space<hbm>>) target_semaphore(%run_scoped3A_244 : memref<!tpu.dma_semaphore, #tpu.memory_space<semaphore_mem>>)
      %dma_wait3A_251 = arith.constant 0 : i32
      %dma_wait3A_252 = tpu.memref_slice %arg9[%arg0, %mul3A_243, %dma_wait3A_251] : memref<2x1280x128xf32, #tpu.memory_space<hbm>> -> memref<1x80x128xf32, #tpu.memory_space<hbm>>
      %dma_wait3A_253 = tpu.memref_squeeze %dma_wait3A_252 : memref<1x80x128xf32, #tpu.memory_space<hbm>> -> memref<80x128xf32, #tpu.memory_space<hbm>>
      %dma_wait3A_254 = arith.constant 0 : i32
      %dma_wait3A_255 = tpu.memref_slice %arg9[%arg0, %mul3A_243, %dma_wait3A_254] : memref<2x1280x128xf32, #tpu.memory_space<hbm>> -> memref<1x80x128xf32, #tpu.memory_space<hbm>>
      %dma_wait3A_256 = tpu.memref_squeeze %dma_wait3A_255 : memref<1x80x128xf32, #tpu.memory_space<hbm>> -> memref<80x128xf32, #tpu.memory_space<hbm>>
      tpu.wait_dma2 semaphore(%run_scoped3A_244 : memref<!tpu.dma_semaphore, #tpu.memory_space<semaphore_mem>>) src(%arg12 : memref<80x128xf32, #tpu.memory_space<vmem>>) dst(%dma_wait3A_256 : memref<80x128xf32, #tpu.memory_space<hbm>>)
      tpu.yield
    }) : () -> ()
    return
  }
}

module attributes {stable_mosaic.version = 14 : i64} {
  func.func @_mm_body(%arg0: i32, %arg1: memref<2x1000x128xf32, #tpu.memory_space<vmem>>, %arg2: memref<2x1000x16xf32, #tpu.memory_space<vmem>>, %arg3: memref<128x128xf32, #tpu.memory_space<vmem>>, %arg4: memref<16x128xf32, #tpu.memory_space<vmem>>, %arg5: memref<1000x128xf32, #tpu.memory_space<vmem>>) attributes {dimension_semantics = [#tpu.dimension_semantics<arbitrary>], iteration_bounds = array<i64: 10>, scalar_prefetch = 0 : i64, scratch_operands = 0 : i64, tpu.core_type = #tpu.core_type<tc>, window_params = [{transform_indices = @transform_0, window_bounds = array<i64: 2, 1000, 128>}, {transform_indices = @transform_1, window_bounds = array<i64: 2, 1000, 16>}, {pipeline_mode = #tpu.pipeline_mode<synchronous>, transform_indices = @transform_2, window_bounds = array<i64: 128, 128>}, {pipeline_mode = #tpu.pipeline_mode<synchronous>, transform_indices = @transform_3, window_bounds = array<i64: 16, 128>}, {transform_indices = @transform_4, window_bounds = array<i64: 1000, 128>}]} {
    %get3A = arith.constant 0 : index
    %get3A_0 = arith.constant 0 : index
    %get3A_1 = arith.constant 0 : index
    %get3A_2 = vector.load %arg1[%get3A, %get3A_0, %get3A_1] : memref<2x1000x128xf32, #tpu.memory_space<vmem>>, vector<1x1000x128xf32>
    %get3A_3 = vector.shape_cast %get3A_2 : vector<1x1000x128xf32> to vector<1000x128xf32>
    %get3A_4 = arith.constant 1 : index
    %get3A_5 = arith.constant 0 : index
    %get3A_6 = arith.constant 0 : index
    %get3A_7 = vector.load %arg1[%get3A_4, %get3A_5, %get3A_6] : memref<2x1000x128xf32, #tpu.memory_space<vmem>>, vector<1x1000x128xf32>
    %get3A_8 = vector.shape_cast %get3A_7 : vector<1x1000x128xf32> to vector<1000x128xf32>
    %add3A = arith.addf %get3A_3, %get3A_8 : vector<1000x128xf32>
    %get3A_9 = arith.constant 0 : index
    %get3A_10 = arith.constant 0 : index
    %get3A_11 = arith.constant 0 : index
    %get3A_12 = vector.load %arg2[%get3A_9, %get3A_10, %get3A_11] : memref<2x1000x16xf32, #tpu.memory_space<vmem>>, vector<1x1000x16xf32>
    %get3A_13 = vector.shape_cast %get3A_12 : vector<1x1000x16xf32> to vector<1000x16xf32>
    %get3A_14 = arith.constant 1 : index
    %get3A_15 = arith.constant 0 : index
    %get3A_16 = arith.constant 0 : index
    %get3A_17 = vector.load %arg2[%get3A_14, %get3A_15, %get3A_16] : memref<2x1000x16xf32, #tpu.memory_space<vmem>>, vector<1x1000x16xf32>
    %get3A_18 = vector.shape_cast %get3A_17 : vector<1x1000x16xf32> to vector<1000x16xf32>
    %add3A_19 = arith.addf %get3A_13, %get3A_18 : vector<1000x16xf32>
    %get3A_20 = arith.constant 0 : index
    %get3A_21 = arith.constant 0 : index
    %get3A_22 = vector.load %arg3[%get3A_20, %get3A_21] : memref<128x128xf32, #tpu.memory_space<vmem>>, vector<128x128xf32>
    %dot_general3A = arith.constant dense<0.000000e+00> : vector<1000x128xf32>
    %dot_general3A_23 = tpu.matmul %add3A, %get3A_22, %dot_general3A {dimension_numbers = #tpu.dot_dimension_numbers<[1], [0], [0], [1], [0, 0, 1, 1], [], []>, transpose_lhs_hint = false} : vector<1000x128xf32>, vector<128x128xf32>, vector<1000x128xf32> -> vector<1000x128xf32>
    %get3A_24 = arith.constant 0 : index
    %get3A_25 = arith.constant 0 : index
    %get3A_26 = vector.load %arg4[%get3A_24, %get3A_25] : memref<16x128xf32, #tpu.memory_space<vmem>>, vector<16x128xf32>
    %dot_general3A_27 = arith.constant dense<0.000000e+00> : vector<1000x128xf32>
    %dot_general3A_28 = tpu.matmul %add3A_19, %get3A_26, %dot_general3A_27 {dimension_numbers = #tpu.dot_dimension_numbers<[1], [0], [0], [1], [0, 0, 1, 1], [], []>, transpose_lhs_hint = false} : vector<1000x16xf32>, vector<16x128xf32>, vector<1000x128xf32> -> vector<1000x128xf32>
    %add3A_29 = arith.addf %dot_general3A_23, %dot_general3A_28 : vector<1000x128xf32>
    %swap3A = arith.constant 0 : index
    %swap3A_30 = arith.constant 0 : index
    %swap3A_31 = vector.load %arg5[%swap3A, %swap3A_30] : memref<1000x128xf32, #tpu.memory_space<vmem>>, vector<1000x128xf32>
    tpu.vector_store %arg5[%swap3A, %swap3A_30], %add3A_29 {strides = array<i32>} : memref<1000x128xf32, #tpu.memory_space<vmem>>, vector<1000x128xf32>,
    return
  }
  func.func @transform_0(%arg0: i32) -> (i32, i32, i32) {
    %c0_i32 = arith.constant 0 : i32
    %c0_i32_0 = arith.constant 0 : i32
    %c0_i32_1 = arith.constant 0 : i32
    return %c0_i32, %arg0, %c0_i32_0 : i32, i32, i32
  }
  func.func @transform_1(%arg0: i32) -> (i32, i32, i32) {
    %c0_i32 = arith.constant 0 : i32
    %c0_i32_0 = arith.constant 0 : i32
    %c0_i32_1 = arith.constant 0 : i32
    return %c0_i32, %arg0, %c0_i32_0 : i32, i32, i32
  }
  func.func @transform_2(%arg0: i32) -> (i32, i32) {
    %c0_i32 = arith.constant 0 : i32
    %c0_i32_0 = arith.constant 0 : i32
    %c0_i32_1 = arith.constant 0 : i32
    return %c0_i32, %c0_i32_0 : i32, i32
  }
  func.func @transform_3(%arg0: i32) -> (i32, i32) {
    %c0_i32 = arith.constant 0 : i32
    %c0_i32_0 = arith.constant 0 : i32
    %c0_i32_1 = arith.constant 0 : i32
    return %c0_i32, %c0_i32_0 : i32, i32
  }
  func.func @transform_4(%arg0: i32) -> (i32, i32) {
    %c0_i32 = arith.constant 0 : i32
    %c0_i32_0 = arith.constant 0 : i32
    return %arg0, %c0_i32 : i32, i32
  }
}

</mosaic_0001>

<sc_bundles>
// kernel: kernel.4.cloned.1.call-start
scs
__scs_entry_jumppad:
0x0: {  	(pc) =	sbr.rel $0x88, $3  }
0x1: {  	(tag) =	ssettag $0x0;
	lr =	simm.s32 $0x1  }
0x2: {  	[smem:$0x3F9D] =	sst lr;
	_ =	strace $0xD0000000  }
0x3: {  	_ = 	snop  }
0x4: {  	_ = 	snop  }
0x5: {  	_ = 	snop  }
0x6: {  	_ = 	snop  }
0x7: {  	_ = 	snop  }
__scs_overlays_trampoline_lowered:
0x8: {  	[smem:$0x3FAC] =	sst s0  }
0x9: {  	[smem:$0x3FAD] =	sst s1  }
0xa: {  	[smem:$0x3FAE] =	sst s2  }
0xb: {  	[smem:$0x3FAF] =	sst s3  }
0xc: {  	[smem:$0x3FB0] =	sst s4  }
0xd: {  	[smem:$0x3FB1] =	sst s5  }
0xe: {  	[smem:$0x3FB2] =	sst s6  }
0xf: {  	[smem:$0x3FB3] =	sst s7  }
0x10: {  	[smem:$0x3FB4] =	sst s8  }
0x11: {  	[smem:$0x3FB5] =	sst s9;
	s0 =	simm.s32 @!p0 $0x0  }
0x12: {  	s1 =	sld [smem:$0x3F9B];
	s0 =	simm.s32 @p0 $0x1  }
0x13: {  	[smem:$0x3FB6] =	sst s0;
	s0 =	simm.s32 @!p1 $0x0  }
0x14: {  	s2 =	sld [smem:$0x3F9A];
	s0 =	simm.s32 @p1 $0x1  }
0x15: {  	[smem:$0x3FB7] =	sst s0;
	s0 =	simm.s32 @!p2 $0x0  }
0x16: {  	s3 =	sld [smem:$0x3FDB];
	s0 =	simm.s32 @p2 $0x1  }
0x17: {  	s4 =	simm.s32 $0x1BF5;
	[smem:$0x3FB9] =	sst s0  }
0x18: {  	s0 =	sld [smem:$0x3F9C];
	_ =	swait.ge [sflag:s4], $0x0  }
0x19: {  	s7 =	sld [smem:$0x3F9D]  }
0x1a: {  	s8 =	sadd.s32 $0xFFFFE003, lr  }
0x1b: {  	s9 =	sadd.s32 $0xFFFFFEF7, lr;
	s5 =	simm.s32 $0xFFFFFFFF;
	p2 =	slt.u32 s8, $0xFFFFF086  }
0x1c: {  	p1 =	slt.u32 s9, $0xF7A;
	s5 =	simm.s32 @!p2 $0x0  }
0x1d: {  	s5 =	simm.s32 @p1 $0x1;
	p0 =	seq.s32 s7, s2  }
0x1e: {  	s7 =	smul.u32 @!p0 $0xF7A, s2;
	p2 =	seq.s32 @!p0 s5, $0x0  }
0x1f: {  	s9 =	smul.u32 $0xF7A, s1;
	s8 =	simm.s32 @!p0 $0x1BF5;
	p2 =	por !p2, p0  }
0x20: {  	[sflag:s8] =	ssyncset.s32 @!p0 $0xFFFFF086;
	s6 =	sadd.s32 @!p0 s3, s7;
	s7 =	simm.s32 @!p0 $0x108  }
0x21: {  	s3 =	sadd.s32 s3, s9;
	s6 =	sadd.s32 @!p0 $0x88, s6;
	s7 =	simm.s32 @p2 $0x1082  }
0x22: {  	[simem:s7], [sflag:s8] =	dma.local @!p0 [hbm:s6], $0xF7A  }
0x23: {  	s9 =	sor.u32 $0xD0000000, s2;
	s6 =	simm.s32 $0x108;
	_ =	swait.ge @!p0 [sflag:s8], $0x0  }
0x24: {  	s3 =	sadd.s32 $0x88, s3;
	s6 =	simm.s32 @!p1 $0x1082;
	[sflag:s4] =	ssyncset.s32 $0xFFFFF086  }
0x25: {  	[simem:s6], [sflag:s4] =	dma.local [hbm:s3], $0xF7A  }
0x26: {  	[smem:$0x3F9D] =	sst s1;
	(tag) =	ssettag s2;
	_ =	strace s9  }
0x27: {  	s1 =	sld [smem:$0x3FAD]  }
0x28: {  	s2 =	sld [smem:$0x3FAE]  }
0x29: {  	s4 =	sld [smem:$0x3FB0]  }
0x2a: {  	p0 =	seq.s32 s5, $0x0;
	s5 =	sld [smem:$0x3FB1]  }
0x2b: {  	s6 =	sld [smem:$0x3FB2]  }
0x2c: {  	s7 =	sld [smem:$0x3FB3]  }
0x2d: {  	s3 =	simm.s32 $0x108;
	s8 =	sld [smem:$0x3FB4]  }
0x2e: {  	s3 =	simm.s32 @!p0 $0x1082;
	s9 =	sld [smem:$0x3FB5]  }
0x2f: {  	lr =	sadd.s32 s0, s3;
	s0 =	sld [smem:$0x3FAC]  }
0x30: {  	s3 =	sld [smem:$0x3FAF]  }
0x31: {  	[smem:$0x3FB8] =	sst s10  }
0x32: {  	s10 =	sld [smem:$0x3FB6];
	_ =	sdelay $0x3  }
0x33: {  	p0 =	seq.s32 s10, $0x1;
	s10 =	sld [smem:$0x3FB8];
	_ =	sdelay $0x3  }
0x34: {  	[smem:$0x3FB8] =	sst s10  }
0x35: {  	s10 =	sld [smem:$0x3FB7];
	_ =	sdelay $0x3  }
0x36: {  	p1 =	seq.s32 s10, $0x1;
	s10 =	sld [smem:$0x3FB8];
	_ =	sdelay $0x3  }
0x37: {  	[smem:$0x3FB8] =	sst s10  }
0x38: {  	s10 =	sld [smem:$0x3FB9]  }
0x39: {  	_ = 	snop;
	(pc) =	sbr.ind lr, $3  }
0x3a: {  	_ = 	snop  }
0x3b: {  	_ = 	snop  }
0x3c: {  	p2 =	seq.s32 s10, $0x1;
	s10 =	sld [smem:$0x3FB8]  }
0x3d: {  	_ =	shalt  }
0x3e: {  	_ =	shalt  }
0x3f: {  	_ =	shalt  }
0x40: {  	_ =	shalt  }
0x41: {  	_ =	shalt  }
0x42: {  	_ =	shalt  }
0x43: {  	_ =	shalt  }
0x44: {  	_ =	shalt  }
0x45: {  	_ =	shalt  }
0x46: {  	_ =	shalt  }
0x47: {  	_ =	shalt  }
0x48: {  	_ =	shalt  }
0x49: {  	_ =	shalt  }
0x4a: {  	_ =	shalt  }
0x4b: {  	_ =	shalt  }
0x4c: {  	_ =	shalt  }
0x4d: {  	_ =	shalt  }
0x4e: {  	_ =	shalt  }
0x4f: {  	_ =	shalt  }
0x50: {  	_ =	shalt  }
0x51: {  	_ =	shalt  }
0x52: {  	_ =	shalt  }
0x53: {  	_ =	shalt  }
0x54: {  	_ =	shalt  }
0x55: {  	_ =	shalt  }
0x56: {  	_ =	shalt  }
0x57: {  	_ =	shalt  }
0x58: {  	_ =	shalt  }
0x59: {  	_ =	shalt  }
0x5a: {  	_ =	shalt  }
0x5b: {  	_ =	shalt  }
0x5c: {  	_ =	shalt  }
0x5d: {  	_ =	shalt  }
0x5e: {  	_ =	shalt  }
0x5f: {  	_ =	shalt  }
0x60: {  	_ =	shalt  }
0x61: {  	_ =	shalt  }
0x62: {  	_ =	shalt  }
0x63: {  	_ =	shalt  }
0x64: {  	_ =	shalt  }
0x65: {  	_ =	shalt  }
0x66: {  	_ =	shalt  }
0x67: {  	_ =	shalt  }
0x68: {  	_ =	shalt  }
0x69: {  	_ =	shalt  }
0x6a: {  	_ =	shalt  }
0x6b: {  	_ =	shalt  }
0x6c: {  	_ =	shalt  }
0x6d: {  	_ =	shalt  }
0x6e: {  	_ =	shalt  }
0x6f: {  	_ =	shalt  }
0x70: {  	_ =	shalt  }
0x71: {  	_ =	shalt  }
0x72: {  	_ =	shalt  }
0x73: {  	_ =	shalt  }
0x74: {  	_ =	shalt  }
0x75: {  	_ =	shalt  }
0x76: {  	_ =	shalt  }
0x77: {  	_ =	shalt  }
0x78: {  	_ =	shalt  }
0x79: {  	_ =	shalt  }
0x7a: {  	_ =	shalt  }
0x7b: {  	_ =	shalt  }
0x7c: {  	_ =	shalt  }
0x7d: {  	_ =	shalt  }
0x7e: {  	_ =	shalt  }
0x7f: {  	_ =	shalt  }
0x80: {  	_ =	shalt  }
0x81: {  	_ =	shalt  }
0x82: {  	_ =	shalt  }
0x83: {  	_ =	shalt  }
0x84: {  	_ =	shalt  }
0x85: {  	_ =	shalt  }
0x86: {  	_ =	shalt  }
0x87: {  	_ =	shalt  }
.Lfunc_end0:
.L_simem_size_0:
called_computation_lowered:
.L_overlay_start_0:
0x88: {  	s2 =	sld [smem:$0x3FD9]  }
0x89: {  	s3 =	sld [smem:$0x3FFE];
	_ =	sdelay $0x1  }
0x8a: {  	s1 =	srdreg.scid  }
0x8b: {  	s0 =	sand.u32 $0x1, s1  }
0x8c: {  	s17 =	sshll.u32 s0, $0xA;
	s2 =	sadd.s32 s3, s2  }
0x8d: {  	s2 =	sadd.s32 s2, s17  }
0x8e: {  	[smem:$0x3FC4] =	sst s2  }
0x8f: {  	_ = 	snop  }
0x90: {  	s2 =	sld [smem:$0x3FC9]  }
0x91: {  	s18 =	sld [smem:$0x3FD0];
	(tm) =	ssettm $0x1  }
0x92: {  	s4 =	sld [smem:$0x3FFB];
	_ =	sdelay $0x3  }
0x93: {  	_ =	strace s4  }
0x94: {  	s4 =	sld [smem:$0x3FFC];
	_ =	sdelay $0x3  }
0x95: {  	_ =	strace s4  }
0x96: {  	s4 =	sld [smem:$0x3FFD];
	_ =	sdelay $0x3  }
0x97: {  	_ =	strace s4  }
0x98: {  	_ =	strace $0x8FFFFFFF  }
0x99: {  	s19 =	sld [smem:$0x3FDB];
	_ =	sdelay $0x1  }
0x9a: {  	s5 =	simm.s32 $_scs_section_size  }
0x9b: {  	s6 =	simm.s32 $_size__tile_overlayer_lowered;
	s7 =	simm.s32 $_tile_overlayer_lowered  }
0x9c: {  	s22 =	simm.s32 $0x1BFF;
	s21 =	sshll.u32 s7, $0x1;
	s4 =	sadd.s32 s5, s19  }
0x9d: {  	s8 =	simm.s32 $0x0;
	s20 =	sshll.u32 s6, $0x1;
	s6 =	sadd.s32 s21, s4  }
0x9e: {  	[timem:s8], [sflag:s22] =	dma.local [hbm:s6], s20  }
0x9f: {  	_ =	swait.ge [sflag:s22], s20  }
0xa0: {  	s5 =	ssub.s32 $0x0, s20;
	[sflag:s22] =	ssyncset.done $0x0  }
0xa1: {  	[sflag:s22] =	ssyncadd.s32 s5;
	_ =	sdelay $0x1  }
0xa2: {  	s23 =	simm.s32 $0x1B8B  }
0xa3: {  	_ =	swait.ge [sflag:s23], $0x1  }
0xa4: {  	[sflag:s23] =	ssyncset.done $0x0  }
0xa5: {  	s25 =	simm.s32 $0x1B8E;
	s24 =	sld [smem:$0x3FFE];
	[sflag:s23] =	ssyncadd.s32 $0xFFFFFFFF  }
0xa6: {  	s26 =	simm.s32 $execute0_lowered;
	[smem:$0x3FD2] =	sst s25  }
0xa7: {  	s6 =	sshll.u32 s26, $0x1;
	_ =	strace $0x80000046;
	[dreg:$0x1] =	wrdreg $0xFFFFFFFF  }
0xa8: {  	s28 =	simm.s32 $_size_execute0_lowered;
	s4 =	sadd.s32 s4, s6;
	[dreg:$0x0] =	wrdreg $0x0  }
0xa9: {  	s6 =	sshll.u32 s28, $0x1;
	[dreg:$0x2] =	wrdreg s4  }
0xaa: {  	[dreg:$0x3] =	wrdreg s6  }
0xab: {  	[dreg:$0x4] =	wrdreg $0xC0  }
0xac: {  	_ =	task [dreg:s8], $0x5FFFF  }
0xad: {  	[dreg:$0x1] =	wrdreg $0xFFFFFFFF  }
0xae: {  	[dreg:$0x0] =	wrdreg $0x60  }
0xaf: {  	[dreg:$0x2] =	wrdreg s2  }
0xb0: {  	[dreg:$0x3] =	wrdreg s24  }
0xb1: {  	[dreg:$0x4] =	wrdreg s18  }
0xb2: {  	[dreg:$0x5] =	wrdreg $0x7C000  }
0xb3: {  	[dreg:$0x6] =	wrdreg $0x1BC000  }
0xb4: {  	[dreg:$0x7] =	wrdreg $0x9  }
0xb5: {  	_ =	task.clear_ibuf [dreg:s8], $0x8FFFF;
	_ =	strace $0x90000046  }
0xb6: {  	s29 =	simm.s32 $0x9;
	_ =	strace $0x80000048  }
0xb7: {  	_ =	swait.ge [sflag:s29], $0x1  }
0xb8: {  	[sflag:s29] =	ssyncadd.s32 $0xFFFFFFFF  }
0xb9: {  	_ =	strace $0x90000048  }
0xba: {  	_ =	sfence  }
0xbb: {  	s30 =	sld [smem:$0x0];
	_ =	sdelay $0x2  }
0xbc: {  	s31 =	sshll.u32 s1, $0xD;
	s1 =	sshrl.u32 s1, $0x2  }
0xbd: {  	s3 =	sand.u32 $0x4000, s31;
	s1 =	sadd.s32 s1, s30  }
0xbe: {  	s0 =	sor.u32 s3, s0;
	s1 =	sshll.u32 s1, $0x11  }
0xbf: {  	s0 =	sor.u32 s1, s0  }
0xc0: {  	s0 =	sadd.s32 $0x8F2B, s0  }
0xc1: {  	[sflag:s0] =	ssyncadd.remote.s32 $0x1  }
0xc2: {  	_ =	sfence.sel $0xFFFF  }
0xc3: {  	[dreg:$0x0] =	wrdreg $0xFFFFFFFF;
	(pc) =	sbr.abs _section_cstart, $3  }
0xc4: {  	[dreg:$0x1] =	wrdreg $0xFFFFFFFF  }
0xc5: {  	_ =	task.clear_ibuf [dreg:s8], $0x2FFFF;
	_ =	strace $0x9FFFFFFF  }
0xc6: {  	(tm) =	ssettm $0x7FFFFFFF  }
0xc7: {  	_ =	shalt  }
tec
execute0_lowered:
.L_overlay_start_1:
0x0: {  	(tag) =	ssettag $0x1  }
0x1: {  	s1 =	rddreg [dreg:$0x0]  }
0x2: {  	s0 =	rddreg [dreg:$0x1]  }
0x3: {  	s5 =	rddreg [dreg:$0x2]  }
0x4: {  	s2 =	rddreg [dreg:$0x3]  }
0x5: {  	s3 =	rddreg [dreg:$0x4];
	s4 =	simm.s32 $0x0;
	s7 =	srdreg.scid  }
0x6: {  	s19 =	stileid.u32;
	s28 =	simm.s32 $0x280;
	s29 =	simm.s32 $0x300  }
0x7: {  	s30 =	simm.s32 $0x0;
	[smem:$0x7FF] =	sst s4;
	s6 =	sadd.s32 $0xBE00, s0  }
0x8: {  	s7 =	sand.u32 $0x1, s7;
	s8 =	sadd.s32 $0x4EDE00, s0;
	s12 =	smul.u32 $0x14000, s19  }
0x9: {  	s10 =	sshll.u32 s19, $0x7;
	s11 =	sshll.u32 s19, $0x4;
	s18 =	smul.u32 $0x2800, s19  }
0xa: {  	s14 =	sadd.s32 $0x1600, s0;
	_ =	strace $0x80000047;
	s9 =	smul.u32 $0x140000, s7  }
0xb: {  	s10 =	sadd.s32 s10, s0;
	s11 =	sadd.s32 s11, s0;
	s13 =	sshll.u32 s7, $0x4  }
0xc: {  	[dreg:$0x6] =	wrdreg s14;
	s15 =	smul.u32 $0x28000, s7;
	s13 =	sor.u32 s19, s13  }
0xd: {  	s26 =	ssub.s32 $0x2, s7;
	s9 =	sadd.s32 s12, s9;
	s16 =	smul.u32 $0x27100, s13  }
0xe: {  	s14 =	sshrl.u32 s26, $0x1;
	s23 =	smul.u32 $0xFA00, s13;
	s9 =	sshrl.u32 s9, $0x3  }
0xf: {  	s20 =	sadd.s32 $0xB400, s10;
	s25 =	smul.u32 $0x138800, s13;
	s24 =	sadd.s32 s9, s0  }
0x10: {  	s9 =	ssub.s32 s26, s14;
	s14 =	sadd.s32 s18, s15;
	s15 =	smul.u32 $0xFA000, s7  }
0x11: {  	s21 =	sadd.s32 $0xB410, s10;
	s22 =	sadd.s32 $0xB420, s10;
	s18 =	smul.u32 $0xFA00, s19  }
0x12: {  	s17 =	sadd.s32 $0xB430, s10;
	s12 =	sadd.s32 $0xB440, s10;
	s7 =	smul.u32 $0x271000, s7  }
0x13: {  	s16 =	sadd.s32 s8, s16;
	s26 =	sshrl.u32 s23, $0x3;
	s23 =	smul.u32 $0x27100, s19  }
0x14: {  	s0 =	sadd.s32 $0xBC00, s11;
	s11 =	smov.u32 s22;
	[dreg:$0xa] =	wrdreg s16  }
0x15: {  	s14 =	sshrl.u32 s14, $0x3;
	s16 =	sadd.s32 s6, s26;
	[dreg:$0xc] =	wrdreg s0  }
0x16: {  	s26 =	sadd.s32 $0x4AB00, s24;
	s19 =	sadd.s32 $0x4BA00, s24;
	[dreg:$0xd] =	wrdreg s16  }
0x17: {  	s5 =	sadd.s32 s5, s14;
	s14 =	sadd.s32 $0xB450, s10;
	[dreg:$0x10] =	wrdreg s26  }
0x18: {  	s13 =	sadd.s32 s18, s15;
	s15 =	sadd.s32 $0xB460, s10;
	[dreg:$0x13] =	wrdreg s19  }
0x19: {  	s18 =	sadd.s32 $0xB470, s10;
	s16 =	sadd.s32 $0x4B500, s24;
	[dreg:$0x7] =	wrdreg s5  }
0x1a: {  	s10 =	smov.u32 s21;
	s21 =	sadd.s32 $0x4BF00, s24;
	[dreg:$0x12] =	wrdreg s16  }
0x1b: {  	s7 =	sadd.s32 s7, s8;
	s19 =	simm.s32 $0x5400;
	[dreg:$0x14] =	wrdreg s21  }
0x1c: {  	s5 =	sshrl.u32 s25, $0x3;
	s25 =	sadd.s32 $0x4A600, s24;
	[dreg:$0x8] =	wrdreg s14  }
0x1d: {  	s22 =	sadd.s32 $0x200, s13;
	s26 =	sadd.s32 $0x400, s13;
	[dreg:$0x9] =	wrdreg s15  }
0x1e: {  	s13 =	simm.s32 $0x4;
	s16 =	simm.s32 $0x50;
	[dreg:$0xb] =	wrdreg s18  }
0x1f: {  	s21 =	simm.s32 $0x2C00;
	s5 =	sadd.s32 s8, s5;
	[dreg:$0xf] =	wrdreg s25  }
0x20: {  	s8 =	sadd.s32 $0x4B000, s24;
	s25 =	smax.u32 s9, $0x1;
	[dreg:$0x19] =	wrdreg s26  }
0x21: {  	s9 =	smov.u32 s20;
	s20 =	simm.s32 $0x200;
	[dreg:$0x11] =	wrdreg s8  }
0x22: {  	s26 =	simm.s32 $0x2;
	s5 =	sadd.s32 $0x26C00, s5;
	[dreg:$0x17] =	wrdreg s25  }
0x23: {  	[dreg:$0xe] =	wrdreg s5;
	s5 =	sadd.s32 s23, s7;
	s23 =	sadd.s32 $0x4C400, s24  }
0x24: {  	s25 =	simm.s32 $0x100;
	s24 =	sadd.s32 $0x4C900, s24;
	[dreg:$0x15] =	wrdreg s23  }
0x25: {  	s7 =	sshrl.u32 s22, $0x3;
	s22 =	simm.s32 $0x1;
	[dreg:$0x16] =	wrdreg s24  }
0x26: {  	s31 =	sadd.s32 s7, s6;
	s5 =	sadd.s32 $0x500, s5;
	s7 =	simm.s32 $0x400  }
0x27: {  	s23 =	simm.s32 $0x80;
	s24 =	simm.s32 $0x3;
	[dreg:$0x18] =	wrdreg s5  }
.LBB2_1:
0x28: {  	s8 =	rddreg [dreg:$0x6]  }
0x29: {  	[tilespmem:s7], [sflag:$0x4] =	stream.linear.gather [hbm4b:s8+s4], $0x2800, $0x38;
	[tilespmem:$0x1E400] =	vst v63  }
0x2a: {  	_ =	swait.ge [sflag:s13], $0x2800  }
0x2b: {  	[sflag:s13] =	ssyncset.done $0x0  }
0x2c: {  	[sflag:s13] =	ssyncadd.s32 $0xFFFFD800  }
0x2d: {  	[tilespmem:s4], [sflag:$0x4] =	stream.linear.gather [hbm4b:s9+s4], $0x80, $0x38;
	[tilespmem:$0x1E400] =	vst v63  }
0x2e: {  	_ =	swait.ge [sflag:s13], $0x80  }
0x2f: {  	[sflag:s13] =	ssyncset.done $0x0  }
0x30: {  	[sflag:s13] =	ssyncadd.s32 $0xFFFFFF80  }
0x31: {  	[spmem:s2] =	stream.indirect.scatter [tilespmem:s7], [sflag:$0x4], $0x80, s4, s16, $0xb8;
	[tilespmem:$0x1E400] =	vst v63  }
0x32: {  	_ =	swait.ge [sflag:s13], $0x2800  }
0x33: {  	[sflag:s13] =	ssyncset.done $0x0  }
0x34: {  	[sflag:s13] =	ssyncadd.s32 $0xFFFFD800  }
0x35: {  	[tilespmem:s4], [sflag:$0x4] =	stream.linear.gather [hbm4b:s10+s4], $0x80, $0x38;
	[tilespmem:$0x1E400] =	vst v63  }
0x36: {  	_ =	swait.ge [sflag:s13], $0x80  }
0x37: {  	[sflag:s13] =	ssyncset.done $0x0  }
0x38: {  	[sflag:s13] =	ssyncadd.s32 $0xFFFFFF80  }
0x39: {  	[spmem:s2] =	stream.indirect.scatter [tilespmem:s7], [sflag:$0x4], $0x80, s4, s16, $0xb8;
	[tilespmem:$0x1E400] =	vst v63  }
0x3a: {  	_ =	swait.ge [sflag:s13], $0x2800  }
0x3b: {  	[sflag:s13] =	ssyncset.done $0x0  }
0x3c: {  	[sflag:s13] =	ssyncadd.s32 $0xFFFFD800  }
0x3d: {  	[tilespmem:s4], [sflag:$0x4] =	stream.linear.gather [hbm4b:s11+s4], $0x80, $0x38;
	[tilespmem:$0x1E400] =	vst v63  }
0x3e: {  	_ =	swait.ge [sflag:s13], $0x80  }
0x3f: {  	[sflag:s13] =	ssyncset.done $0x0  }
0x40: {  	[sflag:s13] =	ssyncadd.s32 $0xFFFFFF80  }
0x41: {  	[spmem:s2] =	stream.indirect.scatter [tilespmem:s7], [sflag:$0x4], $0x80, s4, s16, $0xb8;
	[tilespmem:$0x1E400] =	vst v63  }
0x42: {  	_ =	swait.ge [sflag:s13], $0x2800  }
0x43: {  	[sflag:s13] =	ssyncset.done $0x0  }
0x44: {  	[sflag:s13] =	ssyncadd.s32 $0xFFFFD800  }
0x45: {  	[tilespmem:s4], [sflag:$0x4] =	stream.linear.gather [hbm4b:s17+s4], $0x80, $0x38;
	[tilespmem:$0x1E400] =	vst v63  }
0x46: {  	_ =	swait.ge [sflag:s13], $0x80  }
0x47: {  	[sflag:s13] =	ssyncset.done $0x0  }
0x48: {  	[sflag:s13] =	ssyncadd.s32 $0xFFFFFF80  }
0x49: {  	[spmem:s2] =	stream.indirect.scatter [tilespmem:s7], [sflag:$0x4], $0x80, s4, s16, $0xb8;
	[tilespmem:$0x1E400] =	vst v63  }
0x4a: {  	_ =	swait.ge [sflag:s13], $0x2800  }
0x4b: {  	[sflag:s13] =	ssyncset.done $0x0  }
0x4c: {  	s8 =	smov.u32 s12;
	[sflag:s13] =	ssyncadd.s32 $0xFFFFD800  }
0x4d: {  	[tilespmem:s4], [sflag:$0x4] =	stream.linear.gather [hbm4b:s8+s4], $0x80, $0x38;
	[tilespmem:$0x1E400] =	vst v63  }
0x4e: {  	_ =	swait.ge [sflag:s13], $0x80  }
0x4f: {  	[sflag:s13] =	ssyncset.done $0x0  }
0x50: {  	[sflag:s13] =	ssyncadd.s32 $0xFFFFFF80  }
0x51: {  	[spmem:s2] =	stream.indirect.scatter [tilespmem:s7], [sflag:$0x4], $0x80, s4, s16, $0xb8;
	[tilespmem:$0x1E400] =	vst v63  }
0x52: {  	_ =	swait.ge [sflag:s13], $0x2800  }
0x53: {  	[sflag:s13] =	ssyncset.done $0x0  }
0x54: {  	s12 =	smov.u32 s9;
	s9 =	smov.u32 s14;
	[sflag:s13] =	ssyncadd.s32 $0xFFFFD800  }
0x55: {  	[tilespmem:s4], [sflag:$0x4] =	stream.linear.gather [hbm4b:s9+s4], $0x80, $0x38;
	[tilespmem:$0x1E400] =	vst v63  }
0x56: {  	_ =	swait.ge [sflag:s13], $0x80  }
0x57: {  	[sflag:s13] =	ssyncset.done $0x0  }
0x58: {  	[sflag:s13] =	ssyncadd.s32 $0xFFFFFF80  }
0x59: {  	[spmem:s2] =	stream.indirect.scatter [tilespmem:s7], [sflag:$0x4], $0x80, s4, s16, $0xb8;
	[tilespmem:$0x1E400] =	vst v63  }
0x5a: {  	_ =	swait.ge [sflag:s13], $0x2800  }
0x5b: {  	[sflag:s13] =	ssyncset.done $0x0  }
0x5c: {  	s14 =	smov.u32 s10;
	s10 =	smov.u32 s15;
	[sflag:s13] =	ssyncadd.s32 $0xFFFFD800  }
0x5d: {  	[tilespmem:s4], [sflag:$0x4] =	stream.linear.gather [hbm4b:s10+s4], $0x80, $0x38;
	[tilespmem:$0x1E400] =	vst v63  }
0x5e: {  	_ =	swait.ge [sflag:s13], $0x80  }
0x5f: {  	[sflag:s13] =	ssyncset.done $0x0  }
0x60: {  	[sflag:s13] =	ssyncadd.s32 $0xFFFFFF80  }
0x61: {  	[spmem:s2] =	stream.indirect.scatter [tilespmem:s7], [sflag:$0x4], $0x80, s4, s16, $0xb8;
	[tilespmem:$0x1E400] =	vst v63  }
0x62: {  	_ =	swait.ge [sflag:s13], $0x2800  }
0x63: {  	[sflag:s13] =	ssyncset.done $0x0  }
0x64: {  	s15 =	smov.u32 s11;
	s11 =	smov.u32 s18;
	[sflag:s13] =	ssyncadd.s32 $0xFFFFD800  }
0x65: {  	[tilespmem:s4], [sflag:$0x4] =	stream.linear.gather [hbm4b:s11+s4], $0x80, $0x38;
	[tilespmem:$0x1E400] =	vst v63  }
0x66: {  	_ =	swait.ge [sflag:s13], $0x80  }
0x67: {  	[sflag:s13] =	ssyncset.done $0x0  }
0x68: {  	[sflag:s13] =	ssyncadd.s32 $0xFFFFFF80  }
0x69: {  	[spmem:s2] =	stream.indirect.scatter [tilespmem:s7], [sflag:$0x4], $0x80, s4, s16, $0xb8;
	[tilespmem:$0x1E400] =	vst v63  }
0x6a: {  	_ =	swait.ge [sflag:s13], $0x2800  }
0x6b: {  	[sflag:s13] =	ssyncset.done $0x0  }
0x6c: {  	[sflag:s13] =	ssyncadd.s32 $0xFFFFD800  }
0x6d: {  	[tilespmem:s4], [sflag:$0x4] =	stream.linear.gather [hbm4b:s0+s4], $0x80, $0x38;
	[tilespmem:$0x1E400] =	vst v63  }
0x6e: {  	_ =	swait.ge [sflag:s13], $0x80  }
0x6f: {  	[sflag:s13] =	ssyncset.done $0x0  }
0x70: {  	[sflag:s13] =	ssyncadd.s32 $0xFFFFFF80  }
0x71: {  	[spmem:s3] =	stream.indirect.scatter [tilespmem:s7], [sflag:$0x4], $0x80, s4, s16, $0xb8;
	[tilespmem:$0x1E400] =	vst v63  }
0x72: {  	_ =	swait.ge [sflag:s13], $0x2800  }
0x73: {  	[sflag:s13] =	ssyncset.done $0x0  }
0x74: {  	[sflag:s13] =	ssyncadd.s32 $0xFFFFD800  }
0x75: {  	[bflag:$0x0] =	sbarrier.arrive $0xFFFF  }
0x76: {  	s0 =	rddreg [dreg:$0xa]  }
0x77: {  	[tilespmem:s19], [sflag:$0x3] =	stream.linear.gather [hbm4b:s0+s4], $0x2800, $0x38;
	[tilespmem:$0x1E400] =	vst v63  }
0x78: {  	s5 =	smov.u32 s8;
	s8 =	rddreg [dreg:$0xd]  }
0x79: {  	[tilespmem:s4], [sflag:$0x4] =	stream.linear.gather [hbm4b:s8+s4], $0x180, $0x38;
	[tilespmem:$0x1E400] =	vst v63  }
0x7a: {  	_ =	swait.ge [sflag:s13], $0x180  }
0x7b: {  	[sflag:s13] =	ssyncset.done $0x0  }
0x7c: {  	[sflag:s13] =	ssyncadd.s32 $0xFFFFFE80  }
0x7d: {  	[tilespmem:s7], [sflag:$0x1] =	stream.indirect.gather [hbm4b:s1+s16], $0x80, s4, s16, $0xb8;
	[tilespmem:$0x1E400] =	vst v63  }
0x7e: {  	s9 =	sadd.s32 $0x0, s31  }
0x7f: {  	[tilespmem:s20], [sflag:$0x4] =	stream.linear.gather [hbm4b:s9+s4], $0x180, $0x38;
	[tilespmem:$0x1E400] =	vst v63  }
0x80: {  	_ =	swait.ge [sflag:s13], $0x180  }
0x81: {  	[sflag:s13] =	ssyncset.done $0x0  }
0x82: {  	[sflag:s13] =	ssyncadd.s32 $0xFFFFFE80  }
0x83: {  	[tilespmem:s21], [sflag:$0x2] =	stream.indirect.gather [hbm4b:s1+s16], $0x80, s20, s16, $0xb8;
	[tilespmem:$0x1E400] =	vst v63  }
0x84: {  	_ =	swait.ge [sflag:s22], $0x2800  }
0x85: {  	[sflag:s22] =	ssyncset.done $0x0  }
0x86: {  	[sflag:s22] =	ssyncadd.s32 $0xFFFFD800  }
0x87: {  	[spmem:s2] =	stream.indirect.scatter.add.f32 [tilespmem:s7], [sflag:$0x4], $0x80, s23, s16, $0xb8;
	[tilespmem:$0x1E400] =	vst v63  }
0x88: {  	_ =	swait.ge [sflag:s13], $0x2800  }
0x89: {  	[sflag:s13] =	ssyncset.done $0x0  }
0x8a: {  	[sflag:s13] =	ssyncadd.s32 $0xFFFFD800  }
0x8b: {  	_ =	swait.ge [sflag:s24], $0x2800  }
0x8c: {  	[sflag:s24] =	ssyncset.done $0x0  }
0x8d: {  	[sflag:s24] =	ssyncadd.s32 $0xFFFFD800  }
0x8e: {  	[spmem:s3] =	stream.indirect.scatter.add.f32 [tilespmem:s19], [sflag:$0x4], $0x80, s25, s16, $0xb8;
	[tilespmem:$0x1E400] =	vst v63  }
0x8f: {  	_ =	swait.ge [sflag:s13], $0x2800  }
0x90: {  	s18 =	smov.u32 s17;
	[sflag:s13] =	ssyncset.done $0x0;
	s10 =	rddreg [dreg:$0x19]  }
0x91: {  	s17 =	rddreg [dreg:$0x18];
	[sflag:s13] =	ssyncadd.s32 $0xFFFFD800;
	s11 =	sshrl.u32 s10, $0x3  }
0x92: {  	[tilespmem:s19], [sflag:$0x3] =	stream.linear.gather [hbm4b:s17+s4], $0x2800, $0x38;
	[tilespmem:$0x1E400] =	vst v63  }
0x93: {  	s8 =	sadd.s32 s6, s11  }
0x94: {  	[tilespmem:s4], [sflag:$0x4] =	stream.linear.gather [hbm4b:s8+s4], $0x180, $0x38;
	[tilespmem:$0x1E400] =	vst v63  }
0x95: {  	_ =	swait.ge [sflag:s13], $0x180  }
0x96: {  	[sflag:s13] =	ssyncset.done $0x0  }
0x97: {  	[sflag:s13] =	ssyncadd.s32 $0xFFFFFE80  }
0x98: {  	[tilespmem:s7], [sflag:$0x1] =	stream.indirect.gather [hbm4b:s1+s16], $0x80, s4, s16, $0xb8;
	[tilespmem:$0x1E400] =	vst v63  }
0x99: {  	_ =	swait.ge [sflag:s26], $0x2800  }
0x9a: {  	[sflag:s26] =	ssyncset.done $0x0  }
0x9b: {  	[sflag:s26] =	ssyncadd.s32 $0xFFFFD800  }
0x9c: {  	[spmem:s2] =	stream.indirect.scatter.add.f32 [tilespmem:s21], [sflag:$0x4], $0x80, s28, s16, $0xb8;
	[tilespmem:$0x1E400] =	vst v63  }
0x9d: {  	_ =	swait.ge [sflag:s13], $0x2800  }
0x9e: {  	[sflag:s13] =	ssyncset.done $0x0  }
0x9f: {  	[sflag:s13] =	ssyncadd.s32 $0xFFFFD800  }
0xa0: {  	_ =	swait.ge [sflag:s24], $0x2800  }
0xa1: {  	[sflag:s24] =	ssyncset.done $0x0  }
0xa2: {  	[sflag:s24] =	ssyncadd.s32 $0xFFFFD800  }
0xa3: {  	[spmem:s3] =	stream.indirect.scatter.add.f32 [tilespmem:s19], [sflag:$0x4], $0x80, s29, s16, $0xb8;
	[tilespmem:$0x1E400] =	vst v63  }
0xa4: {  	_ =	swait.ge [sflag:s13], $0x2800  }
0xa5: {  	s9 =	sadd.s32 $0x400, s10;
	s10 =	sadd.s32 $0xA00, s17;
	[sflag:s13] =	ssyncset.done $0x0  }
0xa6: {  	s11 =	sadd.s32 $0x500, s17;
	s8 =	simm.s32 $0x80;
	[sflag:s13] =	ssyncadd.s32 $0xFFFFD800  }
.LBB2_2:
0xa7: {  	[tilespmem:s19], [sflag:$0x3] =	stream.linear.gather [hbm4b:s11+s4], $0x2800, $0x38;
	[tilespmem:$0x1E400] =	vst v63  }
0xa8: {  	s11 =	sadd.s32 s8, s31;
	p0 =	sne.s32 s8, $0x1E80;
	s8 =	sadd.s32 $0x80, s8  }
0xa9: {  	[tilespmem:s20], [sflag:$0x4] =	stream.linear.gather [hbm4b:s11+s4], $0x180, $0x38;
	[tilespmem:$0x1E400] =	vst v63  }
0xaa: {  	_ =	swait.ge [sflag:s13], $0x180  }
0xab: {  	[sflag:s13] =	ssyncset.done $0x0  }
0xac: {  	[sflag:s13] =	ssyncadd.s32 $0xFFFFFE80  }
0xad: {  	[tilespmem:s21], [sflag:$0x2] =	stream.indirect.gather [hbm4b:s1+s16], $0x80, s20, s16, $0xb8;
	[tilespmem:$0x1E400] =	vst v63  }
0xae: {  	_ =	swait.ge [sflag:s22], $0x2800  }
0xaf: {  	[sflag:s22] =	ssyncset.done $0x0  }
0xb0: {  	[sflag:s22] =	ssyncadd.s32 $0xFFFFD800  }
0xb1: {  	[spmem:s2] =	stream.indirect.scatter.add.f32 [tilespmem:s7], [sflag:$0x4], $0x80, s23, s16, $0xb8;
	[tilespmem:$0x1E400] =	vst v63  }
0xb2: {  	_ =	swait.ge [sflag:s13], $0x2800  }
0xb3: {  	[sflag:s13] =	ssyncset.done $0x0  }
0xb4: {  	[sflag:s13] =	ssyncadd.s32 $0xFFFFD800  }
0xb5: {  	_ =	swait.ge [sflag:s24], $0x2800  }
0xb6: {  	[sflag:s24] =	ssyncset.done $0x0  }
0xb7: {  	[sflag:s24] =	ssyncadd.s32 $0xFFFFD800  }
0xb8: {  	[spmem:s3] =	stream.indirect.scatter.add.f32 [tilespmem:s19], [sflag:$0x4], $0x80, s25, s16, $0xb8;
	[tilespmem:$0x1E400] =	vst v63  }
0xb9: {  	_ =	swait.ge [sflag:s13], $0x2800  }
0xba: {  	[sflag:s13] =	ssyncset.done $0x0  }
0xbb: {  	s11 =	sshrl.u32 s9, $0x3;
	[sflag:s13] =	ssyncadd.s32 $0xFFFFD800  }
0xbc: {  	[tilespmem:s19], [sflag:$0x3] =	stream.linear.gather [hbm4b:s10+s4], $0x2800, $0x38;
	[tilespmem:$0x1E400] =	vst v63  }
0xbd: {  	s11 =	sadd.s32 s6, s11  }
0xbe: {  	[tilespmem:s4], [sflag:$0x4] =	stream.linear.gather [hbm4b:s11+s4], $0x180, $0x38;
	[tilespmem:$0x1E400] =	vst v63  }
0xbf: {  	_ =	swait.ge [sflag:s13], $0x180  }
0xc0: {  	[sflag:s13] =	ssyncset.done $0x0  }
0xc1: {  	[sflag:s13] =	ssyncadd.s32 $0xFFFFFE80  }
0xc2: {  	[tilespmem:s7], [sflag:$0x1] =	stream.indirect.gather [hbm4b:s1+s16], $0x80, s4, s16, $0xb8;
	[tilespmem:$0x1E400] =	vst v63  }
0xc3: {  	_ =	swait.ge [sflag:s26], $0x2800  }
0xc4: {  	[sflag:s26] =	ssyncset.done $0x0  }
0xc5: {  	[sflag:s26] =	ssyncadd.s32 $0xFFFFD800  }
0xc6: {  	[spmem:s2] =	stream.indirect.scatter.add.f32 [tilespmem:s21], [sflag:$0x4], $0x80, s28, s16, $0xb8;
	[tilespmem:$0x1E400] =	vst v63  }
0xc7: {  	_ =	swait.ge [sflag:s13], $0x2800  }
0xc8: {  	[sflag:s13] =	ssyncset.done $0x0  }
0xc9: {  	[sflag:s13] =	ssyncadd.s32 $0xFFFFD800  }
0xca: {  	_ =	swait.ge [sflag:s24], $0x2800  }
0xcb: {  	[sflag:s24] =	ssyncset.done $0x0  }
.Ltmp0:
0xcc: {  	[sflag:s24] =	ssyncadd.s32 $0xFFFFD800;
	(pc) =	sbr.rel @p0 .LBB2_2-.Ltmp0, $4  }
0xcd: {  	[spmem:s3] =	stream.indirect.scatter.add.f32 [tilespmem:s19], [sflag:$0x4], $0x80, s29, s16, $0xb8;
	[tilespmem:$0x1E400] =	vst v63  }
0xce: {  	_ =	swait.ge [sflag:s13], $0x2800  }
0xcf: {  	s9 =	sadd.s32 $0x400, s9;
	[sflag:s13] =	ssyncset.done $0x0  }
0xd0: {  	s11 =	sadd.s32 $0x500, s10;
	s10 =	sadd.s32 $0xA00, s10;
	[sflag:s13] =	ssyncadd.s32 $0xFFFFD800  }
0xd1: {  	[tilespmem:s19], [sflag:$0x3] =	stream.linear.gather [hbm4b:s11+s4], $0x2800, $0x38;
	[tilespmem:$0x1E400] =	vst v63  }
0xd2: {  	_ =	swait.ge [sflag:s22], $0x2800  }
0xd3: {  	[sflag:s22] =	ssyncset.done $0x0  }
0xd4: {  	[sflag:s22] =	ssyncadd.s32 $0xFFFFD800  }
0xd5: {  	[spmem:s2] =	stream.indirect.scatter.add.f32 [tilespmem:s7], [sflag:$0x4], $0x80, s23, s16, $0xb8;
	[tilespmem:$0x1E400] =	vst v63  }
0xd6: {  	_ =	swait.ge [sflag:s13], $0x2800  }
0xd7: {  	[sflag:s13] =	ssyncset.done $0x0  }
0xd8: {  	[sflag:s13] =	ssyncadd.s32 $0xFFFFD800  }
0xd9: {  	_ =	swait.ge [sflag:s24], $0x2800  }
0xda: {  	[sflag:s24] =	ssyncset.done $0x0  }
0xdb: {  	[sflag:s24] =	ssyncadd.s32 $0xFFFFD800  }
0xdc: {  	[spmem:s3] =	stream.indirect.scatter.add.f32 [tilespmem:s19], [sflag:$0x4], $0x80, s25, s16, $0xb8;
	[tilespmem:$0x1E400] =	vst v63  }
0xdd: {  	_ =	swait.ge [sflag:s13], $0x2800  }
0xde: {  	[sflag:s13] =	ssyncset.done $0x0  }
0xdf: {  	s0 =	rddreg [dreg:$0xe];
	[sflag:s13] =	ssyncadd.s32 $0xFFFFD800  }
0xe0: {  	[tilespmem:s19], [sflag:$0x3] =	stream.linear.gather [hbm4b:s0+s4], $0x2800, $0x38;
	[tilespmem:$0x1E400] =	vst v63  }
0xe1: {  	_ =	swait.ge [sflag:s24], $0x2800  }
0xe2: {  	[sflag:s24] =	ssyncset.done $0x0  }
0xe3: {  	[sflag:s24] =	ssyncadd.s32 $0xFFFFD800  }
0xe4: {  	[bflag:$0x0] =	sbarrier.arrive $0xFFFF  }
0xe5: {  	[tilespmem:s4], [sflag:$0x4] =	stream.linear.gather [hbm4b:s12+s4], $0x80, $0x38;
	[tilespmem:$0x1E400] =	vst v63  }
0xe6: {  	_ =	swait.ge [sflag:s13], $0x80  }
0xe7: {  	[sflag:s13] =	ssyncset.done $0x0  }
0xe8: {  	[sflag:s13] =	ssyncadd.s32 $0xFFFFFF80  }
0xe9: {  	[tilespmem:s7], [sflag:$0x1] =	stream.indirect.gather [spmem:s2], $0x80, s4, s16, $0xb8;
	[tilespmem:$0x1E400] =	vst v63  }
0xea: {  	_ =	swait.ge [sflag:s22], $0x2800  }
0xeb: {  	[sflag:s22] =	ssyncset.done $0x0  }
0xec: {  	s9 =	smov.u32 s12;
	s12 =	rddreg [dreg:$0xf];
	[sflag:s22] =	ssyncadd.s32 $0xFFFFD800  }
0xed: {  	[hbm4b:s12+s4] =	stream.linear.scatter [tilespmem:s7], [sflag:$0x4], $0x2800, $0x38;
	[tilespmem:$0x1E400] =	vst v63  }
0xee: {  	_ =	swait.ge [sflag:s13], $0x2800  }
0xef: {  	[sflag:s13] =	ssyncset.done $0x0  }
0xf0: {  	[sflag:s13] =	ssyncadd.s32 $0xFFFFD800  }
0xf1: {  	[tilespmem:s4], [sflag:$0x4] =	stream.linear.gather [hbm4b:s14+s4], $0x80, $0x38;
	[tilespmem:$0x1E400] =	vst v63  }
0xf2: {  	_ =	swait.ge [sflag:s13], $0x80  }
0xf3: {  	[sflag:s13] =	ssyncset.done $0x0  }
0xf4: {  	[sflag:s13] =	ssyncadd.s32 $0xFFFFFF80  }
0xf5: {  	[tilespmem:s7], [sflag:$0x1] =	stream.indirect.gather [spmem:s2], $0x80, s4, s16, $0xb8;
	[tilespmem:$0x1E400] =	vst v63  }
0xf6: {  	_ =	swait.ge [sflag:s22], $0x2800  }
0xf7: {  	[sflag:s22] =	ssyncset.done $0x0  }
0xf8: {  	s17 =	rddreg [dreg:$0x10];
	[sflag:s22] =	ssyncadd.s32 $0xFFFFD800  }
0xf9: {  	[hbm4b:s17+s4] =	stream.linear.scatter [tilespmem:s7], [sflag:$0x4], $0x2800, $0x38;
	[tilespmem:$0x1E400] =	vst v63  }
0xfa: {  	_ =	swait.ge [sflag:s13], $0x2800  }
0xfb: {  	[sflag:s13] =	ssyncset.done $0x0  }
0xfc: {  	[sflag:s13] =	ssyncadd.s32 $0xFFFFD800  }
0xfd: {  	[tilespmem:s4], [sflag:$0x4] =	stream.linear.gather [hbm4b:s15+s4], $0x80, $0x38;
	[tilespmem:$0x1E400] =	vst v63  }
0xfe: {  	_ =	swait.ge [sflag:s13], $0x80  }
0xff: {  	[sflag:s13] =	ssyncset.done $0x0  }
0x100: {  	[sflag:s13] =	ssyncadd.s32 $0xFFFFFF80  }
0x101: {  	[tilespmem:s7], [sflag:$0x1] =	stream.indirect.gather [spmem:s2], $0x80, s4, s16, $0xb8;
	[tilespmem:$0x1E400] =	vst v63  }
0x102: {  	_ =	swait.ge [sflag:s22], $0x2800  }
0x103: {  	[sflag:s22] =	ssyncset.done $0x0  }
0x104: {  	s8 =	rddreg [dreg:$0x11];
	[sflag:s22] =	ssyncadd.s32 $0xFFFFD800  }
0x105: {  	[hbm4b:s8+s4] =	stream.linear.scatter [tilespmem:s7], [sflag:$0x4], $0x2800, $0x38;
	[tilespmem:$0x1E400] =	vst v63  }
0x106: {  	_ =	swait.ge [sflag:s13], $0x2800  }
0x107: {  	[sflag:s13] =	ssyncset.done $0x0  }
0x108: {  	[sflag:s13] =	ssyncadd.s32 $0xFFFFD800  }
0x109: {  	[tilespmem:s4], [sflag:$0x4] =	stream.linear.gather [hbm4b:s18+s4], $0x80, $0x38;
	[tilespmem:$0x1E400] =	vst v63  }
0x10a: {  	_ =	swait.ge [sflag:s13], $0x80  }
0x10b: {  	[sflag:s13] =	ssyncset.done $0x0  }
0x10c: {  	[sflag:s13] =	ssyncadd.s32 $0xFFFFFF80  }
0x10d: {  	[tilespmem:s7], [sflag:$0x1] =	stream.indirect.gather [spmem:s2], $0x80, s4, s16, $0xb8;
	[tilespmem:$0x1E400] =	vst v63  }
0x10e: {  	_ =	swait.ge [sflag:s22], $0x2800  }
0x10f: {  	[sflag:s22] =	ssyncset.done $0x0  }
0x110: {  	s12 =	rddreg [dreg:$0x12];
	[sflag:s22] =	ssyncadd.s32 $0xFFFFD800  }
0x111: {  	[hbm4b:s12+s4] =	stream.linear.scatter [tilespmem:s7], [sflag:$0x4], $0x2800, $0x38;
	[tilespmem:$0x1E400] =	vst v63  }
0x112: {  	_ =	swait.ge [sflag:s13], $0x2800  }
0x113: {  	[sflag:s13] =	ssyncset.done $0x0  }
0x114: {  	[sflag:s13] =	ssyncadd.s32 $0xFFFFD800  }
0x115: {  	[tilespmem:s4], [sflag:$0x4] =	stream.linear.gather [hbm4b:s5+s4], $0x80, $0x38;
	[tilespmem:$0x1E400] =	vst v63  }
0x116: {  	_ =	swait.ge [sflag:s13], $0x80  }
0x117: {  	[sflag:s13] =	ssyncset.done $0x0  }
0x118: {  	[sflag:s13] =	ssyncadd.s32 $0xFFFFFF80  }
0x119: {  	[tilespmem:s7], [sflag:$0x1] =	stream.indirect.gather [spmem:s2], $0x80, s4, s16, $0xb8;
	[tilespmem:$0x1E400] =	vst v63  }
0x11a: {  	_ =	swait.ge [sflag:s22], $0x2800  }
0x11b: {  	[sflag:s22] =	ssyncset.done $0x0  }
0x11c: {  	s10 =	smov.u32 s14;
	s14 =	rddreg [dreg:$0x13];
	[sflag:s22] =	ssyncadd.s32 $0xFFFFD800  }
0x11d: {  	[hbm4b:s14+s4] =	stream.linear.scatter [tilespmem:s7], [sflag:$0x4], $0x2800, $0x38;
	[tilespmem:$0x1E400] =	vst v63  }
0x11e: {  	_ =	swait.ge [sflag:s13], $0x2800  }
0x11f: {  	[sflag:s13] =	ssyncset.done $0x0  }
0x120: {  	s14 =	rddreg [dreg:$0x8];
	[sflag:s13] =	ssyncadd.s32 $0xFFFFD800  }
0x121: {  	[tilespmem:s4], [sflag:$0x4] =	stream.linear.gather [hbm4b:s14+s4], $0x80, $0x38;
	[tilespmem:$0x1E400] =	vst v63  }
0x122: {  	_ =	swait.ge [sflag:s13], $0x80  }
0x123: {  	[sflag:s13] =	ssyncset.done $0x0  }
0x124: {  	[sflag:s13] =	ssyncadd.s32 $0xFFFFFF80  }
0x125: {  	[tilespmem:s7], [sflag:$0x1] =	stream.indirect.gather [spmem:s2], $0x80, s4, s16, $0xb8;
	[tilespmem:$0x1E400] =	vst v63  }
0x126: {  	_ =	swait.ge [sflag:s22], $0x2800  }
0x127: {  	[sflag:s22] =	ssyncset.done $0x0  }
0x128: {  	s11 =	smov.u32 s15;
	s15 =	rddreg [dreg:$0x14];
	[sflag:s22] =	ssyncadd.s32 $0xFFFFD800  }
0x129: {  	[hbm4b:s15+s4] =	stream.linear.scatter [tilespmem:s7], [sflag:$0x4], $0x2800, $0x38;
	[tilespmem:$0x1E400] =	vst v63  }
0x12a: {  	_ =	swait.ge [sflag:s13], $0x2800  }
0x12b: {  	[sflag:s13] =	ssyncset.done $0x0  }
0x12c: {  	s15 =	rddreg [dreg:$0x9];
	[sflag:s13] =	ssyncadd.s32 $0xFFFFD800  }
0x12d: {  	[tilespmem:s4], [sflag:$0x4] =	stream.linear.gather [hbm4b:s15+s4], $0x80, $0x38;
	[tilespmem:$0x1E400] =	vst v63  }
0x12e: {  	_ =	swait.ge [sflag:s13], $0x80  }
0x12f: {  	[sflag:s13] =	ssyncset.done $0x0  }
0x130: {  	[sflag:s13] =	ssyncadd.s32 $0xFFFFFF80  }
0x131: {  	[tilespmem:s7], [sflag:$0x1] =	stream.indirect.gather [spmem:s2], $0x80, s4, s16, $0xb8;
	[tilespmem:$0x1E400] =	vst v63  }
0x132: {  	_ =	swait.ge [sflag:s22], $0x2800  }
0x133: {  	[sflag:s22] =	ssyncset.done $0x0  }
0x134: {  	s17 =	smov.u32 s18;
	s18 =	rddreg [dreg:$0x15];
	[sflag:s22] =	ssyncadd.s32 $0xFFFFD800  }
0x135: {  	[hbm4b:s18+s4] =	stream.linear.scatter [tilespmem:s7], [sflag:$0x4], $0x2800, $0x38;
	[tilespmem:$0x1E400] =	vst v63  }
0x136: {  	_ =	swait.ge [sflag:s13], $0x2800  }
0x137: {  	[sflag:s13] =	ssyncset.done $0x0  }
0x138: {  	s18 =	rddreg [dreg:$0xb];
	[sflag:s13] =	ssyncadd.s32 $0xFFFFD800  }
0x139: {  	[tilespmem:s4], [sflag:$0x4] =	stream.linear.gather [hbm4b:s18+s4], $0x80, $0x38;
	[tilespmem:$0x1E400] =	vst v63  }
0x13a: {  	_ =	swait.ge [sflag:s13], $0x80  }
0x13b: {  	[sflag:s13] =	ssyncset.done $0x0  }
0x13c: {  	[sflag:s13] =	ssyncadd.s32 $0xFFFFFF80  }
0x13d: {  	[tilespmem:s7], [sflag:$0x1] =	stream.indirect.gather [spmem:s2], $0x80, s4, s16, $0xb8;
	[tilespmem:$0x1E400] =	vst v63  }
0x13e: {  	_ =	swait.ge [sflag:s22], $0x2800  }
0x13f: {  	[sflag:s22] =	ssyncset.done $0x0  }
0x140: {  	s12 =	smov.u32 s5;
	s5 =	rddreg [dreg:$0x16];
	[sflag:s22] =	ssyncadd.s32 $0xFFFFD800  }
0x141: {  	[hbm4b:s5+s4] =	stream.linear.scatter [tilespmem:s7], [sflag:$0x4], $0x2800, $0x38;
	[tilespmem:$0x1E400] =	vst v63  }
0x142: {  	_ =	swait.ge [sflag:s13], $0x2800  }
0x143: {  	[sflag:s13] =	ssyncset.done $0x0  }
0x144: {  	s0 =	rddreg [dreg:$0xc];
	[sflag:s13] =	ssyncadd.s32 $0xFFFFD800  }
0x145: {  	[tilespmem:s4], [sflag:$0x4] =	stream.linear.gather [hbm4b:s0+s4], $0x80, $0x38;
	[tilespmem:$0x1E400] =	vst v63  }
0x146: {  	_ =	swait.ge [sflag:s13], $0x80  }
0x147: {  	[sflag:s13] =	ssyncset.done $0x0  }
0x148: {  	[sflag:s13] =	ssyncadd.s32 $0xFFFFFF80  }
0x149: {  	[tilespmem:s7], [sflag:$0x1] =	stream.indirect.gather [spmem:s3], $0x80, s4, s16, $0xb8;
	[tilespmem:$0x1E400] =	vst v63  }
0x14a: {  	_ =	swait.ge [sflag:s22], $0x2800  }
0x14b: {  	[sflag:s22] =	ssyncset.done $0x0  }
0x14c: {  	s8 =	rddreg [dreg:$0x7];
	[sflag:s22] =	ssyncadd.s32 $0xFFFFD800  }
0x14d: {  	[hbm4b:s8+s4] =	stream.linear.scatter [tilespmem:s7], [sflag:$0x4], $0x2800, $0x38;
	[tilespmem:$0x1E400] =	vst v63  }
0x14e: {  	_ =	swait.ge [sflag:s13], $0x2800  }
0x14f: {  	s30 =	sadd.s32 $0x1, s30;
	s8 =	rddreg [dreg:$0x17]  }
0x150: {  	p0 =	sne.s32 s30, s8  }
.Ltmp1:
0x151: {  	_ = 	snop;
	(pc) =	sbr.rel @p0 .LBB2_1-.Ltmp1, $3  }
0x152: {  	_ =	sdelay $0x1  }
0x153: {  	[sflag:s13] =	ssyncset.done $0x0  }
0x154: {  	[sflag:s13] =	ssyncadd.s32 $0xFFFFD800  }
0x155: {  	_ =	sfence.sel $0x180000  }
0x156: {  	[bflag:$0x0] =	sbarrier.arrive $0xFFFF  }
0x157: {  	_ =	strace $0x90000047  }
0x158: {  	s0 =	stileid.u32;
	[bflag:$0x2] =	sbarrier.arrive $0xFFFF  }
0x159: {  	p0 =	sne.s32 s0, $0x0;
	s0 =	rddreg [dreg:$0x5]  }
0x15a: {  	s0 =	sadd.s32 @!p0 $0x100000, s0  }
0x15b: {  	[sflag:s0] =	ssyncadd.tile.s32 @!p0 $0x1;
	_ =	shalt  }
.Lfunc_end2:
_tile_overlayer_lowered:
.L_overlay_start_2:
0x15c: {  	(tag) =	ssettag $0x2  }
0x15d: {  	s0 =	rddreg [dreg:$0x0];
	s2 =	stileid.u32  }
0x15e: {  	s1 =	rddreg [dreg:$0x1];
	p0 =	sne.s32 s2, $0x0  }
0x15f: {  	s3 =	rddreg [dreg:$0x2];
	[bflag:$0x3] =	sbarrier.arrive $0xFFFF;
	s2 =	simm.s32 @!p0 $0x1C04  }
0x160: {  	[timem:s3], [sflag:s2] =	dma.local @!p0 [hbm:s0], s1  }
0x161: {  	s0 =	simm.s32 @!p0 $0x4  }
0x162: {  	_ =	swait.ge @!p0 [sflag:s0], s1  }
0x163: {  	s1 =	ssub.s32 @!p0 $0x0, s1;
	[sflag:s0] =	ssyncset.done @!p0 $0x0  }
0x164: {  	[sflag:s0] =	ssyncadd.s32 @!p0 s1  }
0x165: {  	[bflag:$0x3] =	sbarrier.arrive $0xFFFF  }
0x166: {  	_ =	shalt  }

</sc_bundles>
